<compile_context>
chip_gen: v7x
topology: tpu7x:2x2x1
jax: 0.10.2.dev20260603
libtpu: 0.0.44.dev20260713+nightly
codegen_flags: <defaults>
</compile_context>

<pallas_src>
import functools

import jax
import jax.numpy as jnp
from jax import lax
from jax.experimental import pallas as pl
from jax.experimental.pallas import tpu as pltpu
from jax.experimental.pallas import tpu_sc as plsc

N_SRC = 10000
N_DST = 2048
E = 320000
D = 128

NC = 2
NS = 16
NW = NC * NS

B_PAD = 10240
GPW = B_PAD // NW
GK = 80

EPW = E // NW
EK = 80
NCH = EPW // EK
AGR = N_DST

HTOT = 12288
DOFF = B_PAD
SW = HTOT // NS

_mesh = plsc.VectorSubcoreMesh(core_axis_name="c", subcore_axis_name="s")


def _wid():
    return lax.axis_index("s") * NC + lax.axis_index("c")


@functools.partial(
    pl.kernel,
    out_type=[jax.ShapeDtypeStruct((B_PAD, D), jnp.float32),
              jax.ShapeDtypeStruct((HTOT,), jnp.float32),
              jax.ShapeDtypeStruct((HTOT,), jnp.float32)],
    mesh=_mesh,
    scratch_types=[
        pltpu.VMEM((GPW,), jnp.int32),
        [pltpu.VMEM((GK, D), jnp.float32) for _ in range(GPW // GK)],
        [pltpu.SemaphoreType.DMA for _ in range(GPW // GK)],
        pltpu.VMEM((EPW,), jnp.int32),
        pltpu.VMEM((EPW,), jnp.int32),
        pltpu.SemaphoreType.DMA,
        pltpu.SemaphoreType.DMA,
        pltpu.VMEM((HTOT,), jnp.float32),
        pltpu.VMEM((SW,), jnp.float32),
        pltpu.VMEM((NS, SW), jnp.float32),
        pltpu.VMEM_SHARED((NS, HTOT), jnp.float32),
    ],
    compiler_params=pltpu.CompilerParams(needs_layout_passes=False),
)
def _gather_hist(x_hbm, nid_hbm, esrc_hbm, edst_hbm,
                 out_hbm, out0_hbm, out1_hbm,
                 gidx_v, rows_bufs, gsems, sidx_v, didx_v, esem0, esem1,
                 hist_v, acc_v, tbuf_v, hist_sh):
    cid = lax.axis_index("c")
    sid = lax.axis_index("s")
    wid = _wid()
    zeros16 = jnp.zeros((16,), jnp.float32)
    ones16 = jnp.ones((16,), jnp.float32)
    nchunk = GPW // GK
    base = wid * GPW

    for j in range(nchunk):

        @pl.when(base + (j + 1) * GK <= N_SRC)
        def _():
            pltpu.sync_copy(nid_hbm.at[pl.ds(base + j * GK, GK)],
                            gidx_v.at[pl.ds(j * GK, GK)])

    for j in range(nchunk):

        @pl.when(base + (j + 1) * GK <= N_SRC)
        def _():
            pltpu.async_copy(x_hbm.at[gidx_v.at[pl.ds(j * GK, GK)]],
                             rows_bufs[j], gsems[j])
    ed0 = pltpu.async_copy(esrc_hbm.at[pl.ds(wid * EPW, EPW)], sidx_v, esem0)
    ed1 = pltpu.async_copy(edst_hbm.at[pl.ds(wid * EPW, EPW)], didx_v, esem1)

    def zero_body(j, carry):
        hist_v[pl.ds(pl.multiple_of(j * 16, 16), 16)] = zeros16
        return carry

    lax.fori_loop(0, HTOT // 16, zero_body, None)

    for j in range(nchunk):

        @pl.when(base + (j + 1) * GK <= N_SRC)
        def _():
            pltpu.make_async_copy(x_hbm.at[gidx_v.at[pl.ds(j * GK, GK)]],
                                  rows_bufs[j], gsems[j]).wait()
            pltpu.sync_copy(rows_bufs[j],
                            out_hbm.at[pl.ds(base + j * GK, GK)])
    ed0.wait()
    ed1.wait()

    def scat_body(i, carry):
        sl = pl.ds(pl.multiple_of(i * 16, 16), 16)
        plsc.addupdate_scatter(hist_v, [sidx_v[sl]], ones16)
        plsc.addupdate_scatter(hist_v, [didx_v[sl] + DOFF], ones16)
        return carry

    lax.fori_loop(0, EPW // 16, scat_body, None)

    pltpu.sync_copy(hist_v, hist_sh.at[sid])
    plsc.subcore_barrier()
    pltpu.sync_copy(hist_sh.at[:, pl.ds(sid * SW, SW)], tbuf_v)

    def red_body(j, carry):
        sl = pl.ds(pl.multiple_of(j * 16, 16), 16)
        a = tbuf_v[0, sl]
        for t in range(1, NS):
            a = a + tbuf_v[t, sl]
        acc_v[sl] = a
        return carry

    lax.fori_loop(0, SW // 16, red_body, None)

    @pl.when(cid == 0)
    def _():
        pltpu.sync_copy(acc_v, out0_hbm.at[pl.ds(sid * SW, SW)])

    @pl.when(cid == 1)
    def _():
        pltpu.sync_copy(acc_v, out1_hbm.at[pl.ds(sid * SW, SW)])


def _matmul_body(x_ref, w_ref, d0_ref, d1_ref, o_ref):
    deg = d0_ref[...] + d1_ref[...]
    f = lax.rsqrt(jnp.maximum(deg, 1.0))
    h = jnp.dot(x_ref[...], w_ref[...], preferred_element_type=jnp.float32)
    o_ref[...] = h * f


def _matmul(x_g, W, ds0, ds1):
    blk = 1024
    grid = B_PAD // blk
    return pl.pallas_call(
        _matmul_body,
        grid=(grid,),
        in_specs=[
            pl.BlockSpec((blk, D), lambda i: (i, 0)),
            pl.BlockSpec((D, D), lambda i: (0, 0)),
            pl.BlockSpec((blk, 1), lambda i: (i, 0)),
            pl.BlockSpec((blk, 1), lambda i: (i, 0)),
        ],
        out_specs=pl.BlockSpec((blk, D), lambda i: (i, 0)),
        out_shape=jax.ShapeDtypeStruct((B_PAD, D), jnp.float32),
    )(x_g, W, ds0, ds1)


@functools.partial(
    pl.kernel,
    out_type=jax.ShapeDtypeStruct((NC, N_DST, D), jnp.float32),
    mesh=_mesh,
    scratch_types=[
        pltpu.VMEM((EPW,), jnp.int32),
        pltpu.VMEM((EPW,), jnp.int32),
        [pltpu.VMEM((EK, D), jnp.float32) for _ in range(6)],
        [pltpu.VMEM((EK,), jnp.int32) for _ in range(6)],
        [pltpu.SemaphoreType.DMA for _ in range(6)],
        [pltpu.SemaphoreType.DMA for _ in range(6)],
        pltpu.SemaphoreType.DMA,
        pltpu.SemaphoreType.DMA,
        pltpu.VMEM((AGR // NS, D), jnp.float32),
        pltpu.VMEM_SHARED((AGR, D), jnp.float32),
    ],
    compiler_params=pltpu.CompilerParams(needs_layout_passes=False),
)
def _aggregate(h_hbm, esrc_hbm, edst_hbm, out_hbm,
               sidx_v, didx_v, rows_bufs, didx_bufs, gsems, ssems,
               isem0, isem1, zrow_v, agg_sh):
    cid = lax.axis_index("c")
    sid = lax.axis_index("s")
    wid = _wid()
    rpt = AGR // NS
    ept = N_DST // NS

    id0 = pltpu.async_copy(esrc_hbm.at[pl.ds(wid * EPW, EPW)], sidx_v, isem0)
    id1 = pltpu.async_copy(edst_hbm.at[pl.ds(wid * EPW, EPW)], didx_v, isem1)

    zeros16 = jnp.zeros((16,), jnp.float32)

    def zrow_body2(i, carry):
        for k in range(D // 16):
            zrow_v[i, pl.ds(k * 16, 16)] = zeros16
        return carry

    lax.fori_loop(0, rpt, zrow_body2, None)
    pltpu.sync_copy(zrow_v, agg_sh.at[pl.ds(sid * rpt, rpt), :])
    id0.wait()
    id1.wait()
    plsc.subcore_barrier()

    def fire_gather(j, b):
        sl = pl.ds(pl.multiple_of(j * EK, 16), EK)
        return pltpu.async_copy(h_hbm.at[sidx_v.at[sl]], rows_bufs[b],
                                gsems[b])

    def wait_gather(j, b):
        sl = pl.ds(pl.multiple_of(j * EK, 16), EK)
        pltpu.make_async_copy(h_hbm.at[sidx_v.at[sl]], rows_bufs[b],
                              gsems[b]).wait()

    def load_didx(j, b):
        for k in range(EK // 16):
            off = pl.multiple_of(j * EK + k * 16, 16)
            didx_bufs[b][pl.ds(k * 16, 16)] = didx_v[pl.ds(off, 16)]

    def fire_scatter(j, b):
        return pltpu.async_copy(rows_bufs[b], agg_sh.at[didx_bufs[b]],
                                ssems[b], add=True)

    def wait_scatter(j, b):
        pltpu.make_async_copy(rows_bufs[b], agg_sh.at[didx_bufs[b]],
                              ssems[b]).wait()

    for b in range(3):
        fire_gather(b, b)

    NB = 20

    def body(g, carry):
        j0 = 6 * g
        for b in range(3):
            fire_gather(j0 + 3 + b, 3 + b)
        for b in range(3):
            load_didx(j0 + b, b)
            wait_gather(j0 + b, b)
            fire_scatter(j0 + b, b)
        for b in range(3):
            load_didx(j0 + 3 + b, 3 + b)
            wait_scatter(j0 + b, b)
            fire_gather(j0 + 6 + b, b)
        for b in range(3):
            wait_gather(j0 + 3 + b, 3 + b)
            fire_scatter(j0 + 3 + b, 3 + b)
        for b in range(3):
            wait_scatter(j0 + 3 + b, 3 + b)
        return carry

    lax.fori_loop(0, NB, body, None)
    j0 = 6 * NB
    fire_gather(j0 + 3, 3)
    fire_gather(j0 + 4, 4)
    for b in range(3):
        load_didx(j0 + b, b)
        wait_gather(j0 + b, b)
        fire_scatter(j0 + b, b)
    for b in range(2):
        load_didx(j0 + 3 + b, 3 + b)
        wait_gather(j0 + 3 + b, 3 + b)
        fire_scatter(j0 + 3 + b, 3 + b)
    for b in range(5):
        wait_scatter(j0 + b, b)

    plsc.subcore_barrier()
    pltpu.sync_copy(agg_sh.at[pl.ds(sid * ept, ept), :],
                    out_hbm.at[cid, pl.ds(sid * ept, ept), :])


def _final_body(p0_ref, p1_ref, d0_ref, d1_ref, b_ref, o_ref):
    g = lax.rsqrt(jnp.maximum(d0_ref[...] + d1_ref[...], 1.0))
    a = (p0_ref[0] + p1_ref[0]) * g + b_ref[...]
    o_ref[...] = jnp.where(a > 0, a, jnp.exp(jnp.minimum(a, 0.0)) - 1.0)


def _finalize(parts, h0v, h1v, b2):
    return pl.pallas_call(
        _final_body,
        grid=(1,),
        in_specs=[
            pl.BlockSpec((1, N_DST, D), lambda i: (0, 0, 0)),
            pl.BlockSpec((1, N_DST, D), lambda i: (1, 0, 0)),
            pl.BlockSpec((N_DST, 1), lambda i: (DOFF // N_DST, 0)),
            pl.BlockSpec((N_DST, 1), lambda i: (DOFF // N_DST, 0)),
            pl.BlockSpec((1, D), lambda i: (0, 0)),
        ],
        out_specs=pl.BlockSpec((N_DST, D), lambda i: (0, 0)),
        out_shape=jax.ShapeDtypeStruct((N_DST, D), jnp.float32),
    )(parts, parts, h0v, h1v, b2)


def kernel(x, n_id, res_n_id, edge_src, edge_dst, W, b):
    del res_n_id
    x_g, hist0, hist1 = _gather_hist(x, n_id, edge_src, edge_dst)

    h0v = hist0.reshape(HTOT, 1)
    h1v = hist1.reshape(HTOT, 1)
    h = _matmul(x_g, W, h0v, h1v)

    parts = _aggregate(h, edge_src, edge_dst)

    return _finalize(parts, h0v, h1v, b.reshape(1, D))

# --- scband reference (transcript-rebuilt; emitter-appended) ---
"""Pipeline reference for scband-gatin-17755394802273 (READ-ONLY COPY).

The authoritative reference and input builder live on the scoring server;
editing this copy changes nothing except your own understanding.
"""

import jax, jax.numpy as jnp
import numpy as np

N_NODES = 10000
N_SRC = 10000
N_DST = 2048
E = 320000
D_IN = 128
D_OUT = 128


def setup_inputs(seed: int = 0) -> dict:
    key = jax.random.key(seed)
    k1, k2, k3, k4, k5, k6, k7 = jax.random.split(key, 7)
    x = jax.random.normal(k1, (N_NODES, D_IN), dtype=jnp.float32)
    n_id = jax.random.randint(k2, (N_SRC,), 0, N_NODES, dtype=jnp.int32)
    res_n_id = jax.random.randint(k3, (N_DST,), 0, N_SRC, dtype=jnp.int32)
    edge_src = jax.random.randint(k4, (E,), 0, N_SRC, dtype=jnp.int32)
    edge_dst = jax.random.randint(k5, (E,), 0, N_DST, dtype=jnp.int32)
    # learned parameters of the GCN-style conv (in_channels=128, out_channels=128)
    W = jax.random.normal(k6, (D_IN, D_OUT), dtype=jnp.float32) * (1.0 / np.sqrt(D_IN))
    b = jax.random.normal(k7, (D_OUT,), dtype=jnp.float32) * 0.01
    return {"x": x, "n_id": n_id, "res_n_id": res_n_id, "edge_src": edge_src, "edge_dst": edge_dst, "W": W, "b": b}


def reference(x, n_id, res_n_id, edge_src, edge_dst, W, b):
    # GATin.forward:
    #   block = data_flow[0]
    #   x = x[block.n_id]                               (gather sampled sources)
    #   x = elu(conv((x, x[block.res_n_id]), block.edge_index, size=block.size))
    #   x = dropout(x, p=0.6, training=self.training)   (eval mode -> identity)
    x_g = jnp.take(x, n_id, axis=0)            # [N_SRC, D_IN]
    x_dst = jnp.take(x_g, res_n_id, axis=0)    # [N_DST, D_IN] (bipartite dst side)
    # GCN-style bipartite conv: linear transform, degree-normalized scatter-add
    h = x_g @ W                                # [N_SRC, D_OUT]
    ones = jnp.ones((E,), dtype=jnp.float32)
    deg_src = jax.ops.segment_sum(ones, edge_src, num_segments=N_SRC)
    deg_dst = jax.ops.segment_sum(ones, edge_dst, num_segments=N_DST)
    norm = jax.lax.rsqrt(jnp.maximum(deg_src[edge_src] * deg_dst[edge_dst], 1.0))  # [E]
    msg = jnp.take(h, edge_src, axis=0) * norm[:, None]   # gather + scale
    agg = jax.ops.segment_sum(msg, edge_dst, num_segments=N_DST)  # scatter-add to dst
    out = jax.nn.elu(agg + b)                  # [N_DST, D_OUT]
    # dropout p=0.6 with training=False is identity
    return out


if False:  # reference __main__ guard neutralized (emitter)
    inp = setup_inputs()
    out = reference(**inp)
    print(out.shape, out.dtype)

if __name__ == "__main__":
    import jax
    _d = setup_inputs()
    print(jax.jit(kernel)(*tuple(_d.values())))

</pallas_src>

<mosaic_0001>
#map = affine_map<(d0, d1) -> (0, 0)>
#map1 = affine_map<(d0, d1) -> (0)>
#map2 = affine_map<(d0, d1) -> (0, 0, 0)>
module attributes {stable_mosaic.version = 14 : i64} {
  func.func @_aggregate(%arg0: i32, %arg1: i32, %arg2: memref<10240x128xf32, #tpu.memory_space<hbm>>, %arg3: memref<320000xi32, #tpu.memory_space<hbm>>, %arg4: memref<320000xi32, #tpu.memory_space<hbm>>, %arg5: memref<2x2048x128xf32, #tpu.memory_space<hbm>>, %arg6: memref<10000xi32, #tpu.memory_space<vmem>>, %arg7: memref<10000xi32, #tpu.memory_space<vmem>>, %arg8: memref<80x128xf32, #tpu.memory_space<vmem>>, %arg9: memref<80x128xf32, #tpu.memory_space<vmem>>, %arg10: memref<80x128xf32, #tpu.memory_space<vmem>>, %arg11: memref<80x128xf32, #tpu.memory_space<vmem>>, %arg12: memref<80x128xf32, #tpu.memory_space<vmem>>, %arg13: memref<80x128xf32, #tpu.memory_space<vmem>>, %arg14: memref<80xi32, #tpu.memory_space<vmem>>, %arg15: memref<80xi32, #tpu.memory_space<vmem>>, %arg16: memref<80xi32, #tpu.memory_space<vmem>>, %arg17: memref<80xi32, #tpu.memory_space<vmem>>, %arg18: memref<80xi32, #tpu.memory_space<vmem>>, %arg19: memref<80xi32, #tpu.memory_space<vmem>>, %arg20: memref<!tpu.dma_semaphore, #tpu.memory_space<semaphore_mem>>, %arg21: memref<!tpu.dma_semaphore, #tpu.memory_space<semaphore_mem>>, %arg22: memref<!tpu.dma_semaphore, #tpu.memory_space<semaphore_mem>>, %arg23: memref<!tpu.dma_semaphore, #tpu.memory_space<semaphore_mem>>, %arg24: memref<!tpu.dma_semaphore, #tpu.memory_space<semaphore_mem>>, %arg25: memref<!tpu.dma_semaphore, #tpu.memory_space<semaphore_mem>>, %arg26: memref<!tpu.dma_semaphore, #tpu.memory_space<semaphore_mem>>, %arg27: memref<!tpu.dma_semaphore, #tpu.memory_space<semaphore_mem>>, %arg28: memref<!tpu.dma_semaphore, #tpu.memory_space<semaphore_mem>>, %arg29: memref<!tpu.dma_semaphore, #tpu.memory_space<semaphore_mem>>, %arg30: memref<!tpu.dma_semaphore, #tpu.memory_space<semaphore_mem>>, %arg31: memref<!tpu.dma_semaphore, #tpu.memory_space<semaphore_mem>>, %arg32: memref<!tpu.dma_semaphore, #tpu.memory_space<semaphore_mem>>, %arg33: memref<!tpu.dma_semaphore, #tpu.memory_space<semaphore_mem>>, %arg34: memref<128x128xf32, #tpu.memory_space<vmem>>, %arg35: memref<2048x128xf32, #tpu.memory_space<vmem_shared>>) attributes {dimension_semantics = [#tpu.dimension_semantics<core_parallel>, #tpu.dimension_semantics<subcore_parallel>], iteration_bounds = array<i64: 2, 16>, scalar_prefetch = 0 : i64, scratch_operands = 30 : i64, tpu.core_type = #tpu.core_type<sc_vector_subcore>, window_params = [{transform_indices = #map}, {transform_indices = #map1}, {transform_indices = #map1}, {transform_indices = #map2}]} {
    %mul3A = arith.constant 2 : i32
    %mul3A_0 = arith.muli %arg1, %mul3A : i32
    %add3A = arith.addi %mul3A_0, %arg0 : i32
    %mul3A_1 = arith.constant 10000 : i32
    %mul3A_2 = arith.muli %add3A, %mul3A_1 : i32
    %dma_start3A = tpu.memref_slice %arg3[%mul3A_2] : memref<320000xi32, #tpu.memory_space<hbm>> -> memref<10000xi32, #tpu.memory_space<hbm>>
    %dma_start3A_3 = tpu.memref_slice %arg3[%mul3A_2] : memref<320000xi32, #tpu.memory_space<hbm>> -> memref<10000xi32, #tpu.memory_space<hbm>>
    tpu.enqueue_dma source(%dma_start3A_3 : memref<10000xi32, #tpu.memory_space<hbm>>) target(%arg6 : memref<10000xi32, #tpu.memory_space<vmem>>) target_semaphore(%arg32 : memref<!tpu.dma_semaphore, #tpu.memory_space<semaphore_mem>>)
    %mul3A_4 = arith.constant 10000 : i32
    %mul3A_5 = arith.muli %add3A, %mul3A_4 : i32
    %dma_start3A_6 = tpu.memref_slice %arg4[%mul3A_5] : memref<320000xi32, #tpu.memory_space<hbm>> -> memref<10000xi32, #tpu.memory_space<hbm>>
    %dma_start3A_7 = tpu.memref_slice %arg4[%mul3A_5] : memref<320000xi32, #tpu.memory_space<hbm>> -> memref<10000xi32, #tpu.memory_space<hbm>>
    tpu.enqueue_dma source(%dma_start3A_7 : memref<10000xi32, #tpu.memory_space<hbm>>) target(%arg7 : memref<10000xi32, #tpu.memory_space<vmem>>) target_semaphore(%arg33 : memref<!tpu.dma_semaphore, #tpu.memory_space<semaphore_mem>>)
    %broadcast_in_dim3A = arith.constant 0.000000e+00 : f32
    %broadcast_in_dim3A_8 = vector.broadcast %broadcast_in_dim3A : f32 to vector<16xf32>
    %scan3A = arith.constant 0 : i32
    %scan3A_9 = arith.constant 128 : i32
    %scan3A_10 = arith.addi %scan3A, %scan3A_9 : i32
    %scan3A_11 = arith.constant 1 : i32
    scf.for %scan3A_265 = %scan3A to %scan3A_10 step %scan3A_11  : i32 {
      %swap3A_266 = arith.index_cast %scan3A_265 : i32 to index
      %swap3A_267 = arith.constant 0 : index
      %swap3A_268 = tpu.vector_load %arg34[%swap3A_266, %swap3A_267] {strides = array<i32>} : memref<128x128xf32, #tpu.memory_space<vmem>>, vector<16xf32>,
      tpu.vector_store %arg34[%swap3A_266, %swap3A_267], %broadcast_in_dim3A_8 {strides = array<i32>} : memref<128x128xf32, #tpu.memory_space<vmem>>, vector<16xf32>,
      %swap3A_269 = arith.index_cast %scan3A_265 : i32 to index
      %swap3A_270 = arith.constant 16 : index
      %swap3A_271 = tpu.vector_load %arg34[%swap3A_269, %swap3A_270] {strides = array<i32>} : memref<128x128xf32, #tpu.memory_space<vmem>>, vector<16xf32>,
      tpu.vector_store %arg34[%swap3A_269, %swap3A_270], %broadcast_in_dim3A_8 {strides = array<i32>} : memref<128x128xf32, #tpu.memory_space<vmem>>, vector<16xf32>,
      %swap3A_272 = arith.index_cast %scan3A_265 : i32 to index
      %swap3A_273 = arith.constant 32 : index
      %swap3A_274 = tpu.vector_load %arg34[%swap3A_272, %swap3A_273] {strides = array<i32>} : memref<128x128xf32, #tpu.memory_space<vmem>>, vector<16xf32>,
      tpu.vector_store %arg34[%swap3A_272, %swap3A_273], %broadcast_in_dim3A_8 {strides = array<i32>} : memref<128x128xf32, #tpu.memory_space<vmem>>, vector<16xf32>,
      %swap3A_275 = arith.index_cast %scan3A_265 : i32 to index
      %swap3A_276 = arith.constant 48 : index
      %swap3A_277 = tpu.vector_load %arg34[%swap3A_275, %swap3A_276] {strides = array<i32>} : memref<128x128xf32, #tpu.memory_space<vmem>>, vector<16xf32>,
      tpu.vector_store %arg34[%swap3A_275, %swap3A_276], %broadcast_in_dim3A_8 {strides = array<i32>} : memref<128x128xf32, #tpu.memory_space<vmem>>, vector<16xf32>,
      %swap3A_278 = arith.index_cast %scan3A_265 : i32 to index
      %swap3A_279 = arith.constant 64 : index
      %swap3A_280 = tpu.vector_load %arg34[%swap3A_278, %swap3A_279] {strides = array<i32>} : memref<128x128xf32, #tpu.memory_space<vmem>>, vector<16xf32>,
      tpu.vector_store %arg34[%swap3A_278, %swap3A_279], %broadcast_in_dim3A_8 {strides = array<i32>} : memref<128x128xf32, #tpu.memory_space<vmem>>, vector<16xf32>,
      %swap3A_281 = arith.index_cast %scan3A_265 : i32 to index
      %swap3A_282 = arith.constant 80 : index
      %swap3A_283 = tpu.vector_load %arg34[%swap3A_281, %swap3A_282] {strides = array<i32>} : memref<128x128xf32, #tpu.memory_space<vmem>>, vector<16xf32>,
      tpu.vector_store %arg34[%swap3A_281, %swap3A_282], %broadcast_in_dim3A_8 {strides = array<i32>} : memref<128x128xf32, #tpu.memory_space<vmem>>, vector<16xf32>,
      %swap3A_284 = arith.index_cast %scan3A_265 : i32 to index
      %swap3A_285 = arith.constant 96 : index
      %swap3A_286 = tpu.vector_load %arg34[%swap3A_284, %swap3A_285] {strides = array<i32>} : memref<128x128xf32, #tpu.memory_space<vmem>>, vector<16xf32>,
      tpu.vector_store %arg34[%swap3A_284, %swap3A_285], %broadcast_in_dim3A_8 {strides = array<i32>} : memref<128x128xf32, #tpu.memory_space<vmem>>, vector<16xf32>,
      %swap3A_287 = arith.index_cast %scan3A_265 : i32 to index
      %swap3A_288 = arith.constant 112 : index
      %swap3A_289 = tpu.vector_load %arg34[%swap3A_287, %swap3A_288] {strides = array<i32>} : memref<128x128xf32, #tpu.memory_space<vmem>>, vector<16xf32>,
      tpu.vector_store %arg34[%swap3A_287, %swap3A_288], %broadcast_in_dim3A_8 {strides = array<i32>} : memref<128x128xf32, #tpu.memory_space<vmem>>, vector<16xf32>,
    }
    %scan3A_12 = arith.constant 128 : i32
    %mul3A_13 = arith.constant 128 : i32
    %mul3A_14 = arith.muli %arg1, %mul3A_13 : i32
    "tpu.region"() ({
      %run_scoped3A = tpu.sem_alloc : memref<!tpu.dma_semaphore, #tpu.memory_space<semaphore_mem>>
      %dma_start3A_265 = arith.constant 0 : i32
      %dma_start3A_266 = tpu.memref_slice %arg35[%mul3A_14, %dma_start3A_265] : memref<2048x128xf32, #tpu.memory_space<vmem_shared>> -> memref<128x128xf32, #tpu.memory_space<vmem_shared>>
      %dma_start3A_267 = arith.constant 0 : i32
      %dma_start3A_268 = tpu.memref_slice %arg35[%mul3A_14, %dma_start3A_267] : memref<2048x128xf32, #tpu.memory_space<vmem_shared>> -> memref<128x128xf32, #tpu.memory_space<vmem_shared>>
      tpu.enqueue_dma source(%arg34 : memref<128x128xf32, #tpu.memory_space<vmem>>) target(%dma_start3A_268 : memref<128x128xf32, #tpu.memory_space<vmem_shared>>) target_semaphore(%run_scoped3A : memref<!tpu.dma_semaphore, #tpu.memory_space<semaphore_mem>>)
      %dma_wait3A_269 = arith.constant 0 : i32
      %dma_wait3A_270 = tpu.memref_slice %arg35[%mul3A_14, %dma_wait3A_269] : memref<2048x128xf32, #tpu.memory_space<vmem_shared>> -> memref<128x128xf32, #tpu.memory_space<vmem_shared>>
      %dma_wait3A_271 = arith.constant 0 : i32
      %dma_wait3A_272 = tpu.memref_slice %arg35[%mul3A_14, %dma_wait3A_271] : memref<2048x128xf32, #tpu.memory_space<vmem_shared>> -> memref<128x128xf32, #tpu.memory_space<vmem_shared>>
      tpu.wait_dma2 semaphore(%run_scoped3A : memref<!tpu.dma_semaphore, #tpu.memory_space<semaphore_mem>>) src(%arg34 : memref<128x128xf32, #tpu.memory_space<vmem>>) dst(%dma_wait3A_272 : memref<128x128xf32, #tpu.memory_space<vmem_shared>>)
      tpu.yield
    }) : () -> ()
    %dma_wait3A = tpu.memref_slice %arg3[%mul3A_2] : memref<320000xi32, #tpu.memory_space<hbm>> -> memref<10000xi32, #tpu.memory_space<hbm>>
    %dma_wait3A_15 = tpu.memref_slice %arg3[%mul3A_2] : memref<320000xi32, #tpu.memory_space<hbm>> -> memref<10000xi32, #tpu.memory_space<hbm>>
    tpu.wait_dma2 semaphore(%arg32 : memref<!tpu.dma_semaphore, #tpu.memory_space<semaphore_mem>>) src(%dma_wait3A_15 : memref<10000xi32, #tpu.memory_space<hbm>>) dst(%arg6 : memref<10000xi32, #tpu.memory_space<vmem>>)
    %dma_wait3A_16 = tpu.memref_slice %arg4[%mul3A_5] : memref<320000xi32, #tpu.memory_space<hbm>> -> memref<10000xi32, #tpu.memory_space<hbm>>
    %dma_wait3A_17 = tpu.memref_slice %arg4[%mul3A_5] : memref<320000xi32, #tpu.memory_space<hbm>> -> memref<10000xi32, #tpu.memory_space<hbm>>
    tpu.wait_dma2 semaphore(%arg33 : memref<!tpu.dma_semaphore, #tpu.memory_space<semaphore_mem>>) src(%dma_wait3A_17 : memref<10000xi32, #tpu.memory_space<hbm>>) dst(%arg7 : memref<10000xi32, #tpu.memory_space<vmem>>)
    %barrier3A = arith.constant 0 : index
    tpu.barrier barrier_id(%barrier3A)
    %multiple_of3A = arith.constant 0 : i32
    %multiple_of3A_18 = tpu.assume_multiple %multiple_of3A, 16 : i32
    %dma_start3A_19 = tpu.memref_slice %arg6[%multiple_of3A_18] : memref<10000xi32, #tpu.memory_space<vmem>> -> memref<80xi32, #tpu.memory_space<vmem>>
    %dma_start3A_20 = arith.constant 0 : i32
    %dma_start3A_21 = arith.constant 0 : i32
    %dma_start3A_22 = tpu.memref_slice %arg2[%dma_start3A_20, %dma_start3A_21] : memref<10240x128xf32, #tpu.memory_space<hbm>> -> memref<10240x128xf32, #tpu.memory_space<hbm>>
    tpu.enqueue_indirect_dma source(%dma_start3A_22 : memref<10240x128xf32, #tpu.memory_space<hbm>>) target(%arg8 : memref<80x128xf32, #tpu.memory_space<vmem>>) offsets(%dma_start3A_19 : memref<80xi32, #tpu.memory_space<vmem>>) semaphore(%arg20 : memref<!tpu.dma_semaphore, #tpu.memory_space<semaphore_mem>>)
    %multiple_of3A_23 = arith.constant 80 : i32
    %multiple_of3A_24 = tpu.assume_multiple %multiple_of3A_23, 16 : i32
    %dma_start3A_25 = tpu.memref_slice %arg6[%multiple_of3A_24] : memref<10000xi32, #tpu.memory_space<vmem>> -> memref<80xi32, #tpu.memory_space<vmem>>
    %dma_start3A_26 = arith.constant 0 : i32
    %dma_start3A_27 = arith.constant 0 : i32
    %dma_start3A_28 = tpu.memref_slice %arg2[%dma_start3A_26, %dma_start3A_27] : memref<10240x128xf32, #tpu.memory_space<hbm>> -> memref<10240x128xf32, #tpu.memory_space<hbm>>
    tpu.enqueue_indirect_dma source(%dma_start3A_28 : memref<10240x128xf32, #tpu.memory_space<hbm>>) target(%arg9 : memref<80x128xf32, #tpu.memory_space<vmem>>) offsets(%dma_start3A_25 : memref<80xi32, #tpu.memory_space<vmem>>) semaphore(%arg21 : memref<!tpu.dma_semaphore, #tpu.memory_space<semaphore_mem>>)
    %multiple_of3A_29 = arith.constant 160 : i32
    %multiple_of3A_30 = tpu.assume_multiple %multiple_of3A_29, 16 : i32
    %dma_start3A_31 = tpu.memref_slice %arg6[%multiple_of3A_30] : memref<10000xi32, #tpu.memory_space<vmem>> -> memref<80xi32, #tpu.memory_space<vmem>>
    %dma_start3A_32 = arith.constant 0 : i32
    %dma_start3A_33 = arith.constant 0 : i32
    %dma_start3A_34 = tpu.memref_slice %arg2[%dma_start3A_32, %dma_start3A_33] : memref<10240x128xf32, #tpu.memory_space<hbm>> -> memref<10240x128xf32, #tpu.memory_space<hbm>>
    tpu.enqueue_indirect_dma source(%dma_start3A_34 : memref<10240x128xf32, #tpu.memory_space<hbm>>) target(%arg10 : memref<80x128xf32, #tpu.memory_space<vmem>>) offsets(%dma_start3A_31 : memref<80xi32, #tpu.memory_space<vmem>>) semaphore(%arg22 : memref<!tpu.dma_semaphore, #tpu.memory_space<semaphore_mem>>)
    %scan3A_35 = arith.constant 0 : i32
    %scan3A_36 = arith.constant 20 : i32
    %scan3A_37 = arith.addi %scan3A_35, %scan3A_36 : i32
    %scan3A_38 = arith.constant 1 : i32
    scf.for %scan3A_265 = %scan3A_35 to %scan3A_37 step %scan3A_38  : i32 {
      %mul3A_266 = arith.constant 6 : i32
      %mul3A_267 = arith.muli %mul3A_266, %scan3A_265 : i32
      %add3A_268 = arith.constant 3 : i32
      %add3A_269 = arith.addi %mul3A_267, %add3A_268 : i32
      %add3A_270 = arith.constant 0 : i32
      %add3A_271 = arith.addi %add3A_269, %add3A_270 : i32
      %mul3A_272 = arith.constant 80 : i32
      %mul3A_273 = arith.muli %add3A_271, %mul3A_272 : i32
      %multiple_of3A_274 = tpu.assume_multiple %mul3A_273, 16 : i32
      %dma_start3A_275 = tpu.memref_slice %arg6[%multiple_of3A_274] : memref<10000xi32, #tpu.memory_space<vmem>> -> memref<80xi32, #tpu.memory_space<vmem>>
      %dma_start3A_276 = arith.constant 0 : i32
      %dma_start3A_277 = arith.constant 0 : i32
      %dma_start3A_278 = tpu.memref_slice %arg2[%dma_start3A_276, %dma_start3A_277] : memref<10240x128xf32, #tpu.memory_space<hbm>> -> memref<10240x128xf32, #tpu.memory_space<hbm>>
      tpu.enqueue_indirect_dma source(%dma_start3A_278 : memref<10240x128xf32, #tpu.memory_space<hbm>>) target(%arg11 : memref<80x128xf32, #tpu.memory_space<vmem>>) offsets(%dma_start3A_275 : memref<80xi32, #tpu.memory_space<vmem>>) semaphore(%arg23 : memref<!tpu.dma_semaphore, #tpu.memory_space<semaphore_mem>>)
      %add3A_279 = arith.constant 3 : i32
      %add3A_280 = arith.addi %mul3A_267, %add3A_279 : i32
      %add3A_281 = arith.constant 1 : i32
      %add3A_282 = arith.addi %add3A_280, %add3A_281 : i32
      %mul3A_283 = arith.constant 80 : i32
      %mul3A_284 = arith.muli %add3A_282, %mul3A_283 : i32
      %multiple_of3A_285 = tpu.assume_multiple %mul3A_284, 16 : i32
      %dma_start3A_286 = tpu.memref_slice %arg6[%multiple_of3A_285] : memref<10000xi32, #tpu.memory_space<vmem>> -> memref<80xi32, #tpu.memory_space<vmem>>
      %dma_start3A_287 = arith.constant 0 : i32
      %dma_start3A_288 = arith.constant 0 : i32
      %dma_start3A_289 = tpu.memref_slice %arg2[%dma_start3A_287, %dma_start3A_288] : memref<10240x128xf32, #tpu.memory_space<hbm>> -> memref<10240x128xf32, #tpu.memory_space<hbm>>
      tpu.enqueue_indirect_dma source(%dma_start3A_289 : memref<10240x128xf32, #tpu.memory_space<hbm>>) target(%arg12 : memref<80x128xf32, #tpu.memory_space<vmem>>) offsets(%dma_start3A_286 : memref<80xi32, #tpu.memory_space<vmem>>) semaphore(%arg24 : memref<!tpu.dma_semaphore, #tpu.memory_space<semaphore_mem>>)
      %add3A_290 = arith.constant 3 : i32
      %add3A_291 = arith.addi %mul3A_267, %add3A_290 : i32
      %add3A_292 = arith.constant 2 : i32
      %add3A_293 = arith.addi %add3A_291, %add3A_292 : i32
      %mul3A_294 = arith.constant 80 : i32
      %mul3A_295 = arith.muli %add3A_293, %mul3A_294 : i32
      %multiple_of3A_296 = tpu.assume_multiple %mul3A_295, 16 : i32
      %dma_start3A_297 = tpu.memref_slice %arg6[%multiple_of3A_296] : memref<10000xi32, #tpu.memory_space<vmem>> -> memref<80xi32, #tpu.memory_space<vmem>>
      %dma_start3A_298 = arith.constant 0 : i32
      %dma_start3A_299 = arith.constant 0 : i32
      %dma_start3A_300 = tpu.memref_slice %arg2[%dma_start3A_298, %dma_start3A_299] : memref<10240x128xf32, #tpu.memory_space<hbm>> -> memref<10240x128xf32, #tpu.memory_space<hbm>>
      tpu.enqueue_indirect_dma source(%dma_start3A_300 : memref<10240x128xf32, #tpu.memory_space<hbm>>) target(%arg13 : memref<80x128xf32, #tpu.memory_space<vmem>>) offsets(%dma_start3A_297 : memref<80xi32, #tpu.memory_space<vmem>>) semaphore(%arg25 : memref<!tpu.dma_semaphore, #tpu.memory_space<semaphore_mem>>)
      %add3A_301 = arith.constant 0 : i32
      %add3A_302 = arith.addi %mul3A_267, %add3A_301 : i32
      %mul3A_303 = arith.constant 80 : i32
      %mul3A_304 = arith.muli %add3A_302, %mul3A_303 : i32
      %add3A_305 = arith.constant 0 : i32
      %add3A_306 = arith.addi %mul3A_304, %add3A_305 : i32
      %multiple_of3A_307 = tpu.assume_multiple %add3A_306, 16 : i32
      %get3A_308 = arith.index_cast %multiple_of3A_307 : i32 to index
      %get3A_309 = tpu.vector_load %arg7[%get3A_308] {strides = array<i32>} : memref<10000xi32, #tpu.memory_space<vmem>>, vector<16xi32>,
      %swap3A_310 = arith.constant 0 : index
      %swap3A_311 = tpu.vector_load %arg14[%swap3A_310] {strides = array<i32>} : memref<80xi32, #tpu.memory_space<vmem>>, vector<16xi32>,
      tpu.vector_store %arg14[%swap3A_310], %get3A_309 {strides = array<i32>} : memref<80xi32, #tpu.memory_space<vmem>>, vector<16xi32>,
      %mul3A_312 = arith.constant 80 : i32
      %mul3A_313 = arith.muli %add3A_302, %mul3A_312 : i32
      %add3A_314 = arith.constant 16 : i32
      %add3A_315 = arith.addi %mul3A_313, %add3A_314 : i32
      %multiple_of3A_316 = tpu.assume_multiple %add3A_315, 16 : i32
      %get3A_317 = arith.index_cast %multiple_of3A_316 : i32 to index
      %get3A_318 = tpu.vector_load %arg7[%get3A_317] {strides = array<i32>} : memref<10000xi32, #tpu.memory_space<vmem>>, vector<16xi32>,
      %swap3A_319 = arith.constant 16 : index
      %swap3A_320 = tpu.vector_load %arg14[%swap3A_319] {strides = array<i32>} : memref<80xi32, #tpu.memory_space<vmem>>, vector<16xi32>,
      tpu.vector_store %arg14[%swap3A_319], %get3A_318 {strides = array<i32>} : memref<80xi32, #tpu.memory_space<vmem>>, vector<16xi32>,
      %mul3A_321 = arith.constant 80 : i32
      %mul3A_322 = arith.muli %add3A_302, %mul3A_321 : i32
      %add3A_323 = arith.constant 32 : i32
      %add3A_324 = arith.addi %mul3A_322, %add3A_323 : i32
      %multiple_of3A_325 = tpu.assume_multiple %add3A_324, 16 : i32
      %get3A_326 = arith.index_cast %multiple_of3A_325 : i32 to index
      %get3A_327 = tpu.vector_load %arg7[%get3A_326] {strides = array<i32>} : memref<10000xi32, #tpu.memory_space<vmem>>, vector<16xi32>,
      %swap3A_328 = arith.constant 32 : index
      %swap3A_329 = tpu.vector_load %arg14[%swap3A_328] {strides = array<i32>} : memref<80xi32, #tpu.memory_space<vmem>>, vector<16xi32>,
      tpu.vector_store %arg14[%swap3A_328], %get3A_327 {strides = array<i32>} : memref<80xi32, #tpu.memory_space<vmem>>, vector<16xi32>,
      %mul3A_330 = arith.constant 80 : i32
      %mul3A_331 = arith.muli %add3A_302, %mul3A_330 : i32
      %add3A_332 = arith.constant 48 : i32
      %add3A_333 = arith.addi %mul3A_331, %add3A_332 : i32
      %multiple_of3A_334 = tpu.assume_multiple %add3A_333, 16 : i32
      %get3A_335 = arith.index_cast %multiple_of3A_334 : i32 to index
      %get3A_336 = tpu.vector_load %arg7[%get3A_335] {strides = array<i32>} : memref<10000xi32, #tpu.memory_space<vmem>>, vector<16xi32>,
      %swap3A_337 = arith.constant 48 : index
      %swap3A_338 = tpu.vector_load %arg14[%swap3A_337] {strides = array<i32>} : memref<80xi32, #tpu.memory_space<vmem>>, vector<16xi32>,
      tpu.vector_store %arg14[%swap3A_337], %get3A_336 {strides = array<i32>} : memref<80xi32, #tpu.memory_space<vmem>>, vector<16xi32>,
      %mul3A_339 = arith.constant 80 : i32
      %mul3A_340 = arith.muli %add3A_302, %mul3A_339 : i32
      %add3A_341 = arith.constant 64 : i32
      %add3A_342 = arith.addi %mul3A_340, %add3A_341 : i32
      %multiple_of3A_343 = tpu.assume_multiple %add3A_342, 16 : i32
      %get3A_344 = arith.index_cast %multiple_of3A_343 : i32 to index
      %get3A_345 = tpu.vector_load %arg7[%get3A_344] {strides = array<i32>} : memref<10000xi32, #tpu.memory_space<vmem>>, vector<16xi32>,
      %swap3A_346 = arith.constant 64 : index
      %swap3A_347 = tpu.vector_load %arg14[%swap3A_346] {strides = array<i32>} : memref<80xi32, #tpu.memory_space<vmem>>, vector<16xi32>,
      tpu.vector_store %arg14[%swap3A_346], %get3A_345 {strides = array<i32>} : memref<80xi32, #tpu.memory_space<vmem>>, vector<16xi32>,
      %add3A_348 = arith.constant 0 : i32
      %add3A_349 = arith.addi %mul3A_267, %add3A_348 : i32
      %mul3A_350 = arith.constant 80 : i32
      %mul3A_351 = arith.muli %add3A_349, %mul3A_350 : i32
      %multiple_of3A_352 = tpu.assume_multiple %mul3A_351, 16 : i32
      %dma_wait3A_353 = tpu.memref_slice %arg6[%multiple_of3A_352] : memref<10000xi32, #tpu.memory_space<vmem>> -> memref<80xi32, #tpu.memory_space<vmem>>
      %dma_wait3A_354 = arith.constant 0 : i32
      %dma_wait3A_355 = arith.constant 0 : i32
      %dma_wait3A_356 = tpu.memref_slice %arg2[%dma_wait3A_354, %dma_wait3A_355] : memref<10240x128xf32, #tpu.memory_space<hbm>> -> memref<10240x128xf32, #tpu.memory_space<hbm>>
      tpu.wait_indirect_dma semaphore(%arg20 : memref<!tpu.dma_semaphore, #tpu.memory_space<semaphore_mem>>) src(%dma_wait3A_356 : memref<10240x128xf32, #tpu.memory_space<hbm>>) dst(%arg8 : memref<80x128xf32, #tpu.memory_space<vmem>>)
      %add3A_357 = arith.constant 0 : i32
      %add3A_358 = arith.addi %mul3A_267, %add3A_357 : i32
      %dma_start3A_359 = arith.constant 0 : i32
      %dma_start3A_360 = arith.constant 0 : i32
      %dma_start3A_361 = tpu.memref_slice %arg35[%dma_start3A_359, %dma_start3A_360] : memref<2048x128xf32, #tpu.memory_space<vmem_shared>> -> memref<2048x128xf32, #tpu.memory_space<vmem_shared>>
      tpu.enqueue_indirect_dma source(%arg8 : memref<80x128xf32, #tpu.memory_space<vmem>>) target(%dma_start3A_361 : memref<2048x128xf32, #tpu.memory_space<vmem_shared>>) offsets(%arg14 : memref<80xi32, #tpu.memory_space<vmem>>) semaphore(%arg26 : memref<!tpu.dma_semaphore, #tpu.memory_space<semaphore_mem>>) {add = true}
      %add3A_362 = arith.constant 1 : i32
      %add3A_363 = arith.addi %mul3A_267, %add3A_362 : i32
      %mul3A_364 = arith.constant 80 : i32
      %mul3A_365 = arith.muli %add3A_363, %mul3A_364 : i32
      %add3A_366 = arith.constant 0 : i32
      %add3A_367 = arith.addi %mul3A_365, %add3A_366 : i32
      %multiple_of3A_368 = tpu.assume_multiple %add3A_367, 16 : i32
      %get3A_369 = arith.index_cast %multiple_of3A_368 : i32 to index
      %get3A_370 = tpu.vector_load %arg7[%get3A_369] {strides = array<i32>} : memref<10000xi32, #tpu.memory_space<vmem>>, vector<16xi32>,
      %swap3A_371 = arith.constant 0 : index
      %swap3A_372 = tpu.vector_load %arg15[%swap3A_371] {strides = array<i32>} : memref<80xi32, #tpu.memory_space<vmem>>, vector<16xi32>,
      tpu.vector_store %arg15[%swap3A_371], %get3A_370 {strides = array<i32>} : memref<80xi32, #tpu.memory_space<vmem>>, vector<16xi32>,
      %mul3A_373 = arith.constant 80 : i32
      %mul3A_374 = arith.muli %add3A_363, %mul3A_373 : i32
      %add3A_375 = arith.constant 16 : i32
      %add3A_376 = arith.addi %mul3A_374, %add3A_375 : i32
      %multiple_of3A_377 = tpu.assume_multiple %add3A_376, 16 : i32
      %get3A_378 = arith.index_cast %multiple_of3A_377 : i32 to index
      %get3A_379 = tpu.vector_load %arg7[%get3A_378] {strides = array<i32>} : memref<10000xi32, #tpu.memory_space<vmem>>, vector<16xi32>,
      %swap3A_380 = arith.constant 16 : index
      %swap3A_381 = tpu.vector_load %arg15[%swap3A_380] {strides = array<i32>} : memref<80xi32, #tpu.memory_space<vmem>>, vector<16xi32>,
      tpu.vector_store %arg15[%swap3A_380], %get3A_379 {strides = array<i32>} : memref<80xi32, #tpu.memory_space<vmem>>, vector<16xi32>,
      %mul3A_382 = arith.constant 80 : i32
      %mul3A_383 = arith.muli %add3A_363, %mul3A_382 : i32
      %add3A_384 = arith.constant 32 : i32
      %add3A_385 = arith.addi %mul3A_383, %add3A_384 : i32
      %multiple_of3A_386 = tpu.assume_multiple %add3A_385, 16 : i32
      %get3A_387 = arith.index_cast %multiple_of3A_386 : i32 to index
      %get3A_388 = tpu.vector_load %arg7[%get3A_387] {strides = array<i32>} : memref<10000xi32, #tpu.memory_space<vmem>>, vector<16xi32>,
      %swap3A_389 = arith.constant 32 : index
      %swap3A_390 = tpu.vector_load %arg15[%swap3A_389] {strides = array<i32>} : memref<80xi32, #tpu.memory_space<vmem>>, vector<16xi32>,
      tpu.vector_store %arg15[%swap3A_389], %get3A_388 {strides = array<i32>} : memref<80xi32, #tpu.memory_space<vmem>>, vector<16xi32>,
      %mul3A_391 = arith.constant 80 : i32
      %mul3A_392 = arith.muli %add3A_363, %mul3A_391 : i32
      %add3A_393 = arith.constant 48 : i32
      %add3A_394 = arith.addi %mul3A_392, %add3A_393 : i32
      %multiple_of3A_395 = tpu.assume_multiple %add3A_394, 16 : i32
      %get3A_396 = arith.index_cast %multiple_of3A_395 : i32 to index
      %get3A_397 = tpu.vector_load %arg7[%get3A_396] {strides = array<i32>} : memref<10000xi32, #tpu.memory_space<vmem>>, vector<16xi32>,
      %swap3A_398 = arith.constant 48 : index
      %swap3A_399 = tpu.vector_load %arg15[%swap3A_398] {strides = array<i32>} : memref<80xi32, #tpu.memory_space<vmem>>, vector<16xi32>,
      tpu.vector_store %arg15[%swap3A_398], %get3A_397 {strides = array<i32>} : memref<80xi32, #tpu.memory_space<vmem>>, vector<16xi32>,
      %mul3A_400 = arith.constant 80 : i32
      %mul3A_401 = arith.muli %add3A_363, %mul3A_400 : i32
      %add3A_402 = arith.constant 64 : i32
      %add3A_403 = arith.addi %mul3A_401, %add3A_402 : i32
      %multiple_of3A_404 = tpu.assume_multiple %add3A_403, 16 : i32
      %get3A_405 = arith.index_cast %multiple_of3A_404 : i32 to index
      %get3A_406 = tpu.vector_load %arg7[%get3A_405] {strides = array<i32>} : memref<10000xi32, #tpu.memory_space<vmem>>, vector<16xi32>,
      %swap3A_407 = arith.constant 64 : index
      %swap3A_408 = tpu.vector_load %arg15[%swap3A_407] {strides = array<i32>} : memref<80xi32, #tpu.memory_space<vmem>>, vector<16xi32>,
      tpu.vector_store %arg15[%swap3A_407], %get3A_406 {strides = array<i32>} : memref<80xi32, #tpu.memory_space<vmem>>, vector<16xi32>,
      %add3A_409 = arith.constant 1 : i32
      %add3A_410 = arith.addi %mul3A_267, %add3A_409 : i32
      %mul3A_411 = arith.constant 80 : i32
      %mul3A_412 = arith.muli %add3A_410, %mul3A_411 : i32
      %multiple_of3A_413 = tpu.assume_multiple %mul3A_412, 16 : i32
      %dma_wait3A_414 = tpu.memref_slice %arg6[%multiple_of3A_413] : memref<10000xi32, #tpu.memory_space<vmem>> -> memref<80xi32, #tpu.memory_space<vmem>>
      %dma_wait3A_415 = arith.constant 0 : i32
      %dma_wait3A_416 = arith.constant 0 : i32
      %dma_wait3A_417 = tpu.memref_slice %arg2[%dma_wait3A_415, %dma_wait3A_416] : memref<10240x128xf32, #tpu.memory_space<hbm>> -> memref<10240x128xf32, #tpu.memory_space<hbm>>
      tpu.wait_indirect_dma semaphore(%arg21 : memref<!tpu.dma_semaphore, #tpu.memory_space<semaphore_mem>>) src(%dma_wait3A_417 : memref<10240x128xf32, #tpu.memory_space<hbm>>) dst(%arg9 : memref<80x128xf32, #tpu.memory_space<vmem>>)
      %add3A_418 = arith.constant 1 : i32
      %add3A_419 = arith.addi %mul3A_267, %add3A_418 : i32
      %dma_start3A_420 = arith.constant 0 : i32
      %dma_start3A_421 = arith.constant 0 : i32
      %dma_start3A_422 = tpu.memref_slice %arg35[%dma_start3A_420, %dma_start3A_421] : memref<2048x128xf32, #tpu.memory_space<vmem_shared>> -> memref<2048x128xf32, #tpu.memory_space<vmem_shared>>
      tpu.enqueue_indirect_dma source(%arg9 : memref<80x128xf32, #tpu.memory_space<vmem>>) target(%dma_start3A_422 : memref<2048x128xf32, #tpu.memory_space<vmem_shared>>) offsets(%arg15 : memref<80xi32, #tpu.memory_space<vmem>>) semaphore(%arg27 : memref<!tpu.dma_semaphore, #tpu.memory_space<semaphore_mem>>) {add = true}
      %add3A_423 = arith.constant 2 : i32
      %add3A_424 = arith.addi %mul3A_267, %add3A_423 : i32
      %mul3A_425 = arith.constant 80 : i32
      %mul3A_426 = arith.muli %add3A_424, %mul3A_425 : i32
      %add3A_427 = arith.constant 0 : i32
      %add3A_428 = arith.addi %mul3A_426, %add3A_427 : i32
      %multiple_of3A_429 = tpu.assume_multiple %add3A_428, 16 : i32
      %get3A_430 = arith.index_cast %multiple_of3A_429 : i32 to index
      %get3A_431 = tpu.vector_load %arg7[%get3A_430] {strides = array<i32>} : memref<10000xi32, #tpu.memory_space<vmem>>, vector<16xi32>,
      %swap3A_432 = arith.constant 0 : index
      %swap3A_433 = tpu.vector_load %arg16[%swap3A_432] {strides = array<i32>} : memref<80xi32, #tpu.memory_space<vmem>>, vector<16xi32>,
      tpu.vector_store %arg16[%swap3A_432], %get3A_431 {strides = array<i32>} : memref<80xi32, #tpu.memory_space<vmem>>, vector<16xi32>,
      %mul3A_434 = arith.constant 80 : i32
      %mul3A_435 = arith.muli %add3A_424, %mul3A_434 : i32
      %add3A_436 = arith.constant 16 : i32
      %add3A_437 = arith.addi %mul3A_435, %add3A_436 : i32
      %multiple_of3A_438 = tpu.assume_multiple %add3A_437, 16 : i32
      %get3A_439 = arith.index_cast %multiple_of3A_438 : i32 to index
      %get3A_440 = tpu.vector_load %arg7[%get3A_439] {strides = array<i32>} : memref<10000xi32, #tpu.memory_space<vmem>>, vector<16xi32>,
      %swap3A_441 = arith.constant 16 : index
      %swap3A_442 = tpu.vector_load %arg16[%swap3A_441] {strides = array<i32>} : memref<80xi32, #tpu.memory_space<vmem>>, vector<16xi32>,
      tpu.vector_store %arg16[%swap3A_441], %get3A_440 {strides = array<i32>} : memref<80xi32, #tpu.memory_space<vmem>>, vector<16xi32>,
      %mul3A_443 = arith.constant 80 : i32
      %mul3A_444 = arith.muli %add3A_424, %mul3A_443 : i32
      %add3A_445 = arith.constant 32 : i32
      %add3A_446 = arith.addi %mul3A_444, %add3A_445 : i32
      %multiple_of3A_447 = tpu.assume_multiple %add3A_446, 16 : i32
      %get3A_448 = arith.index_cast %multiple_of3A_447 : i32 to index
      %get3A_449 = tpu.vector_load %arg7[%get3A_448] {strides = array<i32>} : memref<10000xi32, #tpu.memory_space<vmem>>, vector<16xi32>,
      %swap3A_450 = arith.constant 32 : index
      %swap3A_451 = tpu.vector_load %arg16[%swap3A_450] {strides = array<i32>} : memref<80xi32, #tpu.memory_space<vmem>>, vector<16xi32>,
      tpu.vector_store %arg16[%swap3A_450], %get3A_449 {strides = array<i32>} : memref<80xi32, #tpu.memory_space<vmem>>, vector<16xi32>,
      %mul3A_452 = arith.constant 80 : i32
      %mul3A_453 = arith.muli %add3A_424, %mul3A_452 : i32
      %add3A_454 = arith.constant 48 : i32
      %add3A_455 = arith.addi %mul3A_453, %add3A_454 : i32
      %multiple_of3A_456 = tpu.assume_multiple %add3A_455, 16 : i32
      %get3A_457 = arith.index_cast %multiple_of3A_456 : i32 to index
      %get3A_458 = tpu.vector_load %arg7[%get3A_457] {strides = array<i32>} : memref<10000xi32, #tpu.memory_space<vmem>>, vector<16xi32>,
      %swap3A_459 = arith.constant 48 : index
      %swap3A_460 = tpu.vector_load %arg16[%swap3A_459] {strides = array<i32>} : memref<80xi32, #tpu.memory_space<vmem>>, vector<16xi32>,
      tpu.vector_store %arg16[%swap3A_459], %get3A_458 {strides = array<i32>} : memref<80xi32, #tpu.memory_space<vmem>>, vector<16xi32>,
      %mul3A_461 = arith.constant 80 : i32
      %mul3A_462 = arith.muli %add3A_424, %mul3A_461 : i32
      %add3A_463 = arith.constant 64 : i32
      %add3A_464 = arith.addi %mul3A_462, %add3A_463 : i32
      %multiple_of3A_465 = tpu.assume_multiple %add3A_464, 16 : i32
      %get3A_466 = arith.index_cast %multiple_of3A_465 : i32 to index
      %get3A_467 = tpu.vector_load %arg7[%get3A_466] {strides = array<i32>} : memref<10000xi32, #tpu.memory_space<vmem>>, vector<16xi32>,
      %swap3A_468 = arith.constant 64 : index
      %swap3A_469 = tpu.vector_load %arg16[%swap3A_468] {strides = array<i32>} : memref<80xi32, #tpu.memory_space<vmem>>, vector<16xi32>,
      tpu.vector_store %arg16[%swap3A_468], %get3A_467 {strides = array<i32>} : memref<80xi32, #tpu.memory_space<vmem>>, vector<16xi32>,
      %add3A_470 = arith.constant 2 : i32
      %add3A_471 = arith.addi %mul3A_267, %add3A_470 : i32
      %mul3A_472 = arith.constant 80 : i32
      %mul3A_473 = arith.muli %add3A_471, %mul3A_472 : i32
      %multiple_of3A_474 = tpu.assume_multiple %mul3A_473, 16 : i32
      %dma_wait3A_475 = tpu.memref_slice %arg6[%multiple_of3A_474] : memref<10000xi32, #tpu.memory_space<vmem>> -> memref<80xi32, #tpu.memory_space<vmem>>
      %dma_wait3A_476 = arith.constant 0 : i32
      %dma_wait3A_477 = arith.constant 0 : i32
      %dma_wait3A_478 = tpu.memref_slice %arg2[%dma_wait3A_476, %dma_wait3A_477] : memref<10240x128xf32, #tpu.memory_space<hbm>> -> memref<10240x128xf32, #tpu.memory_space<hbm>>
      tpu.wait_indirect_dma semaphore(%arg22 : memref<!tpu.dma_semaphore, #tpu.memory_space<semaphore_mem>>) src(%dma_wait3A_478 : memref<10240x128xf32, #tpu.memory_space<hbm>>) dst(%arg10 : memref<80x128xf32, #tpu.memory_space<vmem>>)
      %add3A_479 = arith.constant 2 : i32
      %add3A_480 = arith.addi %mul3A_267, %add3A_479 : i32
      %dma_start3A_481 = arith.constant 0 : i32
      %dma_start3A_482 = arith.constant 0 : i32
      %dma_start3A_483 = tpu.memref_slice %arg35[%dma_start3A_481, %dma_start3A_482] : memref<2048x128xf32, #tpu.memory_space<vmem_shared>> -> memref<2048x128xf32, #tpu.memory_space<vmem_shared>>
      tpu.enqueue_indirect_dma source(%arg10 : memref<80x128xf32, #tpu.memory_space<vmem>>) target(%dma_start3A_483 : memref<2048x128xf32, #tpu.memory_space<vmem_shared>>) offsets(%arg16 : memref<80xi32, #tpu.memory_space<vmem>>) semaphore(%arg28 : memref<!tpu.dma_semaphore, #tpu.memory_space<semaphore_mem>>) {add = true}
      %add3A_484 = arith.constant 3 : i32
      %add3A_485 = arith.addi %mul3A_267, %add3A_484 : i32
      %add3A_486 = arith.constant 0 : i32
      %add3A_487 = arith.addi %add3A_485, %add3A_486 : i32
      %mul3A_488 = arith.constant 80 : i32
      %mul3A_489 = arith.muli %add3A_487, %mul3A_488 : i32
      %add3A_490 = arith.constant 0 : i32
      %add3A_491 = arith.addi %mul3A_489, %add3A_490 : i32
      %multiple_of3A_492 = tpu.assume_multiple %add3A_491, 16 : i32
      %get3A_493 = arith.index_cast %multiple_of3A_492 : i32 to index
      %get3A_494 = tpu.vector_load %arg7[%get3A_493] {strides = array<i32>} : memref<10000xi32, #tpu.memory_space<vmem>>, vector<16xi32>,
      %swap3A_495 = arith.constant 0 : index
      %swap3A_496 = tpu.vector_load %arg17[%swap3A_495] {strides = array<i32>} : memref<80xi32, #tpu.memory_space<vmem>>, vector<16xi32>,
      tpu.vector_store %arg17[%swap3A_495], %get3A_494 {strides = array<i32>} : memref<80xi32, #tpu.memory_space<vmem>>, vector<16xi32>,
      %mul3A_497 = arith.constant 80 : i32
      %mul3A_498 = arith.muli %add3A_487, %mul3A_497 : i32
      %add3A_499 = arith.constant 16 : i32
      %add3A_500 = arith.addi %mul3A_498, %add3A_499 : i32
      %multiple_of3A_501 = tpu.assume_multiple %add3A_500, 16 : i32
      %get3A_502 = arith.index_cast %multiple_of3A_501 : i32 to index
      %get3A_503 = tpu.vector_load %arg7[%get3A_502] {strides = array<i32>} : memref<10000xi32, #tpu.memory_space<vmem>>, vector<16xi32>,
      %swap3A_504 = arith.constant 16 : index
      %swap3A_505 = tpu.vector_load %arg17[%swap3A_504] {strides = array<i32>} : memref<80xi32, #tpu.memory_space<vmem>>, vector<16xi32>,
      tpu.vector_store %arg17[%swap3A_504], %get3A_503 {strides = array<i32>} : memref<80xi32, #tpu.memory_space<vmem>>, vector<16xi32>,
      %mul3A_506 = arith.constant 80 : i32
      %mul3A_507 = arith.muli %add3A_487, %mul3A_506 : i32
      %add3A_508 = arith.constant 32 : i32
      %add3A_509 = arith.addi %mul3A_507, %add3A_508 : i32
      %multiple_of3A_510 = tpu.assume_multiple %add3A_509, 16 : i32
      %get3A_511 = arith.index_cast %multiple_of3A_510 : i32 to index
      %get3A_512 = tpu.vector_load %arg7[%get3A_511] {strides = array<i32>} : memref<10000xi32, #tpu.memory_space<vmem>>, vector<16xi32>,
      %swap3A_513 = arith.constant 32 : index
      %swap3A_514 = tpu.vector_load %arg17[%swap3A_513] {strides = array<i32>} : memref<80xi32, #tpu.memory_space<vmem>>, vector<16xi32>,
      tpu.vector_store %arg17[%swap3A_513], %get3A_512 {strides = array<i32>} : memref<80xi32, #tpu.memory_space<vmem>>, vector<16xi32>,
      %mul3A_515 = arith.constant 80 : i32
      %mul3A_516 = arith.muli %add3A_487, %mul3A_515 : i32
      %add3A_517 = arith.constant 48 : i32
      %add3A_518 = arith.addi %mul3A_516, %add3A_517 : i32
      %multiple_of3A_519 = tpu.assume_multiple %add3A_518, 16 : i32
      %get3A_520 = arith.index_cast %multiple_of3A_519 : i32 to index
      %get3A_521 = tpu.vector_load %arg7[%get3A_520] {strides = array<i32>} : memref<10000xi32, #tpu.memory_space<vmem>>, vector<16xi32>,
      %swap3A_522 = arith.constant 48 : index
      %swap3A_523 = tpu.vector_load %arg17[%swap3A_522] {strides = array<i32>} : memref<80xi32, #tpu.memory_space<vmem>>, vector<16xi32>,
      tpu.vector_store %arg17[%swap3A_522], %get3A_521 {strides = array<i32>} : memref<80xi32, #tpu.memory_space<vmem>>, vector<16xi32>,
      %mul3A_524 = arith.constant 80 : i32
      %mul3A_525 = arith.muli %add3A_487, %mul3A_524 : i32
      %add3A_526 = arith.constant 64 : i32
      %add3A_527 = arith.addi %mul3A_525, %add3A_526 : i32
      %multiple_of3A_528 = tpu.assume_multiple %add3A_527, 16 : i32
      %get3A_529 = arith.index_cast %multiple_of3A_528 : i32 to index
      %get3A_530 = tpu.vector_load %arg7[%get3A_529] {strides = array<i32>} : memref<10000xi32, #tpu.memory_space<vmem>>, vector<16xi32>,
      %swap3A_531 = arith.constant 64 : index
      %swap3A_532 = tpu.vector_load %arg17[%swap3A_531] {strides = array<i32>} : memref<80xi32, #tpu.memory_space<vmem>>, vector<16xi32>,
      tpu.vector_store %arg17[%swap3A_531], %get3A_530 {strides = array<i32>} : memref<80xi32, #tpu.memory_space<vmem>>, vector<16xi32>,
      %add3A_533 = arith.constant 0 : i32
      %add3A_534 = arith.addi %mul3A_267, %add3A_533 : i32
      %dma_wait3A_535 = arith.constant 0 : i32
      %dma_wait3A_536 = arith.constant 0 : i32
      %dma_wait3A_537 = tpu.memref_slice %arg35[%dma_wait3A_535, %dma_wait3A_536] : memref<2048x128xf32, #tpu.memory_space<vmem_shared>> -> memref<2048x128xf32, #tpu.memory_space<vmem_shared>>
      tpu.wait_indirect_dma semaphore(%arg26 : memref<!tpu.dma_semaphore, #tpu.memory_space<semaphore_mem>>) src(%arg8 : memref<80x128xf32, #tpu.memory_space<vmem>>) dst(%dma_wait3A_537 : memref<2048x128xf32, #tpu.memory_space<vmem_shared>>)
      %add3A_538 = arith.constant 6 : i32
      %add3A_539 = arith.addi %mul3A_267, %add3A_538 : i32
      %add3A_540 = arith.constant 0 : i32
      %add3A_541 = arith.addi %add3A_539, %add3A_540 : i32
      %mul3A_542 = arith.constant 80 : i32
      %mul3A_543 = arith.muli %add3A_541, %mul3A_542 : i32
      %multiple_of3A_544 = tpu.assume_multiple %mul3A_543, 16 : i32
      %dma_start3A_545 = tpu.memref_slice %arg6[%multiple_of3A_544] : memref<10000xi32, #tpu.memory_space<vmem>> -> memref<80xi32, #tpu.memory_space<vmem>>
      %dma_start3A_546 = arith.constant 0 : i32
      %dma_start3A_547 = arith.constant 0 : i32
      %dma_start3A_548 = tpu.memref_slice %arg2[%dma_start3A_546, %dma_start3A_547] : memref<10240x128xf32, #tpu.memory_space<hbm>> -> memref<10240x128xf32, #tpu.memory_space<hbm>>
      tpu.enqueue_indirect_dma source(%dma_start3A_548 : memref<10240x128xf32, #tpu.memory_space<hbm>>) target(%arg8 : memref<80x128xf32, #tpu.memory_space<vmem>>) offsets(%dma_start3A_545 : memref<80xi32, #tpu.memory_space<vmem>>) semaphore(%arg20 : memref<!tpu.dma_semaphore, #tpu.memory_space<semaphore_mem>>)
      %add3A_549 = arith.constant 3 : i32
      %add3A_550 = arith.addi %mul3A_267, %add3A_549 : i32
      %add3A_551 = arith.constant 1 : i32
      %add3A_552 = arith.addi %add3A_550, %add3A_551 : i32
      %mul3A_553 = arith.constant 80 : i32
      %mul3A_554 = arith.muli %add3A_552, %mul3A_553 : i32
      %add3A_555 = arith.constant 0 : i32
      %add3A_556 = arith.addi %mul3A_554, %add3A_555 : i32
      %multiple_of3A_557 = tpu.assume_multiple %add3A_556, 16 : i32
      %get3A_558 = arith.index_cast %multiple_of3A_557 : i32 to index
      %get3A_559 = tpu.vector_load %arg7[%get3A_558] {strides = array<i32>} : memref<10000xi32, #tpu.memory_space<vmem>>, vector<16xi32>,
      %swap3A_560 = arith.constant 0 : index
      %swap3A_561 = tpu.vector_load %arg18[%swap3A_560] {strides = array<i32>} : memref<80xi32, #tpu.memory_space<vmem>>, vector<16xi32>,
      tpu.vector_store %arg18[%swap3A_560], %get3A_559 {strides = array<i32>} : memref<80xi32, #tpu.memory_space<vmem>>, vector<16xi32>,
      %mul3A_562 = arith.constant 80 : i32
      %mul3A_563 = arith.muli %add3A_552, %mul3A_562 : i32
      %add3A_564 = arith.constant 16 : i32
      %add3A_565 = arith.addi %mul3A_563, %add3A_564 : i32
      %multiple_of3A_566 = tpu.assume_multiple %add3A_565, 16 : i32
      %get3A_567 = arith.index_cast %multiple_of3A_566 : i32 to index
      %get3A_568 = tpu.vector_load %arg7[%get3A_567] {strides = array<i32>} : memref<10000xi32, #tpu.memory_space<vmem>>, vector<16xi32>,
      %swap3A_569 = arith.constant 16 : index
      %swap3A_570 = tpu.vector_load %arg18[%swap3A_569] {strides = array<i32>} : memref<80xi32, #tpu.memory_space<vmem>>, vector<16xi32>,
      tpu.vector_store %arg18[%swap3A_569], %get3A_568 {strides = array<i32>} : memref<80xi32, #tpu.memory_space<vmem>>, vector<16xi32>,
      %mul3A_571 = arith.constant 80 : i32
      %mul3A_572 = arith.muli %add3A_552, %mul3A_571 : i32
      %add3A_573 = arith.constant 32 : i32
      %add3A_574 = arith.addi %mul3A_572, %add3A_573 : i32
      %multiple_of3A_575 = tpu.assume_multiple %add3A_574, 16 : i32
      %get3A_576 = arith.index_cast %multiple_of3A_575 : i32 to index
      %get3A_577 = tpu.vector_load %arg7[%get3A_576] {strides = array<i32>} : memref<10000xi32, #tpu.memory_space<vmem>>, vector<16xi32>,
      %swap3A_578 = arith.constant 32 : index
      %swap3A_579 = tpu.vector_load %arg18[%swap3A_578] {strides = array<i32>} : memref<80xi32, #tpu.memory_space<vmem>>, vector<16xi32>,
      tpu.vector_store %arg18[%swap3A_578], %get3A_577 {strides = array<i32>} : memref<80xi32, #tpu.memory_space<vmem>>, vector<16xi32>,
      %mul3A_580 = arith.constant 80 : i32
      %mul3A_581 = arith.muli %add3A_552, %mul3A_580 : i32
      %add3A_582 = arith.constant 48 : i32
      %add3A_583 = arith.addi %mul3A_581, %add3A_582 : i32
      %multiple_of3A_584 = tpu.assume_multiple %add3A_583, 16 : i32
      %get3A_585 = arith.index_cast %multiple_of3A_584 : i32 to index
      %get3A_586 = tpu.vector_load %arg7[%get3A_585] {strides = array<i32>} : memref<10000xi32, #tpu.memory_space<vmem>>, vector<16xi32>,
      %swap3A_587 = arith.constant 48 : index
      %swap3A_588 = tpu.vector_load %arg18[%swap3A_587] {strides = array<i32>} : memref<80xi32, #tpu.memory_space<vmem>>, vector<16xi32>,
      tpu.vector_store %arg18[%swap3A_587], %get3A_586 {strides = array<i32>} : memref<80xi32, #tpu.memory_space<vmem>>, vector<16xi32>,
      %mul3A_589 = arith.constant 80 : i32
      %mul3A_590 = arith.muli %add3A_552, %mul3A_589 : i32
      %add3A_591 = arith.constant 64 : i32
      %add3A_592 = arith.addi %mul3A_590, %add3A_591 : i32
      %multiple_of3A_593 = tpu.assume_multiple %add3A_592, 16 : i32
      %get3A_594 = arith.index_cast %multiple_of3A_593 : i32 to index
      %get3A_595 = tpu.vector_load %arg7[%get3A_594] {strides = array<i32>} : memref<10000xi32, #tpu.memory_space<vmem>>, vector<16xi32>,
      %swap3A_596 = arith.constant 64 : index
      %swap3A_597 = tpu.vector_load %arg18[%swap3A_596] {strides = array<i32>} : memref<80xi32, #tpu.memory_space<vmem>>, vector<16xi32>,
      tpu.vector_store %arg18[%swap3A_596], %get3A_595 {strides = array<i32>} : memref<80xi32, #tpu.memory_space<vmem>>, vector<16xi32>,
      %add3A_598 = arith.constant 1 : i32
      %add3A_599 = arith.addi %mul3A_267, %add3A_598 : i32
      %dma_wait3A_600 = arith.constant 0 : i32
      %dma_wait3A_601 = arith.constant 0 : i32
      %dma_wait3A_602 = tpu.memref_slice %arg35[%dma_wait3A_600, %dma_wait3A_601] : memref<2048x128xf32, #tpu.memory_space<vmem_shared>> -> memref<2048x128xf32, #tpu.memory_space<vmem_shared>>
      tpu.wait_indirect_dma semaphore(%arg27 : memref<!tpu.dma_semaphore, #tpu.memory_space<semaphore_mem>>) src(%arg9 : memref<80x128xf32, #tpu.memory_space<vmem>>) dst(%dma_wait3A_602 : memref<2048x128xf32, #tpu.memory_space<vmem_shared>>)
      %add3A_603 = arith.constant 6 : i32
      %add3A_604 = arith.addi %mul3A_267, %add3A_603 : i32
      %add3A_605 = arith.constant 1 : i32
      %add3A_606 = arith.addi %add3A_604, %add3A_605 : i32
      %mul3A_607 = arith.constant 80 : i32
      %mul3A_608 = arith.muli %add3A_606, %mul3A_607 : i32
      %multiple_of3A_609 = tpu.assume_multiple %mul3A_608, 16 : i32
      %dma_start3A_610 = tpu.memref_slice %arg6[%multiple_of3A_609] : memref<10000xi32, #tpu.memory_space<vmem>> -> memref<80xi32, #tpu.memory_space<vmem>>
      %dma_start3A_611 = arith.constant 0 : i32
      %dma_start3A_612 = arith.constant 0 : i32
      %dma_start3A_613 = tpu.memref_slice %arg2[%dma_start3A_611, %dma_start3A_612] : memref<10240x128xf32, #tpu.memory_space<hbm>> -> memref<10240x128xf32, #tpu.memory_space<hbm>>
      tpu.enqueue_indirect_dma source(%dma_start3A_613 : memref<10240x128xf32, #tpu.memory_space<hbm>>) target(%arg9 : memref<80x128xf32, #tpu.memory_space<vmem>>) offsets(%dma_start3A_610 : memref<80xi32, #tpu.memory_space<vmem>>) semaphore(%arg21 : memref<!tpu.dma_semaphore, #tpu.memory_space<semaphore_mem>>)
      %add3A_614 = arith.constant 3 : i32
      %add3A_615 = arith.addi %mul3A_267, %add3A_614 : i32
      %add3A_616 = arith.constant 2 : i32
      %add3A_617 = arith.addi %add3A_615, %add3A_616 : i32
      %mul3A_618 = arith.constant 80 : i32
      %mul3A_619 = arith.muli %add3A_617, %mul3A_618 : i32
      %add3A_620 = arith.constant 0 : i32
      %add3A_621 = arith.addi %mul3A_619, %add3A_620 : i32
      %multiple_of3A_622 = tpu.assume_multiple %add3A_621, 16 : i32
      %get3A_623 = arith.index_cast %multiple_of3A_622 : i32 to index
      %get3A_624 = tpu.vector_load %arg7[%get3A_623] {strides = array<i32>} : memref<10000xi32, #tpu.memory_space<vmem>>, vector<16xi32>,
      %swap3A_625 = arith.constant 0 : index
      %swap3A_626 = tpu.vector_load %arg19[%swap3A_625] {strides = array<i32>} : memref<80xi32, #tpu.memory_space<vmem>>, vector<16xi32>,
      tpu.vector_store %arg19[%swap3A_625], %get3A_624 {strides = array<i32>} : memref<80xi32, #tpu.memory_space<vmem>>, vector<16xi32>,
      %mul3A_627 = arith.constant 80 : i32
      %mul3A_628 = arith.muli %add3A_617, %mul3A_627 : i32
      %add3A_629 = arith.constant 16 : i32
      %add3A_630 = arith.addi %mul3A_628, %add3A_629 : i32
      %multiple_of3A_631 = tpu.assume_multiple %add3A_630, 16 : i32
      %get3A_632 = arith.index_cast %multiple_of3A_631 : i32 to index
      %get3A_633 = tpu.vector_load %arg7[%get3A_632] {strides = array<i32>} : memref<10000xi32, #tpu.memory_space<vmem>>, vector<16xi32>,
      %swap3A_634 = arith.constant 16 : index
      %swap3A_635 = tpu.vector_load %arg19[%swap3A_634] {strides = array<i32>} : memref<80xi32, #tpu.memory_space<vmem>>, vector<16xi32>,
      tpu.vector_store %arg19[%swap3A_634], %get3A_633 {strides = array<i32>} : memref<80xi32, #tpu.memory_space<vmem>>, vector<16xi32>,
      %mul3A_636 = arith.constant 80 : i32
      %mul3A_637 = arith.muli %add3A_617, %mul3A_636 : i32
      %add3A_638 = arith.constant 32 : i32
      %add3A_639 = arith.addi %mul3A_637, %add3A_638 : i32
      %multiple_of3A_640 = tpu.assume_multiple %add3A_639, 16 : i32
      %get3A_641 = arith.index_cast %multiple_of3A_640 : i32 to index
      %get3A_642 = tpu.vector_load %arg7[%get3A_641] {strides = array<i32>} : memref<10000xi32, #tpu.memory_space<vmem>>, vector<16xi32>,
      %swap3A_643 = arith.constant 32 : index
      %swap3A_644 = tpu.vector_load %arg19[%swap3A_643] {strides = array<i32>} : memref<80xi32, #tpu.memory_space<vmem>>, vector<16xi32>,
      tpu.vector_store %arg19[%swap3A_643], %get3A_642 {strides = array<i32>} : memref<80xi32, #tpu.memory_space<vmem>>, vector<16xi32>,
      %mul3A_645 = arith.constant 80 : i32
      %mul3A_646 = arith.muli %add3A_617, %mul3A_645 : i32
      %add3A_647 = arith.constant 48 : i32
      %add3A_648 = arith.addi %mul3A_646, %add3A_647 : i32
      %multiple_of3A_649 = tpu.assume_multiple %add3A_648, 16 : i32
      %get3A_650 = arith.index_cast %multiple_of3A_649 : i32 to index
      %get3A_651 = tpu.vector_load %arg7[%get3A_650] {strides = array<i32>} : memref<10000xi32, #tpu.memory_space<vmem>>, vector<16xi32>,
      %swap3A_652 = arith.constant 48 : index
      %swap3A_653 = tpu.vector_load %arg19[%swap3A_652] {strides = array<i32>} : memref<80xi32, #tpu.memory_space<vmem>>, vector<16xi32>,
      tpu.vector_store %arg19[%swap3A_652], %get3A_651 {strides = array<i32>} : memref<80xi32, #tpu.memory_space<vmem>>, vector<16xi32>,
      %mul3A_654 = arith.constant 80 : i32
      %mul3A_655 = arith.muli %add3A_617, %mul3A_654 : i32
      %add3A_656 = arith.constant 64 : i32
      %add3A_657 = arith.addi %mul3A_655, %add3A_656 : i32
      %multiple_of3A_658 = tpu.assume_multiple %add3A_657, 16 : i32
      %get3A_659 = arith.index_cast %multiple_of3A_658 : i32 to index
      %get3A_660 = tpu.vector_load %arg7[%get3A_659] {strides = array<i32>} : memref<10000xi32, #tpu.memory_space<vmem>>, vector<16xi32>,
      %swap3A_661 = arith.constant 64 : index
      %swap3A_662 = tpu.vector_load %arg19[%swap3A_661] {strides = array<i32>} : memref<80xi32, #tpu.memory_space<vmem>>, vector<16xi32>,
      tpu.vector_store %arg19[%swap3A_661], %get3A_660 {strides = array<i32>} : memref<80xi32, #tpu.memory_space<vmem>>, vector<16xi32>,
      %add3A_663 = arith.constant 2 : i32
      %add3A_664 = arith.addi %mul3A_267, %add3A_663 : i32
      %dma_wait3A_665 = arith.constant 0 : i32
      %dma_wait3A_666 = arith.constant 0 : i32
      %dma_wait3A_667 = tpu.memref_slice %arg35[%dma_wait3A_665, %dma_wait3A_666] : memref<2048x128xf32, #tpu.memory_space<vmem_shared>> -> memref<2048x128xf32, #tpu.memory_space<vmem_shared>>
      tpu.wait_indirect_dma semaphore(%arg28 : memref<!tpu.dma_semaphore, #tpu.memory_space<semaphore_mem>>) src(%arg10 : memref<80x128xf32, #tpu.memory_space<vmem>>) dst(%dma_wait3A_667 : memref<2048x128xf32, #tpu.memory_space<vmem_shared>>)
      %add3A_668 = arith.constant 6 : i32
      %add3A_669 = arith.addi %mul3A_267, %add3A_668 : i32
      %add3A_670 = arith.constant 2 : i32
      %add3A_671 = arith.addi %add3A_669, %add3A_670 : i32
      %mul3A_672 = arith.constant 80 : i32
      %mul3A_673 = arith.muli %add3A_671, %mul3A_672 : i32
      %multiple_of3A_674 = tpu.assume_multiple %mul3A_673, 16 : i32
      %dma_start3A_675 = tpu.memref_slice %arg6[%multiple_of3A_674] : memref<10000xi32, #tpu.memory_space<vmem>> -> memref<80xi32, #tpu.memory_space<vmem>>
      %dma_start3A_676 = arith.constant 0 : i32
      %dma_start3A_677 = arith.constant 0 : i32
      %dma_start3A_678 = tpu.memref_slice %arg2[%dma_start3A_676, %dma_start3A_677] : memref<10240x128xf32, #tpu.memory_space<hbm>> -> memref<10240x128xf32, #tpu.memory_space<hbm>>
      tpu.enqueue_indirect_dma source(%dma_start3A_678 : memref<10240x128xf32, #tpu.memory_space<hbm>>) target(%arg10 : memref<80x128xf32, #tpu.memory_space<vmem>>) offsets(%dma_start3A_675 : memref<80xi32, #tpu.memory_space<vmem>>) semaphore(%arg22 : memref<!tpu.dma_semaphore, #tpu.memory_space<semaphore_mem>>)
      %add3A_679 = arith.constant 3 : i32
      %add3A_680 = arith.addi %mul3A_267, %add3A_679 : i32
      %add3A_681 = arith.constant 0 : i32
      %add3A_682 = arith.addi %add3A_680, %add3A_681 : i32
      %mul3A_683 = arith.constant 80 : i32
      %mul3A_684 = arith.muli %add3A_682, %mul3A_683 : i32
      %multiple_of3A_685 = tpu.assume_multiple %mul3A_684, 16 : i32
      %dma_wait3A_686 = tpu.memref_slice %arg6[%multiple_of3A_685] : memref<10000xi32, #tpu.memory_space<vmem>> -> memref<80xi32, #tpu.memory_space<vmem>>
      %dma_wait3A_687 = arith.constant 0 : i32
      %dma_wait3A_688 = arith.constant 0 : i32
      %dma_wait3A_689 = tpu.memref_slice %arg2[%dma_wait3A_687, %dma_wait3A_688] : memref<10240x128xf32, #tpu.memory_space<hbm>> -> memref<10240x128xf32, #tpu.memory_space<hbm>>
      tpu.wait_indirect_dma semaphore(%arg23 : memref<!tpu.dma_semaphore, #tpu.memory_space<semaphore_mem>>) src(%dma_wait3A_689 : memref<10240x128xf32, #tpu.memory_space<hbm>>) dst(%arg11 : memref<80x128xf32, #tpu.memory_space<vmem>>)
      %add3A_690 = arith.constant 3 : i32
      %add3A_691 = arith.addi %mul3A_267, %add3A_690 : i32
      %add3A_692 = arith.constant 0 : i32
      %add3A_693 = arith.addi %add3A_691, %add3A_692 : i32
      %dma_start3A_694 = arith.constant 0 : i32
      %dma_start3A_695 = arith.constant 0 : i32
      %dma_start3A_696 = tpu.memref_slice %arg35[%dma_start3A_694, %dma_start3A_695] : memref<2048x128xf32, #tpu.memory_space<vmem_shared>> -> memref<2048x128xf32, #tpu.memory_space<vmem_shared>>
      tpu.enqueue_indirect_dma source(%arg11 : memref<80x128xf32, #tpu.memory_space<vmem>>) target(%dma_start3A_696 : memref<2048x128xf32, #tpu.memory_space<vmem_shared>>) offsets(%arg17 : memref<80xi32, #tpu.memory_space<vmem>>) semaphore(%arg29 : memref<!tpu.dma_semaphore, #tpu.memory_space<semaphore_mem>>) {add = true}
      %add3A_697 = arith.constant 3 : i32
      %add3A_698 = arith.addi %mul3A_267, %add3A_697 : i32
      %add3A_699 = arith.constant 1 : i32
      %add3A_700 = arith.addi %add3A_698, %add3A_699 : i32
      %mul3A_701 = arith.constant 80 : i32
      %mul3A_702 = arith.muli %add3A_700, %mul3A_701 : i32
      %multiple_of3A_703 = tpu.assume_multiple %mul3A_702, 16 : i32
      %dma_wait3A_704 = tpu.memref_slice %arg6[%multiple_of3A_703] : memref<10000xi32, #tpu.memory_space<vmem>> -> memref<80xi32, #tpu.memory_space<vmem>>
      %dma_wait3A_705 = arith.constant 0 : i32
      %dma_wait3A_706 = arith.constant 0 : i32
      %dma_wait3A_707 = tpu.memref_slice %arg2[%dma_wait3A_705, %dma_wait3A_706] : memref<10240x128xf32, #tpu.memory_space<hbm>> -> memref<10240x128xf32, #tpu.memory_space<hbm>>
      tpu.wait_indirect_dma semaphore(%arg24 : memref<!tpu.dma_semaphore, #tpu.memory_space<semaphore_mem>>) src(%dma_wait3A_707 : memref<10240x128xf32, #tpu.memory_space<hbm>>) dst(%arg12 : memref<80x128xf32, #tpu.memory_space<vmem>>)
      %add3A_708 = arith.constant 3 : i32
      %add3A_709 = arith.addi %mul3A_267, %add3A_708 : i32
      %add3A_710 = arith.constant 1 : i32
      %add3A_711 = arith.addi %add3A_709, %add3A_710 : i32
      %dma_start3A_712 = arith.constant 0 : i32
      %dma_start3A_713 = arith.constant 0 : i32
      %dma_start3A_714 = tpu.memref_slice %arg35[%dma_start3A_712, %dma_start3A_713] : memref<2048x128xf32, #tpu.memory_space<vmem_shared>> -> memref<2048x128xf32, #tpu.memory_space<vmem_shared>>
      tpu.enqueue_indirect_dma source(%arg12 : memref<80x128xf32, #tpu.memory_space<vmem>>) target(%dma_start3A_714 : memref<2048x128xf32, #tpu.memory_space<vmem_shared>>) offsets(%arg18 : memref<80xi32, #tpu.memory_space<vmem>>) semaphore(%arg30 : memref<!tpu.dma_semaphore, #tpu.memory_space<semaphore_mem>>) {add = true}
      %add3A_715 = arith.constant 3 : i32
      %add3A_716 = arith.addi %mul3A_267, %add3A_715 : i32
      %add3A_717 = arith.constant 2 : i32
      %add3A_718 = arith.addi %add3A_716, %add3A_717 : i32
      %mul3A_719 = arith.constant 80 : i32
      %mul3A_720 = arith.muli %add3A_718, %mul3A_719 : i32
      %multiple_of3A_721 = tpu.assume_multiple %mul3A_720, 16 : i32
      %dma_wait3A_722 = tpu.memref_slice %arg6[%multiple_of3A_721] : memref<10000xi32, #tpu.memory_space<vmem>> -> memref<80xi32, #tpu.memory_space<vmem>>
      %dma_wait3A_723 = arith.constant 0 : i32
      %dma_wait3A_724 = arith.constant 0 : i32
      %dma_wait3A_725 = tpu.memref_slice %arg2[%dma_wait3A_723, %dma_wait3A_724] : memref<10240x128xf32, #tpu.memory_space<hbm>> -> memref<10240x128xf32, #tpu.memory_space<hbm>>
      tpu.wait_indirect_dma semaphore(%arg25 : memref<!tpu.dma_semaphore, #tpu.memory_space<semaphore_mem>>) src(%dma_wait3A_725 : memref<10240x128xf32, #tpu.memory_space<hbm>>) dst(%arg13 : memref<80x128xf32, #tpu.memory_space<vmem>>)
      %add3A_726 = arith.constant 3 : i32
      %add3A_727 = arith.addi %mul3A_267, %add3A_726 : i32
      %add3A_728 = arith.constant 2 : i32
      %add3A_729 = arith.addi %add3A_727, %add3A_728 : i32
      %dma_start3A_730 = arith.constant 0 : i32
      %dma_start3A_731 = arith.constant 0 : i32
      %dma_start3A_732 = tpu.memref_slice %arg35[%dma_start3A_730, %dma_start3A_731] : memref<2048x128xf32, #tpu.memory_space<vmem_shared>> -> memref<2048x128xf32, #tpu.memory_space<vmem_shared>>
      tpu.enqueue_indirect_dma source(%arg13 : memref<80x128xf32, #tpu.memory_space<vmem>>) target(%dma_start3A_732 : memref<2048x128xf32, #tpu.memory_space<vmem_shared>>) offsets(%arg19 : memref<80xi32, #tpu.memory_space<vmem>>) semaphore(%arg31 : memref<!tpu.dma_semaphore, #tpu.memory_space<semaphore_mem>>) {add = true}
      %add3A_733 = arith.constant 3 : i32
      %add3A_734 = arith.addi %mul3A_267, %add3A_733 : i32
      %add3A_735 = arith.constant 0 : i32
      %add3A_736 = arith.addi %add3A_734, %add3A_735 : i32
      %dma_wait3A_737 = arith.constant 0 : i32
      %dma_wait3A_738 = arith.constant 0 : i32
      %dma_wait3A_739 = tpu.memref_slice %arg35[%dma_wait3A_737, %dma_wait3A_738] : memref<2048x128xf32, #tpu.memory_space<vmem_shared>> -> memref<2048x128xf32, #tpu.memory_space<vmem_shared>>
      tpu.wait_indirect_dma semaphore(%arg29 : memref<!tpu.dma_semaphore, #tpu.memory_space<semaphore_mem>>) src(%arg11 : memref<80x128xf32, #tpu.memory_space<vmem>>) dst(%dma_wait3A_739 : memref<2048x128xf32, #tpu.memory_space<vmem_shared>>)
      %add3A_740 = arith.constant 3 : i32
      %add3A_741 = arith.addi %mul3A_267, %add3A_740 : i32
      %add3A_742 = arith.constant 1 : i32
      %add3A_743 = arith.addi %add3A_741, %add3A_742 : i32
      %dma_wait3A_744 = arith.constant 0 : i32
      %dma_wait3A_745 = arith.constant 0 : i32
      %dma_wait3A_746 = tpu.memref_slice %arg35[%dma_wait3A_744, %dma_wait3A_745] : memref<2048x128xf32, #tpu.memory_space<vmem_shared>> -> memref<2048x128xf32, #tpu.memory_space<vmem_shared>>
      tpu.wait_indirect_dma semaphore(%arg30 : memref<!tpu.dma_semaphore, #tpu.memory_space<semaphore_mem>>) src(%arg12 : memref<80x128xf32, #tpu.memory_space<vmem>>) dst(%dma_wait3A_746 : memref<2048x128xf32, #tpu.memory_space<vmem_shared>>)
      %add3A_747 = arith.constant 3 : i32
      %add3A_748 = arith.addi %mul3A_267, %add3A_747 : i32
      %add3A_749 = arith.constant 2 : i32
      %add3A_750 = arith.addi %add3A_748, %add3A_749 : i32
      %dma_wait3A_751 = arith.constant 0 : i32
      %dma_wait3A_752 = arith.constant 0 : i32
      %dma_wait3A_753 = tpu.memref_slice %arg35[%dma_wait3A_751, %dma_wait3A_752] : memref<2048x128xf32, #tpu.memory_space<vmem_shared>> -> memref<2048x128xf32, #tpu.memory_space<vmem_shared>>
      tpu.wait_indirect_dma semaphore(%arg31 : memref<!tpu.dma_semaphore, #tpu.memory_space<semaphore_mem>>) src(%arg13 : memref<80x128xf32, #tpu.memory_space<vmem>>) dst(%dma_wait3A_753 : memref<2048x128xf32, #tpu.memory_space<vmem_shared>>)
    }
    %scan3A_39 = arith.constant 20 : i32
    %multiple_of3A_40 = arith.constant 9840 : i32
    %multiple_of3A_41 = tpu.assume_multiple %multiple_of3A_40, 16 : i32
    %dma_start3A_42 = tpu.memref_slice %arg6[%multiple_of3A_41] : memref<10000xi32, #tpu.memory_space<vmem>> -> memref<80xi32, #tpu.memory_space<vmem>>
    %dma_start3A_43 = arith.constant 0 : i32
    %dma_start3A_44 = arith.constant 0 : i32
    %dma_start3A_45 = tpu.memref_slice %arg2[%dma_start3A_43, %dma_start3A_44] : memref<10240x128xf32, #tpu.memory_space<hbm>> -> memref<10240x128xf32, #tpu.memory_space<hbm>>
    tpu.enqueue_indirect_dma source(%dma_start3A_45 : memref<10240x128xf32, #tpu.memory_space<hbm>>) target(%arg11 : memref<80x128xf32, #tpu.memory_space<vmem>>) offsets(%dma_start3A_42 : memref<80xi32, #tpu.memory_space<vmem>>) semaphore(%arg23 : memref<!tpu.dma_semaphore, #tpu.memory_space<semaphore_mem>>)
    %multiple_of3A_46 = arith.constant 9920 : i32
    %multiple_of3A_47 = tpu.assume_multiple %multiple_of3A_46, 16 : i32
    %dma_start3A_48 = tpu.memref_slice %arg6[%multiple_of3A_47] : memref<10000xi32, #tpu.memory_space<vmem>> -> memref<80xi32, #tpu.memory_space<vmem>>
    %dma_start3A_49 = arith.constant 0 : i32
    %dma_start3A_50 = arith.constant 0 : i32
    %dma_start3A_51 = tpu.memref_slice %arg2[%dma_start3A_49, %dma_start3A_50] : memref<10240x128xf32, #tpu.memory_space<hbm>> -> memref<10240x128xf32, #tpu.memory_space<hbm>>
    tpu.enqueue_indirect_dma source(%dma_start3A_51 : memref<10240x128xf32, #tpu.memory_space<hbm>>) target(%arg12 : memref<80x128xf32, #tpu.memory_space<vmem>>) offsets(%dma_start3A_48 : memref<80xi32, #tpu.memory_space<vmem>>) semaphore(%arg24 : memref<!tpu.dma_semaphore, #tpu.memory_space<semaphore_mem>>)
    %multiple_of3A_52 = arith.constant 9600 : i32
    %multiple_of3A_53 = tpu.assume_multiple %multiple_of3A_52, 16 : i32
    %get3A = arith.index_cast %multiple_of3A_53 : i32 to index
    %get3A_54 = tpu.vector_load %arg7[%get3A] {strides = array<i32>} : memref<10000xi32, #tpu.memory_space<vmem>>, vector<16xi32>,
    %swap3A = arith.constant 0 : index
    %swap3A_55 = tpu.vector_load %arg14[%swap3A] {strides = array<i32>} : memref<80xi32, #tpu.memory_space<vmem>>, vector<16xi32>,
    tpu.vector_store %arg14[%swap3A], %get3A_54 {strides = array<i32>} : memref<80xi32, #tpu.memory_space<vmem>>, vector<16xi32>,
    %multiple_of3A_56 = arith.constant 9616 : i32
    %multiple_of3A_57 = tpu.assume_multiple %multiple_of3A_56, 16 : i32
    %get3A_58 = arith.index_cast %multiple_of3A_57 : i32 to index
    %get3A_59 = tpu.vector_load %arg7[%get3A_58] {strides = array<i32>} : memref<10000xi32, #tpu.memory_space<vmem>>, vector<16xi32>,
    %swap3A_60 = arith.constant 16 : index
    %swap3A_61 = tpu.vector_load %arg14[%swap3A_60] {strides = array<i32>} : memref<80xi32, #tpu.memory_space<vmem>>, vector<16xi32>,
    tpu.vector_store %arg14[%swap3A_60], %get3A_59 {strides = array<i32>} : memref<80xi32, #tpu.memory_space<vmem>>, vector<16xi32>,
    %multiple_of3A_62 = arith.constant 9632 : i32
    %multiple_of3A_63 = tpu.assume_multiple %multiple_of3A_62, 16 : i32
    %get3A_64 = arith.index_cast %multiple_of3A_63 : i32 to index
    %get3A_65 = tpu.vector_load %arg7[%get3A_64] {strides = array<i32>} : memref<10000xi32, #tpu.memory_space<vmem>>, vector<16xi32>,
    %swap3A_66 = arith.constant 32 : index
    %swap3A_67 = tpu.vector_load %arg14[%swap3A_66] {strides = array<i32>} : memref<80xi32, #tpu.memory_space<vmem>>, vector<16xi32>,
    tpu.vector_store %arg14[%swap3A_66], %get3A_65 {strides = array<i32>} : memref<80xi32, #tpu.memory_space<vmem>>, vector<16xi32>,
    %multiple_of3A_68 = arith.constant 9648 : i32
    %multiple_of3A_69 = tpu.assume_multiple %multiple_of3A_68, 16 : i32
    %get3A_70 = arith.index_cast %multiple_of3A_69 : i32 to index
    %get3A_71 = tpu.vector_load %arg7[%get3A_70] {strides = array<i32>} : memref<10000xi32, #tpu.memory_space<vmem>>, vector<16xi32>,
    %swap3A_72 = arith.constant 48 : index
    %swap3A_73 = tpu.vector_load %arg14[%swap3A_72] {strides = array<i32>} : memref<80xi32, #tpu.memory_space<vmem>>, vector<16xi32>,
    tpu.vector_store %arg14[%swap3A_72], %get3A_71 {strides = array<i32>} : memref<80xi32, #tpu.memory_space<vmem>>, vector<16xi32>,
    %multiple_of3A_74 = arith.constant 9664 : i32
    %multiple_of3A_75 = tpu.assume_multiple %multiple_of3A_74, 16 : i32
    %get3A_76 = arith.index_cast %multiple_of3A_75 : i32 to index
    %get3A_77 = tpu.vector_load %arg7[%get3A_76] {strides = array<i32>} : memref<10000xi32, #tpu.memory_space<vmem>>, vector<16xi32>,
    %swap3A_78 = arith.constant 64 : index
    %swap3A_79 = tpu.vector_load %arg14[%swap3A_78] {strides = array<i32>} : memref<80xi32, #tpu.memory_space<vmem>>, vector<16xi32>,
    tpu.vector_store %arg14[%swap3A_78], %get3A_77 {strides = array<i32>} : memref<80xi32, #tpu.memory_space<vmem>>, vector<16xi32>,
    %multiple_of3A_80 = arith.constant 9600 : i32
    %multiple_of3A_81 = tpu.assume_multiple %multiple_of3A_80, 16 : i32
    %dma_wait3A_82 = tpu.memref_slice %arg6[%multiple_of3A_81] : memref<10000xi32, #tpu.memory_space<vmem>> -> memref<80xi32, #tpu.memory_space<vmem>>
    %dma_wait3A_83 = arith.constant 0 : i32
    %dma_wait3A_84 = arith.constant 0 : i32
    %dma_wait3A_85 = tpu.memref_slice %arg2[%dma_wait3A_83, %dma_wait3A_84] : memref<10240x128xf32, #tpu.memory_space<hbm>> -> memref<10240x128xf32, #tpu.memory_space<hbm>>
    tpu.wait_indirect_dma semaphore(%arg20 : memref<!tpu.dma_semaphore, #tpu.memory_space<semaphore_mem>>) src(%dma_wait3A_85 : memref<10240x128xf32, #tpu.memory_space<hbm>>) dst(%arg8 : memref<80x128xf32, #tpu.memory_space<vmem>>)
    %dma_start3A_86 = arith.constant 0 : i32
    %dma_start3A_87 = arith.constant 0 : i32
    %dma_start3A_88 = tpu.memref_slice %arg35[%dma_start3A_86, %dma_start3A_87] : memref<2048x128xf32, #tpu.memory_space<vmem_shared>> -> memref<2048x128xf32, #tpu.memory_space<vmem_shared>>
    tpu.enqueue_indirect_dma source(%arg8 : memref<80x128xf32, #tpu.memory_space<vmem>>) target(%dma_start3A_88 : memref<2048x128xf32, #tpu.memory_space<vmem_shared>>) offsets(%arg14 : memref<80xi32, #tpu.memory_space<vmem>>) semaphore(%arg26 : memref<!tpu.dma_semaphore, #tpu.memory_space<semaphore_mem>>) {add = true}
    %multiple_of3A_89 = arith.constant 9680 : i32
    %multiple_of3A_90 = tpu.assume_multiple %multiple_of3A_89, 16 : i32
    %get3A_91 = arith.index_cast %multiple_of3A_90 : i32 to index
    %get3A_92 = tpu.vector_load %arg7[%get3A_91] {strides = array<i32>} : memref<10000xi32, #tpu.memory_space<vmem>>, vector<16xi32>,
    %swap3A_93 = arith.constant 0 : index
    %swap3A_94 = tpu.vector_load %arg15[%swap3A_93] {strides = array<i32>} : memref<80xi32, #tpu.memory_space<vmem>>, vector<16xi32>,
    tpu.vector_store %arg15[%swap3A_93], %get3A_92 {strides = array<i32>} : memref<80xi32, #tpu.memory_space<vmem>>, vector<16xi32>,
    %multiple_of3A_95 = arith.constant 9696 : i32
    %multiple_of3A_96 = tpu.assume_multiple %multiple_of3A_95, 16 : i32
    %get3A_97 = arith.index_cast %multiple_of3A_96 : i32 to index
    %get3A_98 = tpu.vector_load %arg7[%get3A_97] {strides = array<i32>} : memref<10000xi32, #tpu.memory_space<vmem>>, vector<16xi32>,
    %swap3A_99 = arith.constant 16 : index
    %swap3A_100 = tpu.vector_load %arg15[%swap3A_99] {strides = array<i32>} : memref<80xi32, #tpu.memory_space<vmem>>, vector<16xi32>,
    tpu.vector_store %arg15[%swap3A_99], %get3A_98 {strides = array<i32>} : memref<80xi32, #tpu.memory_space<vmem>>, vector<16xi32>,
    %multiple_of3A_101 = arith.constant 9712 : i32
    %multiple_of3A_102 = tpu.assume_multiple %multiple_of3A_101, 16 : i32
    %get3A_103 = arith.index_cast %multiple_of3A_102 : i32 to index
    %get3A_104 = tpu.vector_load %arg7[%get3A_103] {strides = array<i32>} : memref<10000xi32, #tpu.memory_space<vmem>>, vector<16xi32>,
    %swap3A_105 = arith.constant 32 : index
    %swap3A_106 = tpu.vector_load %arg15[%swap3A_105] {strides = array<i32>} : memref<80xi32, #tpu.memory_space<vmem>>, vector<16xi32>,
    tpu.vector_store %arg15[%swap3A_105], %get3A_104 {strides = array<i32>} : memref<80xi32, #tpu.memory_space<vmem>>, vector<16xi32>,
    %multiple_of3A_107 = arith.constant 9728 : i32
    %multiple_of3A_108 = tpu.assume_multiple %multiple_of3A_107, 16 : i32
    %get3A_109 = arith.index_cast %multiple_of3A_108 : i32 to index
    %get3A_110 = tpu.vector_load %arg7[%get3A_109] {strides = array<i32>} : memref<10000xi32, #tpu.memory_space<vmem>>, vector<16xi32>,
    %swap3A_111 = arith.constant 48 : index
    %swap3A_112 = tpu.vector_load %arg15[%swap3A_111] {strides = array<i32>} : memref<80xi32, #tpu.memory_space<vmem>>, vector<16xi32>,
    tpu.vector_store %arg15[%swap3A_111], %get3A_110 {strides = array<i32>} : memref<80xi32, #tpu.memory_space<vmem>>, vector<16xi32>,
    %multiple_of3A_113 = arith.constant 9744 : i32
    %multiple_of3A_114 = tpu.assume_multiple %multiple_of3A_113, 16 : i32
    %get3A_115 = arith.index_cast %multiple_of3A_114 : i32 to index
    %get3A_116 = tpu.vector_load %arg7[%get3A_115] {strides = array<i32>} : memref<10000xi32, #tpu.memory_space<vmem>>, vector<16xi32>,
    %swap3A_117 = arith.constant 64 : index
    %swap3A_118 = tpu.vector_load %arg15[%swap3A_117] {strides = array<i32>} : memref<80xi32, #tpu.memory_space<vmem>>, vector<16xi32>,
    tpu.vector_store %arg15[%swap3A_117], %get3A_116 {strides = array<i32>} : memref<80xi32, #tpu.memory_space<vmem>>, vector<16xi32>,
    %multiple_of3A_119 = arith.constant 9680 : i32
    %multiple_of3A_120 = tpu.assume_multiple %multiple_of3A_119, 16 : i32
    %dma_wait3A_121 = tpu.memref_slice %arg6[%multiple_of3A_120] : memref<10000xi32, #tpu.memory_space<vmem>> -> memref<80xi32, #tpu.memory_space<vmem>>
    %dma_wait3A_122 = arith.constant 0 : i32
    %dma_wait3A_123 = arith.constant 0 : i32
    %dma_wait3A_124 = tpu.memref_slice %arg2[%dma_wait3A_122, %dma_wait3A_123] : memref<10240x128xf32, #tpu.memory_space<hbm>> -> memref<10240x128xf32, #tpu.memory_space<hbm>>
    tpu.wait_indirect_dma semaphore(%arg21 : memref<!tpu.dma_semaphore, #tpu.memory_space<semaphore_mem>>) src(%dma_wait3A_124 : memref<10240x128xf32, #tpu.memory_space<hbm>>) dst(%arg9 : memref<80x128xf32, #tpu.memory_space<vmem>>)
    %dma_start3A_125 = arith.constant 0 : i32
    %dma_start3A_126 = arith.constant 0 : i32
    %dma_start3A_127 = tpu.memref_slice %arg35[%dma_start3A_125, %dma_start3A_126] : memref<2048x128xf32, #tpu.memory_space<vmem_shared>> -> memref<2048x128xf32, #tpu.memory_space<vmem_shared>>
    tpu.enqueue_indirect_dma source(%arg9 : memref<80x128xf32, #tpu.memory_space<vmem>>) target(%dma_start3A_127 : memref<2048x128xf32, #tpu.memory_space<vmem_shared>>) offsets(%arg15 : memref<80xi32, #tpu.memory_space<vmem>>) semaphore(%arg27 : memref<!tpu.dma_semaphore, #tpu.memory_space<semaphore_mem>>) {add = true}
    %multiple_of3A_128 = arith.constant 9760 : i32
    %multiple_of3A_129 = tpu.assume_multiple %multiple_of3A_128, 16 : i32
    %get3A_130 = arith.index_cast %multiple_of3A_129 : i32 to index
    %get3A_131 = tpu.vector_load %arg7[%get3A_130] {strides = array<i32>} : memref<10000xi32, #tpu.memory_space<vmem>>, vector<16xi32>,
    %swap3A_132 = arith.constant 0 : index
    %swap3A_133 = tpu.vector_load %arg16[%swap3A_132] {strides = array<i32>} : memref<80xi32, #tpu.memory_space<vmem>>, vector<16xi32>,
    tpu.vector_store %arg16[%swap3A_132], %get3A_131 {strides = array<i32>} : memref<80xi32, #tpu.memory_space<vmem>>, vector<16xi32>,
    %multiple_of3A_134 = arith.constant 9776 : i32
    %multiple_of3A_135 = tpu.assume_multiple %multiple_of3A_134, 16 : i32
    %get3A_136 = arith.index_cast %multiple_of3A_135 : i32 to index
    %get3A_137 = tpu.vector_load %arg7[%get3A_136] {strides = array<i32>} : memref<10000xi32, #tpu.memory_space<vmem>>, vector<16xi32>,
    %swap3A_138 = arith.constant 16 : index
    %swap3A_139 = tpu.vector_load %arg16[%swap3A_138] {strides = array<i32>} : memref<80xi32, #tpu.memory_space<vmem>>, vector<16xi32>,
    tpu.vector_store %arg16[%swap3A_138], %get3A_137 {strides = array<i32>} : memref<80xi32, #tpu.memory_space<vmem>>, vector<16xi32>,
    %multiple_of3A_140 = arith.constant 9792 : i32
    %multiple_of3A_141 = tpu.assume_multiple %multiple_of3A_140, 16 : i32
    %get3A_142 = arith.index_cast %multiple_of3A_141 : i32 to index
    %get3A_143 = tpu.vector_load %arg7[%get3A_142] {strides = array<i32>} : memref<10000xi32, #tpu.memory_space<vmem>>, vector<16xi32>,
    %swap3A_144 = arith.constant 32 : index
    %swap3A_145 = tpu.vector_load %arg16[%swap3A_144] {strides = array<i32>} : memref<80xi32, #tpu.memory_space<vmem>>, vector<16xi32>,
    tpu.vector_store %arg16[%swap3A_144], %get3A_143 {strides = array<i32>} : memref<80xi32, #tpu.memory_space<vmem>>, vector<16xi32>,
    %multiple_of3A_146 = arith.constant 9808 : i32
    %multiple_of3A_147 = tpu.assume_multiple %multiple_of3A_146, 16 : i32
    %get3A_148 = arith.index_cast %multiple_of3A_147 : i32 to index
    %get3A_149 = tpu.vector_load %arg7[%get3A_148] {strides = array<i32>} : memref<10000xi32, #tpu.memory_space<vmem>>, vector<16xi32>,
    %swap3A_150 = arith.constant 48 : index
    %swap3A_151 = tpu.vector_load %arg16[%swap3A_150] {strides = array<i32>} : memref<80xi32, #tpu.memory_space<vmem>>, vector<16xi32>,
    tpu.vector_store %arg16[%swap3A_150], %get3A_149 {strides = array<i32>} : memref<80xi32, #tpu.memory_space<vmem>>, vector<16xi32>,
    %multiple_of3A_152 = arith.constant 9824 : i32
    %multiple_of3A_153 = tpu.assume_multiple %multiple_of3A_152, 16 : i32
    %get3A_154 = arith.index_cast %multiple_of3A_153 : i32 to index
    %get3A_155 = tpu.vector_load %arg7[%get3A_154] {strides = array<i32>} : memref<10000xi32, #tpu.memory_space<vmem>>, vector<16xi32>,
    %swap3A_156 = arith.constant 64 : index
    %swap3A_157 = tpu.vector_load %arg16[%swap3A_156] {strides = array<i32>} : memref<80xi32, #tpu.memory_space<vmem>>, vector<16xi32>,
    tpu.vector_store %arg16[%swap3A_156], %get3A_155 {strides = array<i32>} : memref<80xi32, #tpu.memory_space<vmem>>, vector<16xi32>,
    %multiple_of3A_158 = arith.constant 9760 : i32
    %multiple_of3A_159 = tpu.assume_multiple %multiple_of3A_158, 16 : i32
    %dma_wait3A_160 = tpu.memref_slice %arg6[%multiple_of3A_159] : memref<10000xi32, #tpu.memory_space<vmem>> -> memref<80xi32, #tpu.memory_space<vmem>>
    %dma_wait3A_161 = arith.constant 0 : i32
    %dma_wait3A_162 = arith.constant 0 : i32
    %dma_wait3A_163 = tpu.memref_slice %arg2[%dma_wait3A_161, %dma_wait3A_162] : memref<10240x128xf32, #tpu.memory_space<hbm>> -> memref<10240x128xf32, #tpu.memory_space<hbm>>
    tpu.wait_indirect_dma semaphore(%arg22 : memref<!tpu.dma_semaphore, #tpu.memory_space<semaphore_mem>>) src(%dma_wait3A_163 : memref<10240x128xf32, #tpu.memory_space<hbm>>) dst(%arg10 : memref<80x128xf32, #tpu.memory_space<vmem>>)
    %dma_start3A_164 = arith.constant 0 : i32
    %dma_start3A_165 = arith.constant 0 : i32
    %dma_start3A_166 = tpu.memref_slice %arg35[%dma_start3A_164, %dma_start3A_165] : memref<2048x128xf32, #tpu.memory_space<vmem_shared>> -> memref<2048x128xf32, #tpu.memory_space<vmem_shared>>
    tpu.enqueue_indirect_dma source(%arg10 : memref<80x128xf32, #tpu.memory_space<vmem>>) target(%dma_start3A_166 : memref<2048x128xf32, #tpu.memory_space<vmem_shared>>) offsets(%arg16 : memref<80xi32, #tpu.memory_space<vmem>>) semaphore(%arg28 : memref<!tpu.dma_semaphore, #tpu.memory_space<semaphore_mem>>) {add = true}
    %multiple_of3A_167 = arith.constant 9840 : i32
    %multiple_of3A_168 = tpu.assume_multiple %multiple_of3A_167, 16 : i32
    %get3A_169 = arith.index_cast %multiple_of3A_168 : i32 to index
    %get3A_170 = tpu.vector_load %arg7[%get3A_169] {strides = array<i32>} : memref<10000xi32, #tpu.memory_space<vmem>>, vector<16xi32>,
    %swap3A_171 = arith.constant 0 : index
    %swap3A_172 = tpu.vector_load %arg17[%swap3A_171] {strides = array<i32>} : memref<80xi32, #tpu.memory_space<vmem>>, vector<16xi32>,
    tpu.vector_store %arg17[%swap3A_171], %get3A_170 {strides = array<i32>} : memref<80xi32, #tpu.memory_space<vmem>>, vector<16xi32>,
    %multiple_of3A_173 = arith.constant 9856 : i32
    %multiple_of3A_174 = tpu.assume_multiple %multiple_of3A_173, 16 : i32
    %get3A_175 = arith.index_cast %multiple_of3A_174 : i32 to index
    %get3A_176 = tpu.vector_load %arg7[%get3A_175] {strides = array<i32>} : memref<10000xi32, #tpu.memory_space<vmem>>, vector<16xi32>,
    %swap3A_177 = arith.constant 16 : index
    %swap3A_178 = tpu.vector_load %arg17[%swap3A_177] {strides = array<i32>} : memref<80xi32, #tpu.memory_space<vmem>>, vector<16xi32>,
    tpu.vector_store %arg17[%swap3A_177], %get3A_176 {strides = array<i32>} : memref<80xi32, #tpu.memory_space<vmem>>, vector<16xi32>,
    %multiple_of3A_179 = arith.constant 9872 : i32
    %multiple_of3A_180 = tpu.assume_multiple %multiple_of3A_179, 16 : i32
    %get3A_181 = arith.index_cast %multiple_of3A_180 : i32 to index
    %get3A_182 = tpu.vector_load %arg7[%get3A_181] {strides = array<i32>} : memref<10000xi32, #tpu.memory_space<vmem>>, vector<16xi32>,
    %swap3A_183 = arith.constant 32 : index
    %swap3A_184 = tpu.vector_load %arg17[%swap3A_183] {strides = array<i32>} : memref<80xi32, #tpu.memory_space<vmem>>, vector<16xi32>,
    tpu.vector_store %arg17[%swap3A_183], %get3A_182 {strides = array<i32>} : memref<80xi32, #tpu.memory_space<vmem>>, vector<16xi32>,
    %multiple_of3A_185 = arith.constant 9888 : i32
    %multiple_of3A_186 = tpu.assume_multiple %multiple_of3A_185, 16 : i32
    %get3A_187 = arith.index_cast %multiple_of3A_186 : i32 to index
    %get3A_188 = tpu.vector_load %arg7[%get3A_187] {strides = array<i32>} : memref<10000xi32, #tpu.memory_space<vmem>>, vector<16xi32>,
    %swap3A_189 = arith.constant 48 : index
    %swap3A_190 = tpu.vector_load %arg17[%swap3A_189] {strides = array<i32>} : memref<80xi32, #tpu.memory_space<vmem>>, vector<16xi32>,
    tpu.vector_store %arg17[%swap3A_189], %get3A_188 {strides = array<i32>} : memref<80xi32, #tpu.memory_space<vmem>>, vector<16xi32>,
    %multiple_of3A_191 = arith.constant 9904 : i32
    %multiple_of3A_192 = tpu.assume_multiple %multiple_of3A_191, 16 : i32
    %get3A_193 = arith.index_cast %multiple_of3A_192 : i32 to index
    %get3A_194 = tpu.vector_load %arg7[%get3A_193] {strides = array<i32>} : memref<10000xi32, #tpu.memory_space<vmem>>, vector<16xi32>,
    %swap3A_195 = arith.constant 64 : index
    %swap3A_196 = tpu.vector_load %arg17[%swap3A_195] {strides = array<i32>} : memref<80xi32, #tpu.memory_space<vmem>>, vector<16xi32>,
    tpu.vector_store %arg17[%swap3A_195], %get3A_194 {strides = array<i32>} : memref<80xi32, #tpu.memory_space<vmem>>, vector<16xi32>,
    %multiple_of3A_197 = arith.constant 9840 : i32
    %multiple_of3A_198 = tpu.assume_multiple %multiple_of3A_197, 16 : i32
    %dma_wait3A_199 = tpu.memref_slice %arg6[%multiple_of3A_198] : memref<10000xi32, #tpu.memory_space<vmem>> -> memref<80xi32, #tpu.memory_space<vmem>>
    %dma_wait3A_200 = arith.constant 0 : i32
    %dma_wait3A_201 = arith.constant 0 : i32
    %dma_wait3A_202 = tpu.memref_slice %arg2[%dma_wait3A_200, %dma_wait3A_201] : memref<10240x128xf32, #tpu.memory_space<hbm>> -> memref<10240x128xf32, #tpu.memory_space<hbm>>
    tpu.wait_indirect_dma semaphore(%arg23 : memref<!tpu.dma_semaphore, #tpu.memory_space<semaphore_mem>>) src(%dma_wait3A_202 : memref<10240x128xf32, #tpu.memory_space<hbm>>) dst(%arg11 : memref<80x128xf32, #tpu.memory_space<vmem>>)
    %dma_start3A_203 = arith.constant 0 : i32
    %dma_start3A_204 = arith.constant 0 : i32
    %dma_start3A_205 = tpu.memref_slice %arg35[%dma_start3A_203, %dma_start3A_204] : memref<2048x128xf32, #tpu.memory_space<vmem_shared>> -> memref<2048x128xf32, #tpu.memory_space<vmem_shared>>
    tpu.enqueue_indirect_dma source(%arg11 : memref<80x128xf32, #tpu.memory_space<vmem>>) target(%dma_start3A_205 : memref<2048x128xf32, #tpu.memory_space<vmem_shared>>) offsets(%arg17 : memref<80xi32, #tpu.memory_space<vmem>>) semaphore(%arg29 : memref<!tpu.dma_semaphore, #tpu.memory_space<semaphore_mem>>) {add = true}
    %multiple_of3A_206 = arith.constant 9920 : i32
    %multiple_of3A_207 = tpu.assume_multiple %multiple_of3A_206, 16 : i32
    %get3A_208 = arith.index_cast %multiple_of3A_207 : i32 to index
    %get3A_209 = tpu.vector_load %arg7[%get3A_208] {strides = array<i32>} : memref<10000xi32, #tpu.memory_space<vmem>>, vector<16xi32>,
    %swap3A_210 = arith.constant 0 : index
    %swap3A_211 = tpu.vector_load %arg18[%swap3A_210] {strides = array<i32>} : memref<80xi32, #tpu.memory_space<vmem>>, vector<16xi32>,
    tpu.vector_store %arg18[%swap3A_210], %get3A_209 {strides = array<i32>} : memref<80xi32, #tpu.memory_space<vmem>>, vector<16xi32>,
    %multiple_of3A_212 = arith.constant 9936 : i32
    %multiple_of3A_213 = tpu.assume_multiple %multiple_of3A_212, 16 : i32
    %get3A_214 = arith.index_cast %multiple_of3A_213 : i32 to index
    %get3A_215 = tpu.vector_load %arg7[%get3A_214] {strides = array<i32>} : memref<10000xi32, #tpu.memory_space<vmem>>, vector<16xi32>,
    %swap3A_216 = arith.constant 16 : index
    %swap3A_217 = tpu.vector_load %arg18[%swap3A_216] {strides = array<i32>} : memref<80xi32, #tpu.memory_space<vmem>>, vector<16xi32>,
    tpu.vector_store %arg18[%swap3A_216], %get3A_215 {strides = array<i32>} : memref<80xi32, #tpu.memory_space<vmem>>, vector<16xi32>,
    %multiple_of3A_218 = arith.constant 9952 : i32
    %multiple_of3A_219 = tpu.assume_multiple %multiple_of3A_218, 16 : i32
    %get3A_220 = arith.index_cast %multiple_of3A_219 : i32 to index
    %get3A_221 = tpu.vector_load %arg7[%get3A_220] {strides = array<i32>} : memref<10000xi32, #tpu.memory_space<vmem>>, vector<16xi32>,
    %swap3A_222 = arith.constant 32 : index
    %swap3A_223 = tpu.vector_load %arg18[%swap3A_222] {strides = array<i32>} : memref<80xi32, #tpu.memory_space<vmem>>, vector<16xi32>,
    tpu.vector_store %arg18[%swap3A_222], %get3A_221 {strides = array<i32>} : memref<80xi32, #tpu.memory_space<vmem>>, vector<16xi32>,
    %multiple_of3A_224 = arith.constant 9968 : i32
    %multiple_of3A_225 = tpu.assume_multiple %multiple_of3A_224, 16 : i32
    %get3A_226 = arith.index_cast %multiple_of3A_225 : i32 to index
    %get3A_227 = tpu.vector_load %arg7[%get3A_226] {strides = array<i32>} : memref<10000xi32, #tpu.memory_space<vmem>>, vector<16xi32>,
    %swap3A_228 = arith.constant 48 : index
    %swap3A_229 = tpu.vector_load %arg18[%swap3A_228] {strides = array<i32>} : memref<80xi32, #tpu.memory_space<vmem>>, vector<16xi32>,
    tpu.vector_store %arg18[%swap3A_228], %get3A_227 {strides = array<i32>} : memref<80xi32, #tpu.memory_space<vmem>>, vector<16xi32>,
    %multiple_of3A_230 = arith.constant 9984 : i32
    %multiple_of3A_231 = tpu.assume_multiple %multiple_of3A_230, 16 : i32
    %get3A_232 = arith.index_cast %multiple_of3A_231 : i32 to index
    %get3A_233 = tpu.vector_load %arg7[%get3A_232] {strides = array<i32>} : memref<10000xi32, #tpu.memory_space<vmem>>, vector<16xi32>,
    %swap3A_234 = arith.constant 64 : index
    %swap3A_235 = tpu.vector_load %arg18[%swap3A_234] {strides = array<i32>} : memref<80xi32, #tpu.memory_space<vmem>>, vector<16xi32>,
    tpu.vector_store %arg18[%swap3A_234], %get3A_233 {strides = array<i32>} : memref<80xi32, #tpu.memory_space<vmem>>, vector<16xi32>,
    %multiple_of3A_236 = arith.constant 9920 : i32
    %multiple_of3A_237 = tpu.assume_multiple %multiple_of3A_236, 16 : i32
    %dma_wait3A_238 = tpu.memref_slice %arg6[%multiple_of3A_237] : memref<10000xi32, #tpu.memory_space<vmem>> -> memref<80xi32, #tpu.memory_space<vmem>>
    %dma_wait3A_239 = arith.constant 0 : i32
    %dma_wait3A_240 = arith.constant 0 : i32
    %dma_wait3A_241 = tpu.memref_slice %arg2[%dma_wait3A_239, %dma_wait3A_240] : memref<10240x128xf32, #tpu.memory_space<hbm>> -> memref<10240x128xf32, #tpu.memory_space<hbm>>
    tpu.wait_indirect_dma semaphore(%arg24 : memref<!tpu.dma_semaphore, #tpu.memory_space<semaphore_mem>>) src(%dma_wait3A_241 : memref<10240x128xf32, #tpu.memory_space<hbm>>) dst(%arg12 : memref<80x128xf32, #tpu.memory_space<vmem>>)
    %dma_start3A_242 = arith.constant 0 : i32
    %dma_start3A_243 = arith.constant 0 : i32
    %dma_start3A_244 = tpu.memref_slice %arg35[%dma_start3A_242, %dma_start3A_243] : memref<2048x128xf32, #tpu.memory_space<vmem_shared>> -> memref<2048x128xf32, #tpu.memory_space<vmem_shared>>
    tpu.enqueue_indirect_dma source(%arg12 : memref<80x128xf32, #tpu.memory_space<vmem>>) target(%dma_start3A_244 : memref<2048x128xf32, #tpu.memory_space<vmem_shared>>) offsets(%arg18 : memref<80xi32, #tpu.memory_space<vmem>>) semaphore(%arg30 : memref<!tpu.dma_semaphore, #tpu.memory_space<semaphore_mem>>) {add = true}
    %dma_wait3A_245 = arith.constant 0 : i32
    %dma_wait3A_246 = arith.constant 0 : i32
    %dma_wait3A_247 = tpu.memref_slice %arg35[%dma_wait3A_245, %dma_wait3A_246] : memref<2048x128xf32, #tpu.memory_space<vmem_shared>> -> memref<2048x128xf32, #tpu.memory_space<vmem_shared>>
    tpu.wait_indirect_dma semaphore(%arg26 : memref<!tpu.dma_semaphore, #tpu.memory_space<semaphore_mem>>) src(%arg8 : memref<80x128xf32, #tpu.memory_space<vmem>>) dst(%dma_wait3A_247 : memref<2048x128xf32, #tpu.memory_space<vmem_shared>>)
    %dma_wait3A_248 = arith.constant 0 : i32
    %dma_wait3A_249 = arith.constant 0 : i32
    %dma_wait3A_250 = tpu.memref_slice %arg35[%dma_wait3A_248, %dma_wait3A_249] : memref<2048x128xf32, #tpu.memory_space<vmem_shared>> -> memref<2048x128xf32, #tpu.memory_space<vmem_shared>>
    tpu.wait_indirect_dma semaphore(%arg27 : memref<!tpu.dma_semaphore, #tpu.memory_space<semaphore_mem>>) src(%arg9 : memref<80x128xf32, #tpu.memory_space<vmem>>) dst(%dma_wait3A_250 : memref<2048x128xf32, #tpu.memory_space<vmem_shared>>)
    %dma_wait3A_251 = arith.constant 0 : i32
    %dma_wait3A_252 = arith.constant 0 : i32
    %dma_wait3A_253 = tpu.memref_slice %arg35[%dma_wait3A_251, %dma_wait3A_252] : memref<2048x128xf32, #tpu.memory_space<vmem_shared>> -> memref<2048x128xf32, #tpu.memory_space<vmem_shared>>
    tpu.wait_indirect_dma semaphore(%arg28 : memref<!tpu.dma_semaphore, #tpu.memory_space<semaphore_mem>>) src(%arg10 : memref<80x128xf32, #tpu.memory_space<vmem>>) dst(%dma_wait3A_253 : memref<2048x128xf32, #tpu.memory_space<vmem_shared>>)
    %dma_wait3A_254 = arith.constant 0 : i32
    %dma_wait3A_255 = arith.constant 0 : i32
    %dma_wait3A_256 = tpu.memref_slice %arg35[%dma_wait3A_254, %dma_wait3A_255] : memref<2048x128xf32, #tpu.memory_space<vmem_shared>> -> memref<2048x128xf32, #tpu.memory_space<vmem_shared>>
    tpu.wait_indirect_dma semaphore(%arg29 : memref<!tpu.dma_semaphore, #tpu.memory_space<semaphore_mem>>) src(%arg11 : memref<80x128xf32, #tpu.memory_space<vmem>>) dst(%dma_wait3A_256 : memref<2048x128xf32, #tpu.memory_space<vmem_shared>>)
    %dma_wait3A_257 = arith.constant 0 : i32
    %dma_wait3A_258 = arith.constant 0 : i32
    %dma_wait3A_259 = tpu.memref_slice %arg35[%dma_wait3A_257, %dma_wait3A_258] : memref<2048x128xf32, #tpu.memory_space<vmem_shared>> -> memref<2048x128xf32, #tpu.memory_space<vmem_shared>>
    tpu.wait_indirect_dma semaphore(%arg30 : memref<!tpu.dma_semaphore, #tpu.memory_space<semaphore_mem>>) src(%arg12 : memref<80x128xf32, #tpu.memory_space<vmem>>) dst(%dma_wait3A_259 : memref<2048x128xf32, #tpu.memory_space<vmem_shared>>)
    %barrier3A_260 = arith.constant 0 : index
    tpu.barrier barrier_id(%barrier3A_260)
    %mul3A_261 = arith.constant 128 : i32
    %mul3A_262 = arith.muli %arg1, %mul3A_261 : i32
    %mul3A_263 = arith.constant 128 : i32
    %mul3A_264 = arith.muli %arg1, %mul3A_263 : i32
    "tpu.region"() ({
      %run_scoped3A = tpu.sem_alloc : memref<!tpu.dma_semaphore, #tpu.memory_space<semaphore_mem>>
      %dma_start3A_265 = arith.constant 0 : i32
      %dma_start3A_266 = tpu.memref_slice %arg5[%arg0, %mul3A_264, %dma_start3A_265] : memref<2x2048x128xf32, #tpu.memory_space<hbm>> -> memref<1x128x128xf32, #tpu.memory_space<hbm>>
      %dma_start3A_267 = tpu.memref_squeeze %dma_start3A_266 : memref<1x128x128xf32, #tpu.memory_space<hbm>> -> memref<128x128xf32, #tpu.memory_space<hbm>>
      %dma_start3A_268 = arith.constant 0 : i32
      %dma_start3A_269 = tpu.memref_slice %arg35[%mul3A_262, %dma_start3A_268] : memref<2048x128xf32, #tpu.memory_space<vmem_shared>> -> memref<128x128xf32, #tpu.memory_space<vmem_shared>>
      tpu.enqueue_dma source(%dma_start3A_269 : memref<128x128xf32, #tpu.memory_space<vmem_shared>>) target(%dma_start3A_267 : memref<128x128xf32, #tpu.memory_space<hbm>>) target_semaphore(%run_scoped3A : memref<!tpu.dma_semaphore, #tpu.memory_space<semaphore_mem>>)
      %dma_wait3A_270 = arith.constant 0 : i32
      %dma_wait3A_271 = tpu.memref_slice %arg5[%arg0, %mul3A_264, %dma_wait3A_270] : memref<2x2048x128xf32, #tpu.memory_space<hbm>> -> memref<1x128x128xf32, #tpu.memory_space<hbm>>
      %dma_wait3A_272 = tpu.memref_squeeze %dma_wait3A_271 : memref<1x128x128xf32, #tpu.memory_space<hbm>> -> memref<128x128xf32, #tpu.memory_space<hbm>>
      %dma_wait3A_273 = arith.constant 0 : i32
      %dma_wait3A_274 = tpu.memref_slice %arg35[%mul3A_262, %dma_wait3A_273] : memref<2048x128xf32, #tpu.memory_space<vmem_shared>> -> memref<128x128xf32, #tpu.memory_space<vmem_shared>>
      tpu.wait_dma2 semaphore(%run_scoped3A : memref<!tpu.dma_semaphore, #tpu.memory_space<semaphore_mem>>) src(%dma_wait3A_274 : memref<128x128xf32, #tpu.memory_space<vmem_shared>>) dst(%dma_wait3A_272 : memref<128x128xf32, #tpu.memory_space<hbm>>)
      tpu.yield
    }) : () -> ()
    return
  }
}

#map = affine_map<(d0, d1) -> (0, 0)>
#map1 = affine_map<(d0, d1) -> (0)>
module attributes {stable_mosaic.version = 14 : i64} {
  func.func @_gather_hist(%arg0: i32, %arg1: i32, %arg2: memref<10000x128xf32, #tpu.memory_space<hbm>>, %arg3: memref<10000xi32, #tpu.memory_space<hbm>>, %arg4: memref<320000xi32, #tpu.memory_space<hbm>>, %arg5: memref<320000xi32, #tpu.memory_space<hbm>>, %arg6: memref<10240x128xf32, #tpu.memory_space<hbm>>, %arg7: memref<12288xf32, #tpu.memory_space<hbm>>, %arg8: memref<12288xf32, #tpu.memory_space<hbm>>, %arg9: memref<320xi32, #tpu.memory_space<vmem>>, %arg10: memref<80x128xf32, #tpu.memory_space<vmem>>, %arg11: memref<80x128xf32, #tpu.memory_space<vmem>>, %arg12: memref<80x128xf32, #tpu.memory_space<vmem>>, %arg13: memref<80x128xf32, #tpu.memory_space<vmem>>, %arg14: memref<!tpu.dma_semaphore, #tpu.memory_space<semaphore_mem>>, %arg15: memref<!tpu.dma_semaphore, #tpu.memory_space<semaphore_mem>>, %arg16: memref<!tpu.dma_semaphore, #tpu.memory_space<semaphore_mem>>, %arg17: memref<!tpu.dma_semaphore, #tpu.memory_space<semaphore_mem>>, %arg18: memref<10000xi32, #tpu.memory_space<vmem>>, %arg19: memref<10000xi32, #tpu.memory_space<vmem>>, %arg20: memref<!tpu.dma_semaphore, #tpu.memory_space<semaphore_mem>>, %arg21: memref<!tpu.dma_semaphore, #tpu.memory_space<semaphore_mem>>, %arg22: memref<12288xf32, #tpu.memory_space<vmem>>, %arg23: memref<768xf32, #tpu.memory_space<vmem>>, %arg24: memref<16x768xf32, #tpu.memory_space<vmem>>, %arg25: memref<16x12288xf32, #tpu.memory_space<vmem_shared>>) attributes {dimension_semantics = [#tpu.dimension_semantics<core_parallel>, #tpu.dimension_semantics<subcore_parallel>], iteration_bounds = array<i64: 2, 16>, scalar_prefetch = 0 : i64, scratch_operands = 17 : i64, tpu.core_type = #tpu.core_type<sc_vector_subcore>, window_params = [{transform_indices = #map}, {transform_indices = #map1}, {transform_indices = #map1}, {transform_indices = #map1}, {transform_indices = #map}, {transform_indices = #map1}, {transform_indices = #map1}]} {
    %mul3A = arith.constant 2 : i32
    %mul3A_0 = arith.muli %arg1, %mul3A : i32
    %add3A = arith.addi %mul3A_0, %arg0 : i32
    %broadcast_in_dim3A = arith.constant 0.000000e+00 : f32
    %broadcast_in_dim3A_1 = vector.broadcast %broadcast_in_dim3A : f32 to vector<16xf32>
    %broadcast_in_dim3A_2 = arith.constant 1.000000e+00 : f32
    %broadcast_in_dim3A_3 = vector.broadcast %broadcast_in_dim3A_2 : f32 to vector<16xf32>
    %mul3A_4 = arith.constant 320 : i32
    %mul3A_5 = arith.muli %add3A, %mul3A_4 : i32
    %add3A_6 = arith.constant 80 : i32
    %add3A_7 = arith.addi %mul3A_5, %add3A_6 : i32
    %le3A = arith.constant 10000 : i32
    %le3A_8 = arith.cmpi sle, %add3A_7, %le3A : i32
    %convert_element_type3A = arith.extui %le3A_8 : i1 to i32
    %cond3A = arith.constant 0 : i32
    %cond3A_9 = arith.cmpi ne, %convert_element_type3A, %cond3A : i32
    scf.if %cond3A_9 {
      %add3A_122 = arith.constant 0 : i32
      %add3A_123 = arith.addi %mul3A_5, %add3A_122 : i32
      "tpu.region"() ({
        %run_scoped3A = tpu.sem_alloc : memref<!tpu.dma_semaphore, #tpu.memory_space<semaphore_mem>>
        %dma_start3A_124 = arith.constant 0 : i32
        %dma_start3A_125 = tpu.memref_slice %arg9[%dma_start3A_124] : memref<320xi32, #tpu.memory_space<vmem>> -> memref<80xi32, #tpu.memory_space<vmem>>
        %dma_start3A_126 = tpu.memref_slice %arg3[%add3A_123] : memref<10000xi32, #tpu.memory_space<hbm>> -> memref<80xi32, #tpu.memory_space<hbm>>
        %dma_start3A_127 = arith.constant 0 : i32
        %dma_start3A_128 = tpu.memref_slice %arg9[%dma_start3A_127] : memref<320xi32, #tpu.memory_space<vmem>> -> memref<80xi32, #tpu.memory_space<vmem>>
        %dma_start3A_129 = tpu.memref_slice %arg3[%add3A_123] : memref<10000xi32, #tpu.memory_space<hbm>> -> memref<80xi32, #tpu.memory_space<hbm>>
        tpu.enqueue_dma source(%dma_start3A_129 : memref<80xi32, #tpu.memory_space<hbm>>) target(%dma_start3A_128 : memref<80xi32, #tpu.memory_space<vmem>>) target_semaphore(%run_scoped3A : memref<!tpu.dma_semaphore, #tpu.memory_space<semaphore_mem>>)
        %dma_wait3A_130 = arith.constant 0 : i32
        %dma_wait3A_131 = tpu.memref_slice %arg9[%dma_wait3A_130] : memref<320xi32, #tpu.memory_space<vmem>> -> memref<80xi32, #tpu.memory_space<vmem>>
        %dma_wait3A_132 = tpu.memref_slice %arg3[%add3A_123] : memref<10000xi32, #tpu.memory_space<hbm>> -> memref<80xi32, #tpu.memory_space<hbm>>
        %dma_wait3A_133 = arith.constant 0 : i32
        %dma_wait3A_134 = tpu.memref_slice %arg9[%dma_wait3A_133] : memref<320xi32, #tpu.memory_space<vmem>> -> memref<80xi32, #tpu.memory_space<vmem>>
        %dma_wait3A_135 = tpu.memref_slice %arg3[%add3A_123] : memref<10000xi32, #tpu.memory_space<hbm>> -> memref<80xi32, #tpu.memory_space<hbm>>
        tpu.wait_dma2 semaphore(%run_scoped3A : memref<!tpu.dma_semaphore, #tpu.memory_space<semaphore_mem>>) src(%dma_wait3A_135 : memref<80xi32, #tpu.memory_space<hbm>>) dst(%dma_wait3A_134 : memref<80xi32, #tpu.memory_space<vmem>>)
        tpu.yield
      }) : () -> ()
    } else {
    }
    %add3A_10 = arith.constant 160 : i32
    %add3A_11 = arith.addi %mul3A_5, %add3A_10 : i32
    %le3A_12 = arith.constant 10000 : i32
    %le3A_13 = arith.cmpi sle, %add3A_11, %le3A_12 : i32
    %convert_element_type3A_14 = arith.extui %le3A_13 : i1 to i32
    %cond3A_15 = arith.constant 0 : i32
    %cond3A_16 = arith.cmpi ne, %convert_element_type3A_14, %cond3A_15 : i32
    scf.if %cond3A_16 {
      %add3A_122 = arith.constant 80 : i32
      %add3A_123 = arith.addi %mul3A_5, %add3A_122 : i32
      "tpu.region"() ({
        %run_scoped3A = tpu.sem_alloc : memref<!tpu.dma_semaphore, #tpu.memory_space<semaphore_mem>>
        %dma_start3A_124 = arith.constant 80 : i32
        %dma_start3A_125 = tpu.memref_slice %arg9[%dma_start3A_124] : memref<320xi32, #tpu.memory_space<vmem>> -> memref<80xi32, #tpu.memory_space<vmem>>
        %dma_start3A_126 = tpu.memref_slice %arg3[%add3A_123] : memref<10000xi32, #tpu.memory_space<hbm>> -> memref<80xi32, #tpu.memory_space<hbm>>
        %dma_start3A_127 = arith.constant 80 : i32
        %dma_start3A_128 = tpu.memref_slice %arg9[%dma_start3A_127] : memref<320xi32, #tpu.memory_space<vmem>> -> memref<80xi32, #tpu.memory_space<vmem>>
        %dma_start3A_129 = tpu.memref_slice %arg3[%add3A_123] : memref<10000xi32, #tpu.memory_space<hbm>> -> memref<80xi32, #tpu.memory_space<hbm>>
        tpu.enqueue_dma source(%dma_start3A_129 : memref<80xi32, #tpu.memory_space<hbm>>) target(%dma_start3A_128 : memref<80xi32, #tpu.memory_space<vmem>>) target_semaphore(%run_scoped3A : memref<!tpu.dma_semaphore, #tpu.memory_space<semaphore_mem>>)
        %dma_wait3A_130 = arith.constant 80 : i32
        %dma_wait3A_131 = tpu.memref_slice %arg9[%dma_wait3A_130] : memref<320xi32, #tpu.memory_space<vmem>> -> memref<80xi32, #tpu.memory_space<vmem>>
        %dma_wait3A_132 = tpu.memref_slice %arg3[%add3A_123] : memref<10000xi32, #tpu.memory_space<hbm>> -> memref<80xi32, #tpu.memory_space<hbm>>
        %dma_wait3A_133 = arith.constant 80 : i32
        %dma_wait3A_134 = tpu.memref_slice %arg9[%dma_wait3A_133] : memref<320xi32, #tpu.memory_space<vmem>> -> memref<80xi32, #tpu.memory_space<vmem>>
        %dma_wait3A_135 = tpu.memref_slice %arg3[%add3A_123] : memref<10000xi32, #tpu.memory_space<hbm>> -> memref<80xi32, #tpu.memory_space<hbm>>
        tpu.wait_dma2 semaphore(%run_scoped3A : memref<!tpu.dma_semaphore, #tpu.memory_space<semaphore_mem>>) src(%dma_wait3A_135 : memref<80xi32, #tpu.memory_space<hbm>>) dst(%dma_wait3A_134 : memref<80xi32, #tpu.memory_space<vmem>>)
        tpu.yield
      }) : () -> ()
    } else {
    }
    %add3A_17 = arith.constant 240 : i32
    %add3A_18 = arith.addi %mul3A_5, %add3A_17 : i32
    %le3A_19 = arith.constant 10000 : i32
    %le3A_20 = arith.cmpi sle, %add3A_18, %le3A_19 : i32
    %convert_element_type3A_21 = arith.extui %le3A_20 : i1 to i32
    %cond3A_22 = arith.constant 0 : i32
    %cond3A_23 = arith.cmpi ne, %convert_element_type3A_21, %cond3A_22 : i32
    scf.if %cond3A_23 {
      %add3A_122 = arith.constant 160 : i32
      %add3A_123 = arith.addi %mul3A_5, %add3A_122 : i32
      "tpu.region"() ({
        %run_scoped3A = tpu.sem_alloc : memref<!tpu.dma_semaphore, #tpu.memory_space<semaphore_mem>>
        %dma_start3A_124 = arith.constant 160 : i32
        %dma_start3A_125 = tpu.memref_slice %arg9[%dma_start3A_124] : memref<320xi32, #tpu.memory_space<vmem>> -> memref<80xi32, #tpu.memory_space<vmem>>
        %dma_start3A_126 = tpu.memref_slice %arg3[%add3A_123] : memref<10000xi32, #tpu.memory_space<hbm>> -> memref<80xi32, #tpu.memory_space<hbm>>
        %dma_start3A_127 = arith.constant 160 : i32
        %dma_start3A_128 = tpu.memref_slice %arg9[%dma_start3A_127] : memref<320xi32, #tpu.memory_space<vmem>> -> memref<80xi32, #tpu.memory_space<vmem>>
        %dma_start3A_129 = tpu.memref_slice %arg3[%add3A_123] : memref<10000xi32, #tpu.memory_space<hbm>> -> memref<80xi32, #tpu.memory_space<hbm>>
        tpu.enqueue_dma source(%dma_start3A_129 : memref<80xi32, #tpu.memory_space<hbm>>) target(%dma_start3A_128 : memref<80xi32, #tpu.memory_space<vmem>>) target_semaphore(%run_scoped3A : memref<!tpu.dma_semaphore, #tpu.memory_space<semaphore_mem>>)
        %dma_wait3A_130 = arith.constant 160 : i32
        %dma_wait3A_131 = tpu.memref_slice %arg9[%dma_wait3A_130] : memref<320xi32, #tpu.memory_space<vmem>> -> memref<80xi32, #tpu.memory_space<vmem>>
        %dma_wait3A_132 = tpu.memref_slice %arg3[%add3A_123] : memref<10000xi32, #tpu.memory_space<hbm>> -> memref<80xi32, #tpu.memory_space<hbm>>
        %dma_wait3A_133 = arith.constant 160 : i32
        %dma_wait3A_134 = tpu.memref_slice %arg9[%dma_wait3A_133] : memref<320xi32, #tpu.memory_space<vmem>> -> memref<80xi32, #tpu.memory_space<vmem>>
        %dma_wait3A_135 = tpu.memref_slice %arg3[%add3A_123] : memref<10000xi32, #tpu.memory_space<hbm>> -> memref<80xi32, #tpu.memory_space<hbm>>
        tpu.wait_dma2 semaphore(%run_scoped3A : memref<!tpu.dma_semaphore, #tpu.memory_space<semaphore_mem>>) src(%dma_wait3A_135 : memref<80xi32, #tpu.memory_space<hbm>>) dst(%dma_wait3A_134 : memref<80xi32, #tpu.memory_space<vmem>>)
        tpu.yield
      }) : () -> ()
    } else {
    }
    %add3A_24 = arith.constant 320 : i32
    %add3A_25 = arith.addi %mul3A_5, %add3A_24 : i32
    %le3A_26 = arith.constant 10000 : i32
    %le3A_27 = arith.cmpi sle, %add3A_25, %le3A_26 : i32
    %convert_element_type3A_28 = arith.extui %le3A_27 : i1 to i32
    %cond3A_29 = arith.constant 0 : i32
    %cond3A_30 = arith.cmpi ne, %convert_element_type3A_28, %cond3A_29 : i32
    scf.if %cond3A_30 {
      %add3A_122 = arith.constant 240 : i32
      %add3A_123 = arith.addi %mul3A_5, %add3A_122 : i32
      "tpu.region"() ({
        %run_scoped3A = tpu.sem_alloc : memref<!tpu.dma_semaphore, #tpu.memory_space<semaphore_mem>>
        %dma_start3A_124 = arith.constant 240 : i32
        %dma_start3A_125 = tpu.memref_slice %arg9[%dma_start3A_124] : memref<320xi32, #tpu.memory_space<vmem>> -> memref<80xi32, #tpu.memory_space<vmem>>
        %dma_start3A_126 = tpu.memref_slice %arg3[%add3A_123] : memref<10000xi32, #tpu.memory_space<hbm>> -> memref<80xi32, #tpu.memory_space<hbm>>
        %dma_start3A_127 = arith.constant 240 : i32
        %dma_start3A_128 = tpu.memref_slice %arg9[%dma_start3A_127] : memref<320xi32, #tpu.memory_space<vmem>> -> memref<80xi32, #tpu.memory_space<vmem>>
        %dma_start3A_129 = tpu.memref_slice %arg3[%add3A_123] : memref<10000xi32, #tpu.memory_space<hbm>> -> memref<80xi32, #tpu.memory_space<hbm>>
        tpu.enqueue_dma source(%dma_start3A_129 : memref<80xi32, #tpu.memory_space<hbm>>) target(%dma_start3A_128 : memref<80xi32, #tpu.memory_space<vmem>>) target_semaphore(%run_scoped3A : memref<!tpu.dma_semaphore, #tpu.memory_space<semaphore_mem>>)
        %dma_wait3A_130 = arith.constant 240 : i32
        %dma_wait3A_131 = tpu.memref_slice %arg9[%dma_wait3A_130] : memref<320xi32, #tpu.memory_space<vmem>> -> memref<80xi32, #tpu.memory_space<vmem>>
        %dma_wait3A_132 = tpu.memref_slice %arg3[%add3A_123] : memref<10000xi32, #tpu.memory_space<hbm>> -> memref<80xi32, #tpu.memory_space<hbm>>
        %dma_wait3A_133 = arith.constant 240 : i32
        %dma_wait3A_134 = tpu.memref_slice %arg9[%dma_wait3A_133] : memref<320xi32, #tpu.memory_space<vmem>> -> memref<80xi32, #tpu.memory_space<vmem>>
        %dma_wait3A_135 = tpu.memref_slice %arg3[%add3A_123] : memref<10000xi32, #tpu.memory_space<hbm>> -> memref<80xi32, #tpu.memory_space<hbm>>
        tpu.wait_dma2 semaphore(%run_scoped3A : memref<!tpu.dma_semaphore, #tpu.memory_space<semaphore_mem>>) src(%dma_wait3A_135 : memref<80xi32, #tpu.memory_space<hbm>>) dst(%dma_wait3A_134 : memref<80xi32, #tpu.memory_space<vmem>>)
        tpu.yield
      }) : () -> ()
    } else {
    }
    %add3A_31 = arith.constant 80 : i32
    %add3A_32 = arith.addi %mul3A_5, %add3A_31 : i32
    %le3A_33 = arith.constant 10000 : i32
    %le3A_34 = arith.cmpi sle, %add3A_32, %le3A_33 : i32
    %convert_element_type3A_35 = arith.extui %le3A_34 : i1 to i32
    %cond3A_36 = arith.constant 0 : i32
    %cond3A_37 = arith.cmpi ne, %convert_element_type3A_35, %cond3A_36 : i32
    scf.if %cond3A_37 {
      %dma_start3A_122 = arith.constant 0 : i32
      %dma_start3A_123 = tpu.memref_slice %arg9[%dma_start3A_122] : memref<320xi32, #tpu.memory_space<vmem>> -> memref<80xi32, #tpu.memory_space<vmem>>
      %dma_start3A_124 = arith.constant 0 : i32
      %dma_start3A_125 = arith.constant 0 : i32
      %dma_start3A_126 = tpu.memref_slice %arg2[%dma_start3A_124, %dma_start3A_125] : memref<10000x128xf32, #tpu.memory_space<hbm>> -> memref<10000x128xf32, #tpu.memory_space<hbm>>
      tpu.enqueue_indirect_dma source(%dma_start3A_126 : memref<10000x128xf32, #tpu.memory_space<hbm>>) target(%arg10 : memref<80x128xf32, #tpu.memory_space<vmem>>) offsets(%dma_start3A_123 : memref<80xi32, #tpu.memory_space<vmem>>) semaphore(%arg14 : memref<!tpu.dma_semaphore, #tpu.memory_space<semaphore_mem>>)
    } else {
    }
    %add3A_38 = arith.constant 160 : i32
    %add3A_39 = arith.addi %mul3A_5, %add3A_38 : i32
    %le3A_40 = arith.constant 10000 : i32
    %le3A_41 = arith.cmpi sle, %add3A_39, %le3A_40 : i32
    %convert_element_type3A_42 = arith.extui %le3A_41 : i1 to i32
    %cond3A_43 = arith.constant 0 : i32
    %cond3A_44 = arith.cmpi ne, %convert_element_type3A_42, %cond3A_43 : i32
    scf.if %cond3A_44 {
      %dma_start3A_122 = arith.constant 80 : i32
      %dma_start3A_123 = tpu.memref_slice %arg9[%dma_start3A_122] : memref<320xi32, #tpu.memory_space<vmem>> -> memref<80xi32, #tpu.memory_space<vmem>>
      %dma_start3A_124 = arith.constant 0 : i32
      %dma_start3A_125 = arith.constant 0 : i32
      %dma_start3A_126 = tpu.memref_slice %arg2[%dma_start3A_124, %dma_start3A_125] : memref<10000x128xf32, #tpu.memory_space<hbm>> -> memref<10000x128xf32, #tpu.memory_space<hbm>>
      tpu.enqueue_indirect_dma source(%dma_start3A_126 : memref<10000x128xf32, #tpu.memory_space<hbm>>) target(%arg11 : memref<80x128xf32, #tpu.memory_space<vmem>>) offsets(%dma_start3A_123 : memref<80xi32, #tpu.memory_space<vmem>>) semaphore(%arg15 : memref<!tpu.dma_semaphore, #tpu.memory_space<semaphore_mem>>)
    } else {
    }
    %add3A_45 = arith.constant 240 : i32
    %add3A_46 = arith.addi %mul3A_5, %add3A_45 : i32
    %le3A_47 = arith.constant 10000 : i32
    %le3A_48 = arith.cmpi sle, %add3A_46, %le3A_47 : i32
    %convert_element_type3A_49 = arith.extui %le3A_48 : i1 to i32
    %cond3A_50 = arith.constant 0 : i32
    %cond3A_51 = arith.cmpi ne, %convert_element_type3A_49, %cond3A_50 : i32
    scf.if %cond3A_51 {
      %dma_start3A_122 = arith.constant 160 : i32
      %dma_start3A_123 = tpu.memref_slice %arg9[%dma_start3A_122] : memref<320xi32, #tpu.memory_space<vmem>> -> memref<80xi32, #tpu.memory_space<vmem>>
      %dma_start3A_124 = arith.constant 0 : i32
      %dma_start3A_125 = arith.constant 0 : i32
      %dma_start3A_126 = tpu.memref_slice %arg2[%dma_start3A_124, %dma_start3A_125] : memref<10000x128xf32, #tpu.memory_space<hbm>> -> memref<10000x128xf32, #tpu.memory_space<hbm>>
      tpu.enqueue_indirect_dma source(%dma_start3A_126 : memref<10000x128xf32, #tpu.memory_space<hbm>>) target(%arg12 : memref<80x128xf32, #tpu.memory_space<vmem>>) offsets(%dma_start3A_123 : memref<80xi32, #tpu.memory_space<vmem>>) semaphore(%arg16 : memref<!tpu.dma_semaphore, #tpu.memory_space<semaphore_mem>>)
    } else {
    }
    %add3A_52 = arith.constant 320 : i32
    %add3A_53 = arith.addi %mul3A_5, %add3A_52 : i32
    %le3A_54 = arith.constant 10000 : i32
    %le3A_55 = arith.cmpi sle, %add3A_53, %le3A_54 : i32
    %convert_element_type3A_56 = arith.extui %le3A_55 : i1 to i32
    %cond3A_57 = arith.constant 0 : i32
    %cond3A_58 = arith.cmpi ne, %convert_element_type3A_56, %cond3A_57 : i32
    scf.if %cond3A_58 {
      %dma_start3A_122 = arith.constant 240 : i32
      %dma_start3A_123 = tpu.memref_slice %arg9[%dma_start3A_122] : memref<320xi32, #tpu.memory_space<vmem>> -> memref<80xi32, #tpu.memory_space<vmem>>
      %dma_start3A_124 = arith.constant 0 : i32
      %dma_start3A_125 = arith.constant 0 : i32
      %dma_start3A_126 = tpu.memref_slice %arg2[%dma_start3A_124, %dma_start3A_125] : memref<10000x128xf32, #tpu.memory_space<hbm>> -> memref<10000x128xf32, #tpu.memory_space<hbm>>
      tpu.enqueue_indirect_dma source(%dma_start3A_126 : memref<10000x128xf32, #tpu.memory_space<hbm>>) target(%arg13 : memref<80x128xf32, #tpu.memory_space<vmem>>) offsets(%dma_start3A_123 : memref<80xi32, #tpu.memory_space<vmem>>) semaphore(%arg17 : memref<!tpu.dma_semaphore, #tpu.memory_space<semaphore_mem>>)
    } else {
    }
    %mul3A_59 = arith.constant 10000 : i32
    %mul3A_60 = arith.muli %add3A, %mul3A_59 : i32
    %dma_start3A = tpu.memref_slice %arg4[%mul3A_60] : memref<320000xi32, #tpu.memory_space<hbm>> -> memref<10000xi32, #tpu.memory_space<hbm>>
    %dma_start3A_61 = tpu.memref_slice %arg4[%mul3A_60] : memref<320000xi32, #tpu.memory_space<hbm>> -> memref<10000xi32, #tpu.memory_space<hbm>>
    tpu.enqueue_dma source(%dma_start3A_61 : memref<10000xi32, #tpu.memory_space<hbm>>) target(%arg18 : memref<10000xi32, #tpu.memory_space<vmem>>) target_semaphore(%arg20 : memref<!tpu.dma_semaphore, #tpu.memory_space<semaphore_mem>>)
    %mul3A_62 = arith.constant 10000 : i32
    %mul3A_63 = arith.muli %add3A, %mul3A_62 : i32
    %dma_start3A_64 = tpu.memref_slice %arg5[%mul3A_63] : memref<320000xi32, #tpu.memory_space<hbm>> -> memref<10000xi32, #tpu.memory_space<hbm>>
    %dma_start3A_65 = tpu.memref_slice %arg5[%mul3A_63] : memref<320000xi32, #tpu.memory_space<hbm>> -> memref<10000xi32, #tpu.memory_space<hbm>>
    tpu.enqueue_dma source(%dma_start3A_65 : memref<10000xi32, #tpu.memory_space<hbm>>) target(%arg19 : memref<10000xi32, #tpu.memory_space<vmem>>) target_semaphore(%arg21 : memref<!tpu.dma_semaphore, #tpu.memory_space<semaphore_mem>>)
    %scan3A = arith.constant 0 : i32
    %scan3A_66 = arith.constant 768 : i32
    %scan3A_67 = arith.addi %scan3A, %scan3A_66 : i32
    %scan3A_68 = arith.constant 1 : i32
    scf.for %scan3A_122 = %scan3A to %scan3A_67 step %scan3A_68  : i32 {
      %mul3A_123 = arith.constant 16 : i32
      %mul3A_124 = arith.muli %scan3A_122, %mul3A_123 : i32
      %multiple_of3A = tpu.assume_multiple %mul3A_124, 16 : i32
      %swap3A = arith.index_cast %multiple_of3A : i32 to index
      %swap3A_125 = tpu.vector_load %arg22[%swap3A] {strides = array<i32>} : memref<12288xf32, #tpu.memory_space<vmem>>, vector<16xf32>,
      tpu.vector_store %arg22[%swap3A], %broadcast_in_dim3A_1 {strides = array<i32>} : memref<12288xf32, #tpu.memory_space<vmem>>, vector<16xf32>,
    }
    %scan3A_69 = arith.constant 768 : i32
    %add3A_70 = arith.constant 80 : i32
    %add3A_71 = arith.addi %mul3A_5, %add3A_70 : i32
    %le3A_72 = arith.constant 10000 : i32
    %le3A_73 = arith.cmpi sle, %add3A_71, %le3A_72 : i32
    %convert_element_type3A_74 = arith.extui %le3A_73 : i1 to i32
    %cond3A_75 = arith.constant 0 : i32
    %cond3A_76 = arith.cmpi ne, %convert_element_type3A_74, %cond3A_75 : i32
    scf.if %cond3A_76 {
      %dma_wait3A_122 = arith.constant 0 : i32
      %dma_wait3A_123 = tpu.memref_slice %arg9[%dma_wait3A_122] : memref<320xi32, #tpu.memory_space<vmem>> -> memref<80xi32, #tpu.memory_space<vmem>>
      %dma_wait3A_124 = arith.constant 0 : i32
      %dma_wait3A_125 = arith.constant 0 : i32
      %dma_wait3A_126 = tpu.memref_slice %arg2[%dma_wait3A_124, %dma_wait3A_125] : memref<10000x128xf32, #tpu.memory_space<hbm>> -> memref<10000x128xf32, #tpu.memory_space<hbm>>
      tpu.wait_indirect_dma semaphore(%arg14 : memref<!tpu.dma_semaphore, #tpu.memory_space<semaphore_mem>>) src(%dma_wait3A_126 : memref<10000x128xf32, #tpu.memory_space<hbm>>) dst(%arg10 : memref<80x128xf32, #tpu.memory_space<vmem>>)
      %add3A_127 = arith.constant 0 : i32
      %add3A_128 = arith.addi %mul3A_5, %add3A_127 : i32
      "tpu.region"() ({
        %run_scoped3A = tpu.sem_alloc : memref<!tpu.dma_semaphore, #tpu.memory_space<semaphore_mem>>
        %dma_start3A_129 = arith.constant 0 : i32
        %dma_start3A_130 = tpu.memref_slice %arg6[%add3A_128, %dma_start3A_129] : memref<10240x128xf32, #tpu.memory_space<hbm>> -> memref<80x128xf32, #tpu.memory_space<hbm>>
        %dma_start3A_131 = arith.constant 0 : i32
        %dma_start3A_132 = tpu.memref_slice %arg6[%add3A_128, %dma_start3A_131] : memref<10240x128xf32, #tpu.memory_space<hbm>> -> memref<80x128xf32, #tpu.memory_space<hbm>>
        tpu.enqueue_dma source(%arg10 : memref<80x128xf32, #tpu.memory_space<vmem>>) target(%dma_start3A_132 : memref<80x128xf32, #tpu.memory_space<hbm>>) target_semaphore(%run_scoped3A : memref<!tpu.dma_semaphore, #tpu.memory_space<semaphore_mem>>)
        %dma_wait3A_133 = arith.constant 0 : i32
        %dma_wait3A_134 = tpu.memref_slice %arg6[%add3A_128, %dma_wait3A_133] : memref<10240x128xf32, #tpu.memory_space<hbm>> -> memref<80x128xf32, #tpu.memory_space<hbm>>
        %dma_wait3A_135 = arith.constant 0 : i32
        %dma_wait3A_136 = tpu.memref_slice %arg6[%add3A_128, %dma_wait3A_135] : memref<10240x128xf32, #tpu.memory_space<hbm>> -> memref<80x128xf32, #tpu.memory_space<hbm>>
        tpu.wait_dma2 semaphore(%run_scoped3A : memref<!tpu.dma_semaphore, #tpu.memory_space<semaphore_mem>>) src(%arg10 : memref<80x128xf32, #tpu.memory_space<vmem>>) dst(%dma_wait3A_136 : memref<80x128xf32, #tpu.memory_space<hbm>>)
        tpu.yield
      }) : () -> ()
    } else {
    }
    %add3A_77 = arith.constant 160 : i32
    %add3A_78 = arith.addi %mul3A_5, %add3A_77 : i32
    %le3A_79 = arith.constant 10000 : i32
    %le3A_80 = arith.cmpi sle, %add3A_78, %le3A_79 : i32
    %convert_element_type3A_81 = arith.extui %le3A_80 : i1 to i32
    %cond3A_82 = arith.constant 0 : i32
    %cond3A_83 = arith.cmpi ne, %convert_element_type3A_81, %cond3A_82 : i32
    scf.if %cond3A_83 {
      %dma_wait3A_122 = arith.constant 80 : i32
      %dma_wait3A_123 = tpu.memref_slice %arg9[%dma_wait3A_122] : memref<320xi32, #tpu.memory_space<vmem>> -> memref<80xi32, #tpu.memory_space<vmem>>
      %dma_wait3A_124 = arith.constant 0 : i32
      %dma_wait3A_125 = arith.constant 0 : i32
      %dma_wait3A_126 = tpu.memref_slice %arg2[%dma_wait3A_124, %dma_wait3A_125] : memref<10000x128xf32, #tpu.memory_space<hbm>> -> memref<10000x128xf32, #tpu.memory_space<hbm>>
      tpu.wait_indirect_dma semaphore(%arg15 : memref<!tpu.dma_semaphore, #tpu.memory_space<semaphore_mem>>) src(%dma_wait3A_126 : memref<10000x128xf32, #tpu.memory_space<hbm>>) dst(%arg11 : memref<80x128xf32, #tpu.memory_space<vmem>>)
      %add3A_127 = arith.constant 80 : i32
      %add3A_128 = arith.addi %mul3A_5, %add3A_127 : i32
      "tpu.region"() ({
        %run_scoped3A = tpu.sem_alloc : memref<!tpu.dma_semaphore, #tpu.memory_space<semaphore_mem>>
        %dma_start3A_129 = arith.constant 0 : i32
        %dma_start3A_130 = tpu.memref_slice %arg6[%add3A_128, %dma_start3A_129] : memref<10240x128xf32, #tpu.memory_space<hbm>> -> memref<80x128xf32, #tpu.memory_space<hbm>>
        %dma_start3A_131 = arith.constant 0 : i32
        %dma_start3A_132 = tpu.memref_slice %arg6[%add3A_128, %dma_start3A_131] : memref<10240x128xf32, #tpu.memory_space<hbm>> -> memref<80x128xf32, #tpu.memory_space<hbm>>
        tpu.enqueue_dma source(%arg11 : memref<80x128xf32, #tpu.memory_space<vmem>>) target(%dma_start3A_132 : memref<80x128xf32, #tpu.memory_space<hbm>>) target_semaphore(%run_scoped3A : memref<!tpu.dma_semaphore, #tpu.memory_space<semaphore_mem>>)
        %dma_wait3A_133 = arith.constant 0 : i32
        %dma_wait3A_134 = tpu.memref_slice %arg6[%add3A_128, %dma_wait3A_133] : memref<10240x128xf32, #tpu.memory_space<hbm>> -> memref<80x128xf32, #tpu.memory_space<hbm>>
        %dma_wait3A_135 = arith.constant 0 : i32
        %dma_wait3A_136 = tpu.memref_slice %arg6[%add3A_128, %dma_wait3A_135] : memref<10240x128xf32, #tpu.memory_space<hbm>> -> memref<80x128xf32, #tpu.memory_space<hbm>>
        tpu.wait_dma2 semaphore(%run_scoped3A : memref<!tpu.dma_semaphore, #tpu.memory_space<semaphore_mem>>) src(%arg11 : memref<80x128xf32, #tpu.memory_space<vmem>>) dst(%dma_wait3A_136 : memref<80x128xf32, #tpu.memory_space<hbm>>)
        tpu.yield
      }) : () -> ()
    } else {
    }
    %add3A_84 = arith.constant 240 : i32
    %add3A_85 = arith.addi %mul3A_5, %add3A_84 : i32
    %le3A_86 = arith.constant 10000 : i32
    %le3A_87 = arith.cmpi sle, %add3A_85, %le3A_86 : i32
    %convert_element_type3A_88 = arith.extui %le3A_87 : i1 to i32
    %cond3A_89 = arith.constant 0 : i32
    %cond3A_90 = arith.cmpi ne, %convert_element_type3A_88, %cond3A_89 : i32
    scf.if %cond3A_90 {
      %dma_wait3A_122 = arith.constant 160 : i32
      %dma_wait3A_123 = tpu.memref_slice %arg9[%dma_wait3A_122] : memref<320xi32, #tpu.memory_space<vmem>> -> memref<80xi32, #tpu.memory_space<vmem>>
      %dma_wait3A_124 = arith.constant 0 : i32
      %dma_wait3A_125 = arith.constant 0 : i32
      %dma_wait3A_126 = tpu.memref_slice %arg2[%dma_wait3A_124, %dma_wait3A_125] : memref<10000x128xf32, #tpu.memory_space<hbm>> -> memref<10000x128xf32, #tpu.memory_space<hbm>>
      tpu.wait_indirect_dma semaphore(%arg16 : memref<!tpu.dma_semaphore, #tpu.memory_space<semaphore_mem>>) src(%dma_wait3A_126 : memref<10000x128xf32, #tpu.memory_space<hbm>>) dst(%arg12 : memref<80x128xf32, #tpu.memory_space<vmem>>)
      %add3A_127 = arith.constant 160 : i32
      %add3A_128 = arith.addi %mul3A_5, %add3A_127 : i32
      "tpu.region"() ({
        %run_scoped3A = tpu.sem_alloc : memref<!tpu.dma_semaphore, #tpu.memory_space<semaphore_mem>>
        %dma_start3A_129 = arith.constant 0 : i32
        %dma_start3A_130 = tpu.memref_slice %arg6[%add3A_128, %dma_start3A_129] : memref<10240x128xf32, #tpu.memory_space<hbm>> -> memref<80x128xf32, #tpu.memory_space<hbm>>
        %dma_start3A_131 = arith.constant 0 : i32
        %dma_start3A_132 = tpu.memref_slice %arg6[%add3A_128, %dma_start3A_131] : memref<10240x128xf32, #tpu.memory_space<hbm>> -> memref<80x128xf32, #tpu.memory_space<hbm>>
        tpu.enqueue_dma source(%arg12 : memref<80x128xf32, #tpu.memory_space<vmem>>) target(%dma_start3A_132 : memref<80x128xf32, #tpu.memory_space<hbm>>) target_semaphore(%run_scoped3A : memref<!tpu.dma_semaphore, #tpu.memory_space<semaphore_mem>>)
        %dma_wait3A_133 = arith.constant 0 : i32
        %dma_wait3A_134 = tpu.memref_slice %arg6[%add3A_128, %dma_wait3A_133] : memref<10240x128xf32, #tpu.memory_space<hbm>> -> memref<80x128xf32, #tpu.memory_space<hbm>>
        %dma_wait3A_135 = arith.constant 0 : i32
        %dma_wait3A_136 = tpu.memref_slice %arg6[%add3A_128, %dma_wait3A_135] : memref<10240x128xf32, #tpu.memory_space<hbm>> -> memref<80x128xf32, #tpu.memory_space<hbm>>
        tpu.wait_dma2 semaphore(%run_scoped3A : memref<!tpu.dma_semaphore, #tpu.memory_space<semaphore_mem>>) src(%arg12 : memref<80x128xf32, #tpu.memory_space<vmem>>) dst(%dma_wait3A_136 : memref<80x128xf32, #tpu.memory_space<hbm>>)
        tpu.yield
      }) : () -> ()
    } else {
    }
    %add3A_91 = arith.constant 320 : i32
    %add3A_92 = arith.addi %mul3A_5, %add3A_91 : i32
    %le3A_93 = arith.constant 10000 : i32
    %le3A_94 = arith.cmpi sle, %add3A_92, %le3A_93 : i32
    %convert_element_type3A_95 = arith.extui %le3A_94 : i1 to i32
    %cond3A_96 = arith.constant 0 : i32
    %cond3A_97 = arith.cmpi ne, %convert_element_type3A_95, %cond3A_96 : i32
    scf.if %cond3A_97 {
      %dma_wait3A_122 = arith.constant 240 : i32
      %dma_wait3A_123 = tpu.memref_slice %arg9[%dma_wait3A_122] : memref<320xi32, #tpu.memory_space<vmem>> -> memref<80xi32, #tpu.memory_space<vmem>>
      %dma_wait3A_124 = arith.constant 0 : i32
      %dma_wait3A_125 = arith.constant 0 : i32
      %dma_wait3A_126 = tpu.memref_slice %arg2[%dma_wait3A_124, %dma_wait3A_125] : memref<10000x128xf32, #tpu.memory_space<hbm>> -> memref<10000x128xf32, #tpu.memory_space<hbm>>
      tpu.wait_indirect_dma semaphore(%arg17 : memref<!tpu.dma_semaphore, #tpu.memory_space<semaphore_mem>>) src(%dma_wait3A_126 : memref<10000x128xf32, #tpu.memory_space<hbm>>) dst(%arg13 : memref<80x128xf32, #tpu.memory_space<vmem>>)
      %add3A_127 = arith.constant 240 : i32
      %add3A_128 = arith.addi %mul3A_5, %add3A_127 : i32
      "tpu.region"() ({
        %run_scoped3A = tpu.sem_alloc : memref<!tpu.dma_semaphore, #tpu.memory_space<semaphore_mem>>
        %dma_start3A_129 = arith.constant 0 : i32
        %dma_start3A_130 = tpu.memref_slice %arg6[%add3A_128, %dma_start3A_129] : memref<10240x128xf32, #tpu.memory_space<hbm>> -> memref<80x128xf32, #tpu.memory_space<hbm>>
        %dma_start3A_131 = arith.constant 0 : i32
        %dma_start3A_132 = tpu.memref_slice %arg6[%add3A_128, %dma_start3A_131] : memref<10240x128xf32, #tpu.memory_space<hbm>> -> memref<80x128xf32, #tpu.memory_space<hbm>>
        tpu.enqueue_dma source(%arg13 : memref<80x128xf32, #tpu.memory_space<vmem>>) target(%dma_start3A_132 : memref<80x128xf32, #tpu.memory_space<hbm>>) target_semaphore(%run_scoped3A : memref<!tpu.dma_semaphore, #tpu.memory_space<semaphore_mem>>)
        %dma_wait3A_133 = arith.constant 0 : i32
        %dma_wait3A_134 = tpu.memref_slice %arg6[%add3A_128, %dma_wait3A_133] : memref<10240x128xf32, #tpu.memory_space<hbm>> -> memref<80x128xf32, #tpu.memory_space<hbm>>
        %dma_wait3A_135 = arith.constant 0 : i32
        %dma_wait3A_136 = tpu.memref_slice %arg6[%add3A_128, %dma_wait3A_135] : memref<10240x128xf32, #tpu.memory_space<hbm>> -> memref<80x128xf32, #tpu.memory_space<hbm>>
        tpu.wait_dma2 semaphore(%run_scoped3A : memref<!tpu.dma_semaphore, #tpu.memory_space<semaphore_mem>>) src(%arg13 : memref<80x128xf32, #tpu.memory_space<vmem>>) dst(%dma_wait3A_136 : memref<80x128xf32, #tpu.memory_space<hbm>>)
        tpu.yield
      }) : () -> ()
    } else {
    }
    %dma_wait3A = tpu.memref_slice %arg4[%mul3A_60] : memref<320000xi32, #tpu.memory_space<hbm>> -> memref<10000xi32, #tpu.memory_space<hbm>>
    %dma_wait3A_98 = tpu.memref_slice %arg4[%mul3A_60] : memref<320000xi32, #tpu.memory_space<hbm>> -> memref<10000xi32, #tpu.memory_space<hbm>>
    tpu.wait_dma2 semaphore(%arg20 : memref<!tpu.dma_semaphore, #tpu.memory_space<semaphore_mem>>) src(%dma_wait3A_98 : memref<10000xi32, #tpu.memory_space<hbm>>) dst(%arg18 : memref<10000xi32, #tpu.memory_space<vmem>>)
    %dma_wait3A_99 = tpu.memref_slice %arg5[%mul3A_63] : memref<320000xi32, #tpu.memory_space<hbm>> -> memref<10000xi32, #tpu.memory_space<hbm>>
    %dma_wait3A_100 = tpu.memref_slice %arg5[%mul3A_63] : memref<320000xi32, #tpu.memory_space<hbm>> -> memref<10000xi32, #tpu.memory_space<hbm>>
    tpu.wait_dma2 semaphore(%arg21 : memref<!tpu.dma_semaphore, #tpu.memory_space<semaphore_mem>>) src(%dma_wait3A_100 : memref<10000xi32, #tpu.memory_space<hbm>>) dst(%arg19 : memref<10000xi32, #tpu.memory_space<vmem>>)
    %scan3A_101 = arith.constant 0 : i32
    %scan3A_102 = arith.constant 625 : i32
    %scan3A_103 = arith.addi %scan3A_101, %scan3A_102 : i32
    %scan3A_104 = arith.constant 1 : i32
    scf.for %scan3A_122 = %scan3A_101 to %scan3A_103 step %scan3A_104  : i32 {
      %mul3A_123 = arith.constant 16 : i32
      %mul3A_124 = arith.muli %scan3A_122, %mul3A_123 : i32
      %multiple_of3A = tpu.assume_multiple %mul3A_124, 16 : i32
      %get3A = arith.index_cast %multiple_of3A : i32 to index
      %get3A_125 = tpu.vector_load %arg18[%get3A] {strides = array<i32>} : memref<10000xi32, #tpu.memory_space<vmem>>, vector<16xi32>,
      tpu.vector_store_idx %arg22[%get3A_125], %broadcast_in_dim3A_3 {add = true} : memref<12288xf32, #tpu.memory_space<vmem>>[vector<16xi32>], vector<16xf32>,
      %get3A_126 = arith.index_cast %multiple_of3A : i32 to index
      %get3A_127 = tpu.vector_load %arg19[%get3A_126] {strides = array<i32>} : memref<10000xi32, #tpu.memory_space<vmem>>, vector<16xi32>,
      %add3A_128 = arith.constant 10240 : i32
      %add3A_129 = vector.broadcast %add3A_128 : i32 to vector<16xi32>
      %add3A_130 = arith.addi %get3A_127, %add3A_129 : vector<16xi32>
      tpu.vector_store_idx %arg22[%add3A_130], %broadcast_in_dim3A_3 {add = true} : memref<12288xf32, #tpu.memory_space<vmem>>[vector<16xi32>], vector<16xf32>,
    }
    %scan3A_105 = arith.constant 625 : i32
    "tpu.region"() ({
      %run_scoped3A = tpu.sem_alloc : memref<!tpu.dma_semaphore, #tpu.memory_space<semaphore_mem>>
      %dma_start3A_122 = arith.constant 0 : i32
      %dma_start3A_123 = tpu.memref_slice %arg25[%arg1, %dma_start3A_122] : memref<16x12288xf32, #tpu.memory_space<vmem_shared>> -> memref<1x12288xf32, #tpu.memory_space<vmem_shared>>
      %dma_start3A_124 = tpu.memref_squeeze %dma_start3A_123 : memref<1x12288xf32, #tpu.memory_space<vmem_shared>> -> memref<12288xf32, #tpu.memory_space<vmem_shared>>
      %dma_start3A_125 = arith.constant 0 : i32
      %dma_start3A_126 = tpu.memref_slice %arg25[%arg1, %dma_start3A_125] : memref<16x12288xf32, #tpu.memory_space<vmem_shared>> -> memref<1x12288xf32, #tpu.memory_space<vmem_shared>>
      %dma_start3A_127 = tpu.memref_squeeze %dma_start3A_126 : memref<1x12288xf32, #tpu.memory_space<vmem_shared>> -> memref<12288xf32, #tpu.memory_space<vmem_shared>>
      tpu.enqueue_dma source(%arg22 : memref<12288xf32, #tpu.memory_space<vmem>>) target(%dma_start3A_127 : memref<12288xf32, #tpu.memory_space<vmem_shared>>) target_semaphore(%run_scoped3A : memref<!tpu.dma_semaphore, #tpu.memory_space<semaphore_mem>>)
      %dma_wait3A_128 = arith.constant 0 : i32
      %dma_wait3A_129 = tpu.memref_slice %arg25[%arg1, %dma_wait3A_128] : memref<16x12288xf32, #tpu.memory_space<vmem_shared>> -> memref<1x12288xf32, #tpu.memory_space<vmem_shared>>
      %dma_wait3A_130 = tpu.memref_squeeze %dma_wait3A_129 : memref<1x12288xf32, #tpu.memory_space<vmem_shared>> -> memref<12288xf32, #tpu.memory_space<vmem_shared>>
      %dma_wait3A_131 = arith.constant 0 : i32
      %dma_wait3A_132 = tpu.memref_slice %arg25[%arg1, %dma_wait3A_131] : memref<16x12288xf32, #tpu.memory_space<vmem_shared>> -> memref<1x12288xf32, #tpu.memory_space<vmem_shared>>
      %dma_wait3A_133 = tpu.memref_squeeze %dma_wait3A_132 : memref<1x12288xf32, #tpu.memory_space<vmem_shared>> -> memref<12288xf32, #tpu.memory_space<vmem_shared>>
      tpu.wait_dma2 semaphore(%run_scoped3A : memref<!tpu.dma_semaphore, #tpu.memory_space<semaphore_mem>>) src(%arg22 : memref<12288xf32, #tpu.memory_space<vmem>>) dst(%dma_wait3A_133 : memref<12288xf32, #tpu.memory_space<vmem_shared>>)
      tpu.yield
    }) : () -> ()
    %barrier3A = arith.constant 0 : index
    tpu.barrier barrier_id(%barrier3A)
    %mul3A_106 = arith.constant 768 : i32
    %mul3A_107 = arith.muli %arg1, %mul3A_106 : i32
    "tpu.region"() ({
      %run_scoped3A = tpu.sem_alloc : memref<!tpu.dma_semaphore, #tpu.memory_space<semaphore_mem>>
      %dma_start3A_122 = arith.constant 0 : i32
      %dma_start3A_123 = tpu.memref_slice %arg25[%dma_start3A_122, %mul3A_107] : memref<16x12288xf32, #tpu.memory_space<vmem_shared>> -> memref<16x768xf32, #tpu.memory_space<vmem_shared>>
      %dma_start3A_124 = arith.constant 0 : i32
      %dma_start3A_125 = tpu.memref_slice %arg25[%dma_start3A_124, %mul3A_107] : memref<16x12288xf32, #tpu.memory_space<vmem_shared>> -> memref<16x768xf32, #tpu.memory_space<vmem_shared>>
      tpu.enqueue_dma source(%dma_start3A_125 : memref<16x768xf32, #tpu.memory_space<vmem_shared>>) target(%arg24 : memref<16x768xf32, #tpu.memory_space<vmem>>) target_semaphore(%run_scoped3A : memref<!tpu.dma_semaphore, #tpu.memory_space<semaphore_mem>>)
      %dma_wait3A_126 = arith.constant 0 : i32
      %dma_wait3A_127 = tpu.memref_slice %arg25[%dma_wait3A_126, %mul3A_107] : memref<16x12288xf32, #tpu.memory_space<vmem_shared>> -> memref<16x768xf32, #tpu.memory_space<vmem_shared>>
      %dma_wait3A_128 = arith.constant 0 : i32
      %dma_wait3A_129 = tpu.memref_slice %arg25[%dma_wait3A_128, %mul3A_107] : memref<16x12288xf32, #tpu.memory_space<vmem_shared>> -> memref<16x768xf32, #tpu.memory_space<vmem_shared>>
      tpu.wait_dma2 semaphore(%run_scoped3A : memref<!tpu.dma_semaphore, #tpu.memory_space<semaphore_mem>>) src(%dma_wait3A_129 : memref<16x768xf32, #tpu.memory_space<vmem_shared>>) dst(%arg24 : memref<16x768xf32, #tpu.memory_space<vmem>>)
      tpu.yield
    }) : () -> ()
    %scan3A_108 = arith.constant 0 : i32
    %scan3A_109 = arith.constant 48 : i32
    %scan3A_110 = arith.addi %scan3A_108, %scan3A_109 : i32
    %scan3A_111 = arith.constant 1 : i32
    scf.for %scan3A_122 = %scan3A_108 to %scan3A_110 step %scan3A_111  : i32 {
      %mul3A_123 = arith.constant 16 : i32
      %mul3A_124 = arith.muli %scan3A_122, %mul3A_123 : i32
      %multiple_of3A = tpu.assume_multiple %mul3A_124, 16 : i32
      %get3A = arith.constant 0 : i32
      %get3A_125 = arith.index_cast %get3A : i32 to index
      %get3A_126 = arith.index_cast %multiple_of3A : i32 to index
      %get3A_127 = tpu.vector_load %arg24[%get3A_125, %get3A_126] {strides = array<i32>} : memref<16x768xf32, #tpu.memory_space<vmem>>, vector<16xf32>,
      %get3A_128 = arith.constant 1 : i32
      %get3A_129 = arith.index_cast %get3A_128 : i32 to index
      %get3A_130 = arith.index_cast %multiple_of3A : i32 to index
      %get3A_131 = tpu.vector_load %arg24[%get3A_129, %get3A_130] {strides = array<i32>} : memref<16x768xf32, #tpu.memory_space<vmem>>, vector<16xf32>,
      %add3A_132 = arith.addf %get3A_127, %get3A_131 : vector<16xf32>
      %get3A_133 = arith.constant 2 : i32
      %get3A_134 = arith.index_cast %get3A_133 : i32 to index
      %get3A_135 = arith.index_cast %multiple_of3A : i32 to index
      %get3A_136 = tpu.vector_load %arg24[%get3A_134, %get3A_135] {strides = array<i32>} : memref<16x768xf32, #tpu.memory_space<vmem>>, vector<16xf32>,
      %add3A_137 = arith.addf %add3A_132, %get3A_136 : vector<16xf32>
      %get3A_138 = arith.constant 3 : i32
      %get3A_139 = arith.index_cast %get3A_138 : i32 to index
      %get3A_140 = arith.index_cast %multiple_of3A : i32 to index
      %get3A_141 = tpu.vector_load %arg24[%get3A_139, %get3A_140] {strides = array<i32>} : memref<16x768xf32, #tpu.memory_space<vmem>>, vector<16xf32>,
      %add3A_142 = arith.addf %add3A_137, %get3A_141 : vector<16xf32>
      %get3A_143 = arith.constant 4 : i32
      %get3A_144 = arith.index_cast %get3A_143 : i32 to index
      %get3A_145 = arith.index_cast %multiple_of3A : i32 to index
      %get3A_146 = tpu.vector_load %arg24[%get3A_144, %get3A_145] {strides = array<i32>} : memref<16x768xf32, #tpu.memory_space<vmem>>, vector<16xf32>,
      %add3A_147 = arith.addf %add3A_142, %get3A_146 : vector<16xf32>
      %get3A_148 = arith.constant 5 : i32
      %get3A_149 = arith.index_cast %get3A_148 : i32 to index
      %get3A_150 = arith.index_cast %multiple_of3A : i32 to index
      %get3A_151 = tpu.vector_load %arg24[%get3A_149, %get3A_150] {strides = array<i32>} : memref<16x768xf32, #tpu.memory_space<vmem>>, vector<16xf32>,
      %add3A_152 = arith.addf %add3A_147, %get3A_151 : vector<16xf32>
      %get3A_153 = arith.constant 6 : i32
      %get3A_154 = arith.index_cast %get3A_153 : i32 to index
      %get3A_155 = arith.index_cast %multiple_of3A : i32 to index
      %get3A_156 = tpu.vector_load %arg24[%get3A_154, %get3A_155] {strides = array<i32>} : memref<16x768xf32, #tpu.memory_space<vmem>>, vector<16xf32>,
      %add3A_157 = arith.addf %add3A_152, %get3A_156 : vector<16xf32>
      %get3A_158 = arith.constant 7 : i32
      %get3A_159 = arith.index_cast %get3A_158 : i32 to index
      %get3A_160 = arith.index_cast %multiple_of3A : i32 to index
      %get3A_161 = tpu.vector_load %arg24[%get3A_159, %get3A_160] {strides = array<i32>} : memref<16x768xf32, #tpu.memory_space<vmem>>, vector<16xf32>,
      %add3A_162 = arith.addf %add3A_157, %get3A_161 : vector<16xf32>
      %get3A_163 = arith.constant 8 : i32
      %get3A_164 = arith.index_cast %get3A_163 : i32 to index
      %get3A_165 = arith.index_cast %multiple_of3A : i32 to index
      %get3A_166 = tpu.vector_load %arg24[%get3A_164, %get3A_165] {strides = array<i32>} : memref<16x768xf32, #tpu.memory_space<vmem>>, vector<16xf32>,
      %add3A_167 = arith.addf %add3A_162, %get3A_166 : vector<16xf32>
      %get3A_168 = arith.constant 9 : i32
      %get3A_169 = arith.index_cast %get3A_168 : i32 to index
      %get3A_170 = arith.index_cast %multiple_of3A : i32 to index
      %get3A_171 = tpu.vector_load %arg24[%get3A_169, %get3A_170] {strides = array<i32>} : memref<16x768xf32, #tpu.memory_space<vmem>>, vector<16xf32>,
      %add3A_172 = arith.addf %add3A_167, %get3A_171 : vector<16xf32>
      %get3A_173 = arith.constant 10 : i32
      %get3A_174 = arith.index_cast %get3A_173 : i32 to index
      %get3A_175 = arith.index_cast %multiple_of3A : i32 to index
      %get3A_176 = tpu.vector_load %arg24[%get3A_174, %get3A_175] {strides = array<i32>} : memref<16x768xf32, #tpu.memory_space<vmem>>, vector<16xf32>,
      %add3A_177 = arith.addf %add3A_172, %get3A_176 : vector<16xf32>
      %get3A_178 = arith.constant 11 : i32
      %get3A_179 = arith.index_cast %get3A_178 : i32 to index
      %get3A_180 = arith.index_cast %multiple_of3A : i32 to index
      %get3A_181 = tpu.vector_load %arg24[%get3A_179, %get3A_180] {strides = array<i32>} : memref<16x768xf32, #tpu.memory_space<vmem>>, vector<16xf32>,
      %add3A_182 = arith.addf %add3A_177, %get3A_181 : vector<16xf32>
      %get3A_183 = arith.constant 12 : i32
      %get3A_184 = arith.index_cast %get3A_183 : i32 to index
      %get3A_185 = arith.index_cast %multiple_of3A : i32 to index
      %get3A_186 = tpu.vector_load %arg24[%get3A_184, %get3A_185] {strides = array<i32>} : memref<16x768xf32, #tpu.memory_space<vmem>>, vector<16xf32>,
      %add3A_187 = arith.addf %add3A_182, %get3A_186 : vector<16xf32>
      %get3A_188 = arith.constant 13 : i32
      %get3A_189 = arith.index_cast %get3A_188 : i32 to index
      %get3A_190 = arith.index_cast %multiple_of3A : i32 to index
      %get3A_191 = tpu.vector_load %arg24[%get3A_189, %get3A_190] {strides = array<i32>} : memref<16x768xf32, #tpu.memory_space<vmem>>, vector<16xf32>,
      %add3A_192 = arith.addf %add3A_187, %get3A_191 : vector<16xf32>
      %get3A_193 = arith.constant 14 : i32
      %get3A_194 = arith.index_cast %get3A_193 : i32 to index
      %get3A_195 = arith.index_cast %multiple_of3A : i32 to index
      %get3A_196 = tpu.vector_load %arg24[%get3A_194, %get3A_195] {strides = array<i32>} : memref<16x768xf32, #tpu.memory_space<vmem>>, vector<16xf32>,
      %add3A_197 = arith.addf %add3A_192, %get3A_196 : vector<16xf32>
      %get3A_198 = arith.constant 15 : i32
      %get3A_199 = arith.index_cast %get3A_198 : i32 to index
      %get3A_200 = arith.index_cast %multiple_of3A : i32 to index
      %get3A_201 = tpu.vector_load %arg24[%get3A_199, %get3A_200] {strides = array<i32>} : memref<16x768xf32, #tpu.memory_space<vmem>>, vector<16xf32>,
      %add3A_202 = arith.addf %add3A_197, %get3A_201 : vector<16xf32>
      %swap3A = arith.index_cast %multiple_of3A : i32 to index
      %swap3A_203 = tpu.vector_load %arg23[%swap3A] {strides = array<i32>} : memref<768xf32, #tpu.memory_space<vmem>>, vector<16xf32>,
      tpu.vector_store %arg23[%swap3A], %add3A_202 {strides = array<i32>} : memref<768xf32, #tpu.memory_space<vmem>>, vector<16xf32>,
    }
    %scan3A_112 = arith.constant 48 : i32
    %eq3A = arith.constant 0 : i32
    %eq3A_113 = arith.cmpi eq, %arg0, %eq3A : i32
    %convert_element_type3A_114 = arith.extui %eq3A_113 : i1 to i32
    %cond3A_115 = arith.constant 0 : i32
    %cond3A_116 = arith.cmpi ne, %convert_element_type3A_114, %cond3A_115 : i32
    scf.if %cond3A_116 {
      %mul3A_122 = arith.constant 768 : i32
      %mul3A_123 = arith.muli %arg1, %mul3A_122 : i32
      "tpu.region"() ({
        %run_scoped3A = tpu.sem_alloc : memref<!tpu.dma_semaphore, #tpu.memory_space<semaphore_mem>>
        %dma_start3A_124 = tpu.memref_slice %arg7[%mul3A_123] : memref<12288xf32, #tpu.memory_space<hbm>> -> memref<768xf32, #tpu.memory_space<hbm>>
        %dma_start3A_125 = tpu.memref_slice %arg7[%mul3A_123] : memref<12288xf32, #tpu.memory_space<hbm>> -> memref<768xf32, #tpu.memory_space<hbm>>
        tpu.enqueue_dma source(%arg23 : memref<768xf32, #tpu.memory_space<vmem>>) target(%dma_start3A_125 : memref<768xf32, #tpu.memory_space<hbm>>) target_semaphore(%run_scoped3A : memref<!tpu.dma_semaphore, #tpu.memory_space<semaphore_mem>>)
        %dma_wait3A_126 = tpu.memref_slice %arg7[%mul3A_123] : memref<12288xf32, #tpu.memory_space<hbm>> -> memref<768xf32, #tpu.memory_space<hbm>>
        %dma_wait3A_127 = tpu.memref_slice %arg7[%mul3A_123] : memref<12288xf32, #tpu.memory_space<hbm>> -> memref<768xf32, #tpu.memory_space<hbm>>
        tpu.wait_dma2 semaphore(%run_scoped3A : memref<!tpu.dma_semaphore, #tpu.memory_space<semaphore_mem>>) src(%arg23 : memref<768xf32, #tpu.memory_space<vmem>>) dst(%dma_wait3A_127 : memref<768xf32, #tpu.memory_space<hbm>>)
        tpu.yield
      }) : () -> ()
    } else {
    }
    %eq3A_117 = arith.constant 1 : i32
    %eq3A_118 = arith.cmpi eq, %arg0, %eq3A_117 : i32
    %convert_element_type3A_119 = arith.extui %eq3A_118 : i1 to i32
    %cond3A_120 = arith.constant 0 : i32
    %cond3A_121 = arith.cmpi ne, %convert_element_type3A_119, %cond3A_120 : i32
    scf.if %cond3A_121 {
      %mul3A_122 = arith.constant 768 : i32
      %mul3A_123 = arith.muli %arg1, %mul3A_122 : i32
      "tpu.region"() ({
        %run_scoped3A = tpu.sem_alloc : memref<!tpu.dma_semaphore, #tpu.memory_space<semaphore_mem>>
        %dma_start3A_124 = tpu.memref_slice %arg8[%mul3A_123] : memref<12288xf32, #tpu.memory_space<hbm>> -> memref<768xf32, #tpu.memory_space<hbm>>
        %dma_start3A_125 = tpu.memref_slice %arg8[%mul3A_123] : memref<12288xf32, #tpu.memory_space<hbm>> -> memref<768xf32, #tpu.memory_space<hbm>>
        tpu.enqueue_dma source(%arg23 : memref<768xf32, #tpu.memory_space<vmem>>) target(%dma_start3A_125 : memref<768xf32, #tpu.memory_space<hbm>>) target_semaphore(%run_scoped3A : memref<!tpu.dma_semaphore, #tpu.memory_space<semaphore_mem>>)
        %dma_wait3A_126 = tpu.memref_slice %arg8[%mul3A_123] : memref<12288xf32, #tpu.memory_space<hbm>> -> memref<768xf32, #tpu.memory_space<hbm>>
        %dma_wait3A_127 = tpu.memref_slice %arg8[%mul3A_123] : memref<12288xf32, #tpu.memory_space<hbm>> -> memref<768xf32, #tpu.memory_space<hbm>>
        tpu.wait_dma2 semaphore(%run_scoped3A : memref<!tpu.dma_semaphore, #tpu.memory_space<semaphore_mem>>) src(%arg23 : memref<768xf32, #tpu.memory_space<vmem>>) dst(%dma_wait3A_127 : memref<768xf32, #tpu.memory_space<hbm>>)
        tpu.yield
      }) : () -> ()
    } else {
    }
    return
  }
}

module attributes {stable_mosaic.version = 14 : i64} {
  func.func @_final_body(%arg0: i32, %arg1: memref<1x2048x128xf32, #tpu.memory_space<vmem>>, %arg2: memref<1x2048x128xf32, #tpu.memory_space<vmem>>, %arg3: memref<2048x1xf32, #tpu.memory_space<vmem>>, %arg4: memref<2048x1xf32, #tpu.memory_space<vmem>>, %arg5: memref<1x128xf32, #tpu.memory_space<vmem>>, %arg6: memref<2048x128xf32, #tpu.memory_space<vmem>>) attributes {dimension_semantics = [#tpu.dimension_semantics<arbitrary>], iteration_bounds = array<i64: 1>, scalar_prefetch = 0 : i64, scratch_operands = 0 : i64, tpu.core_type = #tpu.core_type<tc>, window_params = [{transform_indices = @transform_0, window_bounds = array<i64: 1, 2048, 128>}, {transform_indices = @transform_1, window_bounds = array<i64: 1, 2048, 128>}, {transform_indices = @transform_2, window_bounds = array<i64: 2048, 1>}, {transform_indices = @transform_3, window_bounds = array<i64: 2048, 1>}, {pipeline_mode = #tpu.pipeline_mode<synchronous>, transform_indices = @transform_4, window_bounds = array<i64: 1, 128>}, {pipeline_mode = #tpu.pipeline_mode<synchronous>, transform_indices = @transform_5, window_bounds = array<i64: 2048, 128>}]} {
    %get3A = arith.constant 0 : index
    %get3A_0 = arith.constant 0 : index
    %get3A_1 = vector.load %arg3[%get3A, %get3A_0] : memref<2048x1xf32, #tpu.memory_space<vmem>>, vector<2048x1xf32>
    %get3A_2 = arith.constant 0 : index
    %get3A_3 = arith.constant 0 : index
    %get3A_4 = vector.load %arg4[%get3A_2, %get3A_3] : memref<2048x1xf32, #tpu.memory_space<vmem>>, vector<2048x1xf32>
    %add3A = arith.addf %get3A_1, %get3A_4 : vector<2048x1xf32>
    %max3A = arith.constant 1.000000e+00 : f32
    %max3A_5 = vector.broadcast %max3A : f32 to vector<2048x1xf32>
    %max3A_6 = arith.maximumf %add3A, %max3A_5 : vector<2048x1xf32>
    %rsqrt3A = math.rsqrt %max3A_6 : vector<2048x1xf32>
    %get3A_7 = arith.constant 0 : index
    %get3A_8 = arith.constant 0 : index
    %get3A_9 = arith.constant 0 : index
    %get3A_10 = vector.load %arg1[%get3A_7, %get3A_8, %get3A_9] : memref<1x2048x128xf32, #tpu.memory_space<vmem>>, vector<1x2048x128xf32>
    %get3A_11 = vector.shape_cast %get3A_10 : vector<1x2048x128xf32> to vector<2048x128xf32>
    %get3A_12 = arith.constant 0 : index
    %get3A_13 = arith.constant 0 : index
    %get3A_14 = arith.constant 0 : index
    %get3A_15 = vector.load %arg2[%get3A_12, %get3A_13, %get3A_14] : memref<1x2048x128xf32, #tpu.memory_space<vmem>>, vector<1x2048x128xf32>
    %get3A_16 = vector.shape_cast %get3A_15 : vector<1x2048x128xf32> to vector<2048x128xf32>
    %add3A_17 = arith.addf %get3A_11, %get3A_16 : vector<2048x128xf32>
    %mul3A = vector.broadcast %rsqrt3A : vector<2048x1xf32> to vector<2048x128xf32>
    %mul3A_18 = arith.mulf %add3A_17, %mul3A : vector<2048x128xf32>
    %get3A_19 = arith.constant 0 : index
    %get3A_20 = arith.constant 0 : index
    %get3A_21 = vector.load %arg5[%get3A_19, %get3A_20] : memref<1x128xf32, #tpu.memory_space<vmem>>, vector<1x128xf32>
    %add3A_22 = vector.broadcast %get3A_21 : vector<1x128xf32> to vector<2048x128xf32>
    %add3A_23 = arith.addf %mul3A_18, %add3A_22 : vector<2048x128xf32>
    %gt3A = arith.constant 0.000000e+00 : f32
    %gt3A_24 = vector.broadcast %gt3A : f32 to vector<2048x128xf32>
    %gt3A_25 = arith.cmpf ogt, %add3A_23, %gt3A_24 : vector<2048x128xf32>
    %min3A = arith.constant 0.000000e+00 : f32
    %min3A_26 = vector.broadcast %min3A : f32 to vector<2048x128xf32>
    %min3A_27 = arith.minimumf %add3A_23, %min3A_26 : vector<2048x128xf32>
    %exp3A = math.exp %min3A_27 : vector<2048x128xf32>
    %sub3A = arith.constant 1.000000e+00 : f32
    %sub3A_28 = vector.broadcast %sub3A : f32 to vector<2048x128xf32>
    %sub3A_29 = arith.subf %exp3A, %sub3A_28 : vector<2048x128xf32>
    %select_n3A = arith.select %gt3A_25, %add3A_23, %sub3A_29 : vector<2048x128xi1>, vector<2048x128xf32>
    %swap3A = arith.constant 0 : index
    %swap3A_30 = arith.constant 0 : index
    %swap3A_31 = vector.load %arg6[%swap3A, %swap3A_30] : memref<2048x128xf32, #tpu.memory_space<vmem>>, vector<2048x128xf32>
    tpu.vector_store %arg6[%swap3A, %swap3A_30], %select_n3A {strides = array<i32>} : memref<2048x128xf32, #tpu.memory_space<vmem>>, vector<2048x128xf32>,
    return
  }
  func.func @transform_0(%arg0: i32) -> (i32, i32, i32) {
    %c0_i32 = arith.constant 0 : i32
    %c0_i32_0 = arith.constant 0 : i32
    %c0_i32_1 = arith.constant 0 : i32
    %c0_i32_2 = arith.constant 0 : i32
    return %c0_i32, %c0_i32_0, %c0_i32_1 : i32, i32, i32
  }
  func.func @transform_1(%arg0: i32) -> (i32, i32, i32) {
    %c1_i32 = arith.constant 1 : i32
    %c0_i32 = arith.constant 0 : i32
    %c0_i32_0 = arith.constant 0 : i32
    %c0_i32_1 = arith.constant 0 : i32
    return %c1_i32, %c0_i32, %c0_i32_0 : i32, i32, i32
  }
  func.func @transform_2(%arg0: i32) -> (i32, i32) {
    %c5_i32 = arith.constant 5 : i32
    %c0_i32 = arith.constant 0 : i32
    %c0_i32_0 = arith.constant 0 : i32
    return %c5_i32, %c0_i32 : i32, i32
  }
  func.func @transform_3(%arg0: i32) -> (i32, i32) {
    %c5_i32 = arith.constant 5 : i32
    %c0_i32 = arith.constant 0 : i32
    %c0_i32_0 = arith.constant 0 : i32
    return %c5_i32, %c0_i32 : i32, i32
  }
  func.func @transform_4(%arg0: i32) -> (i32, i32) {
    %c0_i32 = arith.constant 0 : i32
    %c0_i32_0 = arith.constant 0 : i32
    %c0_i32_1 = arith.constant 0 : i32
    return %c0_i32, %c0_i32_0 : i32, i32
  }
  func.func @transform_5(%arg0: i32) -> (i32, i32) {
    %c0_i32 = arith.constant 0 : i32
    %c0_i32_0 = arith.constant 0 : i32
    %c0_i32_1 = arith.constant 0 : i32
    return %c0_i32, %c0_i32_0 : i32, i32
  }
}

module attributes {stable_mosaic.version = 14 : i64} {
  func.func @_matmul_body(%arg0: i32, %arg1: memref<1024x128xf32, #tpu.memory_space<vmem>>, %arg2: memref<128x128xf32, #tpu.memory_space<vmem>>, %arg3: memref<1024x1xf32, #tpu.memory_space<vmem>>, %arg4: memref<1024x1xf32, #tpu.memory_space<vmem>>, %arg5: memref<1024x128xf32, #tpu.memory_space<vmem>>) attributes {dimension_semantics = [#tpu.dimension_semantics<arbitrary>], iteration_bounds = array<i64: 10>, scalar_prefetch = 0 : i64, scratch_operands = 0 : i64, tpu.core_type = #tpu.core_type<tc>, window_params = [{transform_indices = @transform_0, window_bounds = array<i64: 1024, 128>}, {pipeline_mode = #tpu.pipeline_mode<synchronous>, transform_indices = @transform_1, window_bounds = array<i64: 128, 128>}, {transform_indices = @transform_2, window_bounds = array<i64: 1024, 1>}, {transform_indices = @transform_3, window_bounds = array<i64: 1024, 1>}, {transform_indices = @transform_4, window_bounds = array<i64: 1024, 128>}]} {
    %get3A = arith.constant 0 : index
    %get3A_0 = arith.constant 0 : index
    %get3A_1 = vector.load %arg3[%get3A, %get3A_0] : memref<1024x1xf32, #tpu.memory_space<vmem>>, vector<1024x1xf32>
    %get3A_2 = arith.constant 0 : index
    %get3A_3 = arith.constant 0 : index
    %get3A_4 = vector.load %arg4[%get3A_2, %get3A_3] : memref<1024x1xf32, #tpu.memory_space<vmem>>, vector<1024x1xf32>
    %add3A = arith.addf %get3A_1, %get3A_4 : vector<1024x1xf32>
    %max3A = arith.constant 1.000000e+00 : f32
    %max3A_5 = vector.broadcast %max3A : f32 to vector<1024x1xf32>
    %max3A_6 = arith.maximumf %add3A, %max3A_5 : vector<1024x1xf32>
    %rsqrt3A = math.rsqrt %max3A_6 : vector<1024x1xf32>
    %get3A_7 = arith.constant 0 : index
    %get3A_8 = arith.constant 0 : index
    %get3A_9 = vector.load %arg1[%get3A_7, %get3A_8] : memref<1024x128xf32, #tpu.memory_space<vmem>>, vector<1024x128xf32>
    %get3A_10 = arith.constant 0 : index
    %get3A_11 = arith.constant 0 : index
    %get3A_12 = vector.load %arg2[%get3A_10, %get3A_11] : memref<128x128xf32, #tpu.memory_space<vmem>>, vector<128x128xf32>
    %dot_general3A = arith.constant dense<0.000000e+00> : vector<1024x128xf32>
    %dot_general3A_13 = tpu.matmul %get3A_9, %get3A_12, %dot_general3A {dimension_numbers = #tpu.dot_dimension_numbers<[1], [0], [0], [1], [0, 0, 1, 1], [], []>, transpose_lhs_hint = false} : vector<1024x128xf32>, vector<128x128xf32>, vector<1024x128xf32> -> vector<1024x128xf32>
    %mul3A = vector.broadcast %rsqrt3A : vector<1024x1xf32> to vector<1024x128xf32>
    %mul3A_14 = arith.mulf %dot_general3A_13, %mul3A : vector<1024x128xf32>
    %swap3A = arith.constant 0 : index
    %swap3A_15 = arith.constant 0 : index
    %swap3A_16 = vector.load %arg5[%swap3A, %swap3A_15] : memref<1024x128xf32, #tpu.memory_space<vmem>>, vector<1024x128xf32>
    tpu.vector_store %arg5[%swap3A, %swap3A_15], %mul3A_14 {strides = array<i32>} : memref<1024x128xf32, #tpu.memory_space<vmem>>, vector<1024x128xf32>,
    return
  }
  func.func @transform_0(%arg0: i32) -> (i32, i32) {
    %c0_i32 = arith.constant 0 : i32
    %c0_i32_0 = arith.constant 0 : i32
    return %arg0, %c0_i32 : i32, i32
  }
  func.func @transform_1(%arg0: i32) -> (i32, i32) {
    %c0_i32 = arith.constant 0 : i32
    %c0_i32_0 = arith.constant 0 : i32
    %c0_i32_1 = arith.constant 0 : i32
    return %c0_i32, %c0_i32_0 : i32, i32
  }
  func.func @transform_2(%arg0: i32) -> (i32, i32) {
    %c0_i32 = arith.constant 0 : i32
    %c0_i32_0 = arith.constant 0 : i32
    return %arg0, %c0_i32 : i32, i32
  }
  func.func @transform_3(%arg0: i32) -> (i32, i32) {
    %c0_i32 = arith.constant 0 : i32
    %c0_i32_0 = arith.constant 0 : i32
    return %arg0, %c0_i32 : i32, i32
  }
  func.func @transform_4(%arg0: i32) -> (i32, i32) {
    %c0_i32 = arith.constant 0 : i32
    %c0_i32_0 = arith.constant 0 : i32
    return %arg0, %c0_i32 : i32, i32
  }
}

</mosaic_0001>

<sc_bundles>
// kernel: kernel.6.cloned.1.call-start
scs
__scs_entry_jumppad:
0x0: {  	(pc) =	sbr.rel $0x88, $3  }
0x1: {  	(tag) =	ssettag $0x0;
	lr =	simm.s32 $0x1  }
0x2: {  	[smem:$0x3F9B] =	sst lr;
	_ =	strace $0xD0000000  }
0x3: {  	_ = 	snop  }
0x4: {  	_ = 	snop  }
0x5: {  	_ = 	snop  }
0x6: {  	_ = 	snop  }
0x7: {  	_ = 	snop  }
__scs_overlays_trampoline_lowered:
0x8: {  	[smem:$0x3FAA] =	sst s0  }
0x9: {  	[smem:$0x3FAB] =	sst s1  }
0xa: {  	[smem:$0x3FAC] =	sst s2  }
0xb: {  	[smem:$0x3FAD] =	sst s3  }
0xc: {  	[smem:$0x3FAE] =	sst s4  }
0xd: {  	[smem:$0x3FAF] =	sst s5  }
0xe: {  	[smem:$0x3FB0] =	sst s6  }
0xf: {  	[smem:$0x3FB1] =	sst s7  }
0x10: {  	[smem:$0x3FB2] =	sst s8  }
0x11: {  	[smem:$0x3FB3] =	sst s9;
	s0 =	simm.s32 @!p0 $0x0  }
0x12: {  	s1 =	sld [smem:$0x3F99];
	s0 =	simm.s32 @p0 $0x1  }
0x13: {  	[smem:$0x3FB4] =	sst s0;
	s0 =	simm.s32 @!p1 $0x0  }
0x14: {  	s2 =	sld [smem:$0x3F98];
	s0 =	simm.s32 @p1 $0x1  }
0x15: {  	[smem:$0x3FB5] =	sst s0;
	s0 =	simm.s32 @!p2 $0x0  }
0x16: {  	s3 =	sld [smem:$0x3FDB];
	s0 =	simm.s32 @p2 $0x1  }
0x17: {  	s4 =	simm.s32 $0x1BF5;
	[smem:$0x3FB7] =	sst s0  }
0x18: {  	s0 =	sld [smem:$0x3F9A];
	_ =	swait.ge [sflag:s4], $0x0  }
0x19: {  	s7 =	sld [smem:$0x3F9B]  }
0x1a: {  	s8 =	sadd.s32 $0xFFFFE003, lr  }
0x1b: {  	s9 =	sadd.s32 $0xFFFFFEF7, lr;
	s5 =	simm.s32 $0xFFFFFFFF;
	p2 =	slt.u32 s8, $0xFFFFF086  }
0x1c: {  	p1 =	slt.u32 s9, $0xF7A;
	s5 =	simm.s32 @!p2 $0x0  }
0x1d: {  	s5 =	simm.s32 @p1 $0x1;
	p0 =	seq.s32 s7, s2  }
0x1e: {  	s7 =	smul.u32 @!p0 $0xF7A, s2;
	p2 =	seq.s32 @!p0 s5, $0x0  }
0x1f: {  	s9 =	smul.u32 $0xF7A, s1;
	s8 =	simm.s32 @!p0 $0x1BF5;
	p2 =	por !p2, p0  }
0x20: {  	[sflag:s8] =	ssyncset.s32 @!p0 $0xFFFFF086;
	s6 =	sadd.s32 @!p0 s3, s7;
	s7 =	simm.s32 @!p0 $0x108  }
0x21: {  	s3 =	sadd.s32 s3, s9;
	s6 =	sadd.s32 @!p0 $0x88, s6;
	s7 =	simm.s32 @p2 $0x1082  }
0x22: {  	[simem:s7], [sflag:s8] =	dma.local @!p0 [hbm:s6], $0xF7A  }
0x23: {  	s9 =	sor.u32 $0xD0000000, s2;
	s6 =	simm.s32 $0x108;
	_ =	swait.ge @!p0 [sflag:s8], $0x0  }
0x24: {  	s3 =	sadd.s32 $0x88, s3;
	s6 =	simm.s32 @!p1 $0x1082;
	[sflag:s4] =	ssyncset.s32 $0xFFFFF086  }
0x25: {  	[simem:s6], [sflag:s4] =	dma.local [hbm:s3], $0xF7A  }
0x26: {  	[smem:$0x3F9B] =	sst s1;
	(tag) =	ssettag s2;
	_ =	strace s9  }
0x27: {  	s1 =	sld [smem:$0x3FAB]  }
0x28: {  	s2 =	sld [smem:$0x3FAC]  }
0x29: {  	s4 =	sld [smem:$0x3FAE]  }
0x2a: {  	p0 =	seq.s32 s5, $0x0;
	s5 =	sld [smem:$0x3FAF]  }
0x2b: {  	s6 =	sld [smem:$0x3FB0]  }
0x2c: {  	s7 =	sld [smem:$0x3FB1]  }
0x2d: {  	s3 =	simm.s32 $0x108;
	s8 =	sld [smem:$0x3FB2]  }
0x2e: {  	s3 =	simm.s32 @!p0 $0x1082;
	s9 =	sld [smem:$0x3FB3]  }
0x2f: {  	lr =	sadd.s32 s0, s3;
	s0 =	sld [smem:$0x3FAA]  }
0x30: {  	s3 =	sld [smem:$0x3FAD]  }
0x31: {  	[smem:$0x3FB6] =	sst s10  }
0x32: {  	s10 =	sld [smem:$0x3FB4];
	_ =	sdelay $0x3  }
0x33: {  	p0 =	seq.s32 s10, $0x1;
	s10 =	sld [smem:$0x3FB6];
	_ =	sdelay $0x3  }
0x34: {  	[smem:$0x3FB6] =	sst s10  }
0x35: {  	s10 =	sld [smem:$0x3FB5];
	_ =	sdelay $0x3  }
0x36: {  	p1 =	seq.s32 s10, $0x1;
	s10 =	sld [smem:$0x3FB6];
	_ =	sdelay $0x3  }
0x37: {  	[smem:$0x3FB6] =	sst s10  }
0x38: {  	s10 =	sld [smem:$0x3FB7]  }
0x39: {  	_ = 	snop;
	(pc) =	sbr.ind lr, $3  }
0x3a: {  	_ = 	snop  }
0x3b: {  	_ = 	snop  }
0x3c: {  	p2 =	seq.s32 s10, $0x1;
	s10 =	sld [smem:$0x3FB6]  }
0x3d: {  	_ =	shalt  }
0x3e: {  	_ =	shalt  }
0x3f: {  	_ =	shalt  }
0x40: {  	_ =	shalt  }
0x41: {  	_ =	shalt  }
0x42: {  	_ =	shalt  }
0x43: {  	_ =	shalt  }
0x44: {  	_ =	shalt  }
0x45: {  	_ =	shalt  }
0x46: {  	_ =	shalt  }
0x47: {  	_ =	shalt  }
0x48: {  	_ =	shalt  }
0x49: {  	_ =	shalt  }
0x4a: {  	_ =	shalt  }
0x4b: {  	_ =	shalt  }
0x4c: {  	_ =	shalt  }
0x4d: {  	_ =	shalt  }
0x4e: {  	_ =	shalt  }
0x4f: {  	_ =	shalt  }
0x50: {  	_ =	shalt  }
0x51: {  	_ =	shalt  }
0x52: {  	_ =	shalt  }
0x53: {  	_ =	shalt  }
0x54: {  	_ =	shalt  }
0x55: {  	_ =	shalt  }
0x56: {  	_ =	shalt  }
0x57: {  	_ =	shalt  }
0x58: {  	_ =	shalt  }
0x59: {  	_ =	shalt  }
0x5a: {  	_ =	shalt  }
0x5b: {  	_ =	shalt  }
0x5c: {  	_ =	shalt  }
0x5d: {  	_ =	shalt  }
0x5e: {  	_ =	shalt  }
0x5f: {  	_ =	shalt  }
0x60: {  	_ =	shalt  }
0x61: {  	_ =	shalt  }
0x62: {  	_ =	shalt  }
0x63: {  	_ =	shalt  }
0x64: {  	_ =	shalt  }
0x65: {  	_ =	shalt  }
0x66: {  	_ =	shalt  }
0x67: {  	_ =	shalt  }
0x68: {  	_ =	shalt  }
0x69: {  	_ =	shalt  }
0x6a: {  	_ =	shalt  }
0x6b: {  	_ =	shalt  }
0x6c: {  	_ =	shalt  }
0x6d: {  	_ =	shalt  }
0x6e: {  	_ =	shalt  }
0x6f: {  	_ =	shalt  }
0x70: {  	_ =	shalt  }
0x71: {  	_ =	shalt  }
0x72: {  	_ =	shalt  }
0x73: {  	_ =	shalt  }
0x74: {  	_ =	shalt  }
0x75: {  	_ =	shalt  }
0x76: {  	_ =	shalt  }
0x77: {  	_ =	shalt  }
0x78: {  	_ =	shalt  }
0x79: {  	_ =	shalt  }
0x7a: {  	_ =	shalt  }
0x7b: {  	_ =	shalt  }
0x7c: {  	_ =	shalt  }
0x7d: {  	_ =	shalt  }
0x7e: {  	_ =	shalt  }
0x7f: {  	_ =	shalt  }
0x80: {  	_ =	shalt  }
0x81: {  	_ =	shalt  }
0x82: {  	_ =	shalt  }
0x83: {  	_ =	shalt  }
0x84: {  	_ =	shalt  }
0x85: {  	_ =	shalt  }
0x86: {  	_ =	shalt  }
0x87: {  	_ =	shalt  }
.Lfunc_end0:
.L_simem_size_0:
called_computation_lowered:
.L_overlay_start_0:
0x88: {  	s2 =	sld [smem:$0x3FD9]  }
0x89: {  	s3 =	sld [smem:$0x3FFE];
	_ =	sdelay $0x1  }
0x8a: {  	s1 =	srdreg.scid  }
0x8b: {  	s0 =	sand.u32 $0x1, s1  }
0x8c: {  	s17 =	sshll.u32 s0, $0xA;
	s2 =	sadd.s32 s3, s2  }
0x8d: {  	s2 =	sadd.s32 s2, s17  }
0x8e: {  	[smem:$0x3FC2] =	sst s2  }
0x8f: {  	_ = 	snop  }
0x90: {  	s2 =	sld [smem:$0x3FC9]  }
0x91: {  	s18 =	sld [smem:$0x3FC8]  }
0x92: {  	s4 =	sld [smem:$0x3FC7]  }
0x93: {  	s5 =	sld [smem:$0x3FC6]  }
0x94: {  	s6 =	sld [smem:$0x3FD0];
	(tm) =	ssettm $0x1  }
0x95: {  	s7 =	sld [smem:$0x3FFB];
	_ =	sdelay $0x3  }
0x96: {  	_ =	strace s7  }
0x97: {  	s7 =	sld [smem:$0x3FFC];
	_ =	sdelay $0x3  }
0x98: {  	_ =	strace s7  }
0x99: {  	s7 =	sld [smem:$0x3FFD];
	_ =	sdelay $0x3  }
0x9a: {  	_ =	strace s7  }
0x9b: {  	_ =	strace $0x8FFFFFFF  }
0x9c: {  	s19 =	sld [smem:$0x3FDB];
	_ =	sdelay $0x1  }
0x9d: {  	s8 =	simm.s32 $_scs_section_size  }
0x9e: {  	s9 =	simm.s32 $_size__tile_overlayer_lowered;
	s10 =	simm.s32 $_tile_overlayer_lowered  }
0x9f: {  	s22 =	simm.s32 $0x1BFF;
	s21 =	sshll.u32 s10, $0x1;
	s7 =	sadd.s32 s8, s19  }
0xa0: {  	s11 =	simm.s32 $0x0;
	s20 =	sshll.u32 s9, $0x1;
	s9 =	sadd.s32 s21, s7  }
0xa1: {  	[timem:s11], [sflag:s22] =	dma.local [hbm:s9], s20  }
0xa2: {  	_ =	swait.ge [sflag:s22], s20  }
0xa3: {  	s8 =	ssub.s32 $0x0, s20;
	[sflag:s22] =	ssyncset.done $0x0  }
0xa4: {  	[sflag:s22] =	ssyncadd.s32 s8;
	_ =	sdelay $0x1  }
0xa5: {  	s23 =	simm.s32 $0x1B8B  }
0xa6: {  	_ =	swait.ge [sflag:s23], $0x1  }
0xa7: {  	[sflag:s23] =	ssyncset.done $0x0  }
0xa8: {  	s25 =	simm.s32 $0x1B8E;
	s24 =	sld [smem:$0x3FFE];
	[sflag:s23] =	ssyncadd.s32 $0xFFFFFFFF  }
0xa9: {  	s26 =	simm.s32 $execute0_lowered;
	[smem:$0x3FD2] =	sst s25  }
0xaa: {  	s9 =	sshll.u32 s26, $0x1;
	_ =	strace $0x80000046;
	[dreg:$0x1] =	wrdreg $0xFFFFFFFF  }
0xab: {  	s28 =	simm.s32 $_size_execute0_lowered;
	s7 =	sadd.s32 s7, s9;
	[dreg:$0x0] =	wrdreg $0x0  }
0xac: {  	s9 =	sshll.u32 s28, $0x1;
	[dreg:$0x2] =	wrdreg s7  }
0xad: {  	[dreg:$0x3] =	wrdreg s9  }
0xae: {  	[dreg:$0x4] =	wrdreg $0xC0  }
0xaf: {  	_ =	task [dreg:s11], $0x5FFFF  }
0xb0: {  	[dreg:$0x1] =	wrdreg $0xFFFFFFFF  }
0xb1: {  	[dreg:$0x0] =	wrdreg $0x60  }
0xb2: {  	[dreg:$0x2] =	wrdreg s2  }
0xb3: {  	[dreg:$0x3] =	wrdreg s18  }
0xb4: {  	[dreg:$0x4] =	wrdreg s4  }
0xb5: {  	[dreg:$0x5] =	wrdreg s5  }
0xb6: {  	[dreg:$0x6] =	wrdreg s24  }
0xb7: {  	[dreg:$0x7] =	wrdreg s6  }
0xb8: {  	[dreg:$0x8] =	wrdreg $0x153800  }
0xb9: {  	[dreg:$0x9] =	wrdreg $0x9  }
0xba: {  	_ =	task.clear_ibuf [dreg:s11], $0xAFFFF;
	_ =	strace $0x90000046  }
0xbb: {  	s29 =	simm.s32 $0x9;
	_ =	strace $0x80000048  }
0xbc: {  	_ =	swait.ge [sflag:s29], $0x1  }
0xbd: {  	[sflag:s29] =	ssyncadd.s32 $0xFFFFFFFF  }
0xbe: {  	_ =	strace $0x90000048  }
0xbf: {  	_ =	sfence  }
0xc0: {  	s30 =	sld [smem:$0x0];
	_ =	sdelay $0x2  }
0xc1: {  	s31 =	sshll.u32 s1, $0xD;
	s1 =	sshrl.u32 s1, $0x2  }
0xc2: {  	s3 =	sand.u32 $0x4000, s31;
	s1 =	sadd.s32 s1, s30  }
0xc3: {  	s0 =	sor.u32 s3, s0;
	s1 =	sshll.u32 s1, $0x11  }
0xc4: {  	s0 =	sor.u32 s1, s0  }
0xc5: {  	s0 =	sadd.s32 $0x8F2B, s0  }
0xc6: {  	[sflag:s0] =	ssyncadd.remote.s32 $0x1  }
0xc7: {  	_ =	sfence.sel $0xFFFF  }
0xc8: {  	[dreg:$0x0] =	wrdreg $0xFFFFFFFF;
	(pc) =	sbr.abs _section_cstart, $3  }
0xc9: {  	[dreg:$0x1] =	wrdreg $0xFFFFFFFF  }
0xca: {  	_ =	task.clear_ibuf [dreg:s11], $0x2FFFF;
	_ =	strace $0x9FFFFFFF  }
0xcb: {  	(tm) =	ssettm $0x7FFFFFFF  }
tec
execute0_lowered:
.L_overlay_start_1:
0x0: {  	(tag) =	ssettag $0x1  }
0x1: {  	s0 =	rddreg [dreg:$0x0]  }
0x2: {  	s1 =	rddreg [dreg:$0x1]  }
0x3: {  	s2 =	rddreg [dreg:$0x2]  }
0x4: {  	s11 =	rddreg [dreg:$0x3]  }
0x5: {  	s5 =	rddreg [dreg:$0x4]  }
0x6: {  	s18 =	rddreg [dreg:$0x5]  }
0x7: {  	s16 =	rddreg [dreg:$0x6];
	s4 =	srdreg.scid  }
0x8: {  	s23 =	stileid.u32;
	s3 =	simm.s32 $0x0;
	s31 =	simm.s32 $0x18000  }
0x9: {  	s17 =	sand.u32 $0x1, s4;
	s8 =	sshll.u32 s23, $0x1;
	[smem:$0x7FF] =	sst s3  }
0xa: {  	s4 =	sadd.s32 $0x2600, s5;
	s19 =	sadd.s32 $0x2000, s5;
	s26 =	sshll.u32 s23, $0x7  }
0xb: {  	s30 =	smul.u32 $0x60, s23;
	s20 =	sor.u32 s17, s8;
	_ =	strace $0x80000047  }
0xc: {  	s6 =	ssub.s32 $0x2, s17;
	s28 =	sand.u32 $0x380, s26;
	p0 =	seq.s32 s17, $0x1  }
0xd: {  	s26 =	simm.s32 $0xF080;
	s7 =	smul.u32 $0x140, s20;
	s9 =	sshrl.u32 s6, $0x1  }
0xe: {  	s22 =	smul.u32 $0x1400, s20;
	s18 =	smov.u32 @p0 s19;
	p0 =	sne.s32 s20, $0x1F  }
0xf: {  	s19 =	simm.s32 $0x7;
	p1 =	seq.s32 s20, $0x1F;
	s21 =	ssub.s32 s6, s9  }
0x10: {  	s18 =	sadd.s32 s18, s30;
	s13 =	sadd.s32 $0x50, s7;
	s10 =	sshrl.u32 s7, $0x3  }
0x11: {  	s14 =	sadd.s32 $0xA0, s7;
	s9 =	sadd.s32 $0xF0, s7;
	s17 =	smax.u32 s21, $0x1  }
0x12: {  	s5 =	sadd.s32 s1, s10;
	s12 =	sshrl.u32 s13, $0x3;
	s15 =	sshrl.u32 s14, $0x3  }
0x13: {  	s8 =	sshrl.u32 s9, $0x3;
	s9 =	sshll.u32 s9, $0x4;
	s25 =	sshll.u32 s13, $0x4  }
0x14: {  	s14 =	sshll.u32 s14, $0x4;
	s6 =	sadd.s32 s1, s12;
	s7 =	sadd.s32 s1, s15  }
0x15: {  	s12 =	smul.u32 $0x4E2, s20;
	s8 =	sadd.s32 s1, s8;
	s15 =	sshrl.u32 s23, $0x3  }
0x16: {  	s13 =	sadd.s32 s4, s25;
	s14 =	sadd.s32 s4, s14;
	s25 =	simm.s32 $0x6  }
0x17: {  	s1 =	simm.s32 $0x12380;
	s24 =	smul.u32 $0x60000, s15;
	s10 =	sadd.s32 s2, s12  }
0x18: {  	s11 =	sadd.s32 s11, s12;
	s12 =	sadd.s32 s4, s22;
	s22 =	smul.u32 $0x6000, s23  }
0x19: {  	s20 =	simm.s32 $0x0;
	s2 =	sshrl.u32 s24, $0x2;
	s24 =	simm.s32 $0x5  }
0x1a: {  	s2 =	sadd.s32 s2, s16;
	s29 =	sshrl.u32 s22, $0x2;
	s22 =	simm.s32 $0x1  }
0x1b: {  	v0 =	vimm.f32 $0.0e+00;
	v1 =	vimm.f32 $1.000000000e+00;
	s15 =	sadd.s32 s28, s2;
	s16 =	sadd.s32 s29, s16;
	s2 =	simm.s32 $0x12080  }
.LBB2_1:
0x1c: {  	[tilespmem:s3], [sflag:$0x7] =	stream.linear.gather [hbm4b:s5+s3], $0x50, $0x38;
	[tilespmem:$0x18380] =	vst v63  }
0x1d: {  	_ =	swait.ge [sflag:s19], $0x50  }
0x1e: {  	s21 =	simm.s32 @p0 $0x0;
	[sflag:s19] =	ssyncset.done $0x0  }
0x1f: {  	s23 =	simm.s32 @p0 $0x50;
	s28 =	simm.s32 @p0 $0x7;
	[sflag:s19] =	ssyncadd.s32 $0xFFFFFFB0  }
0x20: {  	[tilespmem:s23], [sflag:$0x7] =	stream.linear.gather @p0 [hbm4b:s6+s21], $0x50, $0x38;
	[tilespmem:$0x18380] =	vst v63  }
0x21: {  	_ =	swait.ge @p0 [sflag:s28], $0x50  }
0x22: {  	[sflag:s28] =	ssyncset.done @p0 $0x0  }
0x23: {  	s29 =	simm.s32 @p0 $0xA0;
	[sflag:s28] =	ssyncadd.s32 @p0 $0xFFFFFFB0  }
0x24: {  	[tilespmem:s29], [sflag:$0x7] =	stream.linear.gather @p0 [hbm4b:s7+s21], $0x50, $0x38;
	[tilespmem:$0x18380] =	vst v63  }
0x25: {  	_ =	swait.ge @p0 [sflag:s28], $0x50  }
0x26: {  	[sflag:s28] =	ssyncset.done @p0 $0x0  }
0x27: {  	s30 =	simm.s32 @p0 $0xF0;
	[sflag:s28] =	ssyncadd.s32 @p0 $0xFFFFFFB0  }
0x28: {  	[tilespmem:s30], [sflag:$0x7] =	stream.linear.gather @p0 [hbm4b:s8+s21], $0x50, $0x38;
	[tilespmem:$0x18380] =	vst v63  }
0x29: {  	_ =	swait.ge @p0 [sflag:s28], $0x50  }
0x2a: {  	[sflag:s28] =	ssyncset.done @p0 $0x0  }
0x2b: {  	[sflag:s28] =	ssyncadd.s32 @p0 $0xFFFFFFB0;
	s28 =	simm.s32 @p0 $0x180  }
0x2c: {  	[tilespmem:s28], [sflag:$0x1] =	stream.indirect.gather @p0 [hbm4b:s0+s23], $0x80, s21, s23, $0xb8;
	[tilespmem:$0x18380] =	vst v63  }
0x2d: {  	s21 =	simm.s32 @p0 $0x2980  }
0x2e: {  	[tilespmem:s21], [sflag:$0x2] =	stream.indirect.gather @p0 [hbm4b:s0+s23], $0x80, s23, s23, $0xb8;
	[tilespmem:$0x18380] =	vst v63  }
0x2f: {  	s21 =	simm.s32 @p0 $0x5180  }
0x30: {  	[tilespmem:s21], [sflag:$0x3] =	stream.indirect.gather @p0 [hbm4b:s0+s23], $0x80, s29, s23, $0xb8;
	[tilespmem:$0x18380] =	vst v63  }
0x31: {  	s21 =	simm.s32 @p0 $0x7980  }
0x32: {  	[tilespmem:s21], [sflag:$0x4] =	stream.indirect.gather @p0 [hbm4b:s0+s23], $0x80, s30, s23, $0xb8;
	[tilespmem:$0x18380] =	vst v63  }
0x33: {  	s28 =	simm.s32 @!p0 $0x180;
	s21 =	simm.s32 @!p0 $0x50;
	s23 =	simm.s32 @!p0 $0x0  }
0x34: {  	[tilespmem:s28], [sflag:$0x1] =	stream.indirect.gather @!p0 [hbm4b:s0+s21], $0x80, s23, s21, $0xb8;
	[tilespmem:$0x18380] =	vst v63  }
0x35: {  	s29 =	simm.s32 $0xA180;
	s30 =	simm.s32 $0xC900;
	s21 =	smov.u32 s9  }
0x36: {  	[tilespmem:s29], [sflag:$0x5] =	stream.linear.gather [hbm4b:s10+s3], $0x2710, $0x38;
	[tilespmem:$0x18380] =	vst v63  }
0x37: {  	s23 =	simm.s32 $0x40;
	s28 =	simm.s32 $0x0;
	s21 =	simm.s32 @!p0 $0x27B00  }
0x38: {  	[tilespmem:s30], [sflag:$0x6] =	stream.linear.gather [hbm4b:s11+s3], $0x2710, $0x38;
	[tilespmem:$0x18380] =	vst v63  }
.LBB2_2:
0x39: {  	p2 =	sne.s32 s23, $0xBFC0;
	[tilespmem:s28+$0xF080] =	vst v0;
	s28 =	smov.u32 s23;
	s23 =	sadd.s32 $0x40, s23  }
.Ltmp0:
0x3a: {  	(pc) =	sbr.rel @p2 .LBB2_2-.Ltmp0, $2  }
0x3b: {  	_ =	sdelay $0x2  }
0x3c: {  	s28 =	sshra.s32 s28, $0x2  }
0x3d: {  	[tilespmem:s28+$0xF080] =	vst v0  }
0x3e: {  	_ =	swait.ge [sflag:s22], $0x2800  }
0x3f: {  	[sflag:s22] =	ssyncset.done $0x0  }
0x40: {  	s23 =	simm.s32 $0x180;
	[sflag:s22] =	ssyncadd.s32 $0xFFFFD800  }
0x41: {  	[hbm4b:s12+s3] =	stream.linear.scatter [tilespmem:s23], [sflag:$0x7], $0x2800, $0x38;
	[tilespmem:$0x18380] =	vst v63  }
0x42: {  	_ =	swait.ge [sflag:s19], $0x2800  }
0x43: {  	[sflag:s19] =	ssyncset.done $0x0  }
0x44: {  	s23 =	simm.s32 @!p1 $0x2;
	[sflag:s19] =	ssyncadd.s32 $0xFFFFD800  }
0x45: {  	_ =	swait.ge @!p1 [sflag:s23], $0x2800  }
0x46: {  	[sflag:s23] =	ssyncset.done @!p1 $0x0  }
0x47: {  	s28 =	simm.s32 @!p1 $0x2980;
	[sflag:s23] =	ssyncadd.s32 @!p1 $0xFFFFD800;
	s23 =	simm.s32 @!p1 $0x0  }
0x48: {  	[hbm4b:s13+s23] =	stream.linear.scatter @!p1 [tilespmem:s28], [sflag:$0x7], $0x2800, $0x38;
	[tilespmem:$0x18380] =	vst v63  }
0x49: {  	s28 =	simm.s32 @!p1 $0x7  }
0x4a: {  	_ =	swait.ge @!p1 [sflag:s28], $0x2800  }
0x4b: {  	[sflag:s28] =	ssyncset.done @!p1 $0x0  }
0x4c: {  	s29 =	simm.s32 @!p1 $0x3;
	[sflag:s28] =	ssyncadd.s32 @!p1 $0xFFFFD800  }
0x4d: {  	_ =	swait.ge @!p1 [sflag:s29], $0x2800  }
0x4e: {  	[sflag:s29] =	ssyncset.done @!p1 $0x0  }
0x4f: {  	[sflag:s29] =	ssyncadd.s32 @!p1 $0xFFFFD800;
	s29 =	simm.s32 @!p1 $0x5180  }
0x50: {  	[hbm4b:s14+s23] =	stream.linear.scatter @!p1 [tilespmem:s29], [sflag:$0x7], $0x2800, $0x38;
	[tilespmem:$0x18380] =	vst v63  }
0x51: {  	_ =	swait.ge @!p1 [sflag:s28], $0x2800  }
0x52: {  	[sflag:s28] =	ssyncset.done @!p1 $0x0  }
0x53: {  	s29 =	simm.s32 @!p1 $0x4;
	[sflag:s28] =	ssyncadd.s32 @!p1 $0xFFFFD800  }
0x54: {  	_ =	swait.ge @!p1 [sflag:s29], $0x2800  }
0x55: {  	[sflag:s29] =	ssyncset.done @!p1 $0x0  }
0x56: {  	s21 =	sadd.s32 @!p1 s4, s21;
	[sflag:s29] =	ssyncadd.s32 @!p1 $0xFFFFD800;
	s29 =	simm.s32 @!p1 $0x7980  }
0x57: {  	[hbm4b:s21+s23] =	stream.linear.scatter @!p1 [tilespmem:s29], [sflag:$0x7], $0x2800, $0x38;
	[tilespmem:$0x18380] =	vst v63  }
0x58: {  	_ =	swait.ge @!p1 [sflag:s28], $0x2800  }
0x59: {  	[sflag:s28] =	ssyncset.done @!p1 $0x0  }
0x5a: {  	[sflag:s28] =	ssyncadd.s32 @!p1 $0xFFFFD800  }
0x5b: {  	_ =	swait.ge [sflag:s24], $0x2710  }
0x5c: {  	[sflag:s24] =	ssyncset.done $0x0  }
0x5d: {  	[sflag:s24] =	ssyncadd.s32 $0xFFFFD8F0  }
0x5e: {  	_ =	swait.ge [sflag:s25], $0x2710  }
0x5f: {  	[sflag:s25] =	ssyncset.done $0x0  }
0x60: {  	s21 =	simm.s32 $0x0;
	[sflag:s25] =	ssyncadd.s32 $0xFFFFD8F0  }
.LBB2_4:
0x61: {  	s23 =	sshra.s32 s21, $0x2  }
0x62: {  	v2 =	vld [tilespmem:s23+$0xA180];
	_ =	sdelay $0x7  }
0x63: {  	[tilespmem:v2+s26+$0x0] =	vst.idx.add.f32.msk $0xffff, v1  }
0x64: {  	v2 =	vld [tilespmem:s23+$0xC900];
	_ =	sdelay $0x4  }
0x65: {  	p2 =	sne.s32 s21, $0x9C00;
	v2 =	vadd.s32 $0x2800, v2  }
.Ltmp1:
0x66: {  	_ = 	snop;
	(pc) =	sbr.rel @p2 .LBB2_4-.Ltmp1, $2  }
0x67: {  	_ =	sdelay $0x2  }
0x68: {  	s21 =	sadd.s32 $0x40, s21;
	[tilespmem:v2+s26+$0x0] =	vst.idx.add.f32.msk $0xffff, v1  }
0x69: {  	s21 =	simm.s32 $0x80;
	s23 =	simm.s32 $0x400  }
0x6a: {  	[spmem:s15] =	stream.strided.scatter [tilespmem:s26], [sflag:$0x7], $0x3000, s23, s21, $0x38;
	[tilespmem:$0x18380] =	vst v63  }
0x6b: {  	_ =	swait.ge [sflag:s19], $0x3000  }
0x6c: {  	[sflag:s19] =	ssyncset.done $0x0  }
0x6d: {  	[sflag:s19] =	ssyncadd.s32 $0xFFFFD000  }
0x6e: {  	s30 =	simm.s32 $0x1800;
	[bflag:$0x0] =	sbarrier.arrive $0xFFFF  }
0x6f: {  	[tilespmem:s1], [sflag:$0x7] =	stream.strided.gather [spmem:s16], $0x3000, s31, s30, $0x38;
	[tilespmem:$0x18380] =	vst v63  }
0x70: {  	s23 =	simm.s32 $0x0;
	_ =	swait.ge [sflag:s19], $0x3000  }
0x71: {  	s21 =	sand.u32 $0x1C00, s23;
	s30 =	sand.u32 $0x70, s23;
	[sflag:s19] =	ssyncset.done $0x0  }
0x72: {  	s21 =	sor.u32 s30, s21;
	[sflag:s19] =	ssyncadd.s32 $0xFFFFD000  }
0x73: {  	v2 =	vld [tilespmem:s21+$0x12400]  }
0x74: {  	v3 =	vld [tilespmem:s21+$0x12380];
	_ =	sdelay $0x1  }
0x75: {  	v4 =	vld [tilespmem:s21+$0x12480];
	_ =	sdelay $0x1  }
0x76: {  	v5 =	vld [tilespmem:s21+$0x12500]  }
0x77: {  	v2 =	vadd.f32 v2, v3  }
0x78: {  	v3 =	vld [tilespmem:s21+$0x12580]  }
0x79: {  	v2 =	vadd.f32 v4, v2  }
0x7a: {  	v56 =	vld [tilespmem:s21+$0x12600]  }
0x7b: {  	v2 =	vadd.f32 v5, v2  }
0x7c: {  	v57 =	vld [tilespmem:s21+$0x12680]  }
0x7d: {  	v2 =	vadd.f32 v3, v2  }
0x7e: {  	v3 =	vld [tilespmem:s21+$0x12700]  }
0x7f: {  	v2 =	vadd.f32 v56, v2  }
0x80: {  	v58 =	vld [tilespmem:s21+$0x13B80]  }
0x81: {  	v2 =	vadd.f32 v57, v2  }
0x82: {  	v59 =	vld [tilespmem:s21+$0x13C00]  }
0x83: {  	v2 =	vadd.f32 v3, v2  }
0x84: {  	v3 =	vld [tilespmem:s21+$0x13C80]  }
0x85: {  	v2 =	vadd.f32 v58, v2  }
0x86: {  	v60 =	vld [tilespmem:s21+$0x13D00]  }
0x87: {  	v2 =	vadd.f32 v59, v2  }
0x88: {  	v61 =	vld [tilespmem:s21+$0x13D80]  }
0x89: {  	v2 =	vadd.f32 v3, v2  }
0x8a: {  	v3 =	vld [tilespmem:s21+$0x13E00]  }
0x8b: {  	v2 =	vadd.f32 v60, v2  }
0x8c: {  	v62 =	vld [tilespmem:s21+$0x13E80]  }
0x8d: {  	v2 =	vadd.f32 v61, v2  }
0x8e: {  	v63 =	vld [tilespmem:s21+$0x13F00]  }
0x8f: {  	v2 =	vadd.f32 v3, v2;
	_ =	sdelay $0x1  }
0x90: {  	v2 =	vadd.f32 v62, v2;
	_ =	sdelay $0x1  }
0x91: {  	s28 =	simm.s32 $0x80;
	s30 =	simm.s32 $0x10;
	v2 =	vadd.f32 v63, v2  }
0x92: {  	s29 =	sand.u32 $0x1C00, s28;
	s23 =	sand.u32 $0x70, s30;
	s21 =	simm.s32 $0x12080  }
0x93: {  	s23 =	sor.u32 s23, s29;
	s29 =	simm.s32 $0x20;
	[tilespmem:s21+$0x0] =	vst v2  }
.LBB2_6:
0x94: {  	p2 =	sne.s32 s29, $0x2F0;
	v2 =	vld [tilespmem:s23+$0x12400]  }
0x95: {  	v3 =	vld [tilespmem:s23+$0x12380];
	_ =	sdelay $0x1  }
0x96: {  	v4 =	vld [tilespmem:s23+$0x12480];
	_ =	sdelay $0x1  }
0x97: {  	v5 =	vld [tilespmem:s23+$0x12500]  }
0x98: {  	v2 =	vadd.f32 v2, v3  }
0x99: {  	v3 =	vld [tilespmem:s23+$0x12580]  }
0x9a: {  	v2 =	vadd.f32 v4, v2  }
0x9b: {  	v4 =	vld [tilespmem:s23+$0x12600]  }
0x9c: {  	v2 =	vadd.f32 v5, v2  }
0x9d: {  	v5 =	vld [tilespmem:s23+$0x12680]  }
0x9e: {  	v2 =	vadd.f32 v3, v2  }
0x9f: {  	v3 =	vld [tilespmem:s23+$0x12700]  }
0xa0: {  	v2 =	vadd.f32 v4, v2  }
0xa1: {  	v4 =	vld [tilespmem:s23+$0x13B80]  }
0xa2: {  	v2 =	vadd.f32 v5, v2  }
0xa3: {  	v5 =	vld [tilespmem:s23+$0x13C00]  }
0xa4: {  	v2 =	vadd.f32 v3, v2  }
0xa5: {  	v3 =	vld [tilespmem:s23+$0x13C80]  }
0xa6: {  	v2 =	vadd.f32 v4, v2  }
0xa7: {  	v4 =	vld [tilespmem:s23+$0x13D00]  }
0xa8: {  	v2 =	vadd.f32 v5, v2  }
0xa9: {  	v5 =	vld [tilespmem:s23+$0x13D80]  }
0xaa: {  	v2 =	vadd.f32 v3, v2  }
0xab: {  	v3 =	vld [tilespmem:s23+$0x13E00]  }
0xac: {  	v2 =	vadd.f32 v4, v2  }
0xad: {  	v4 =	vld [tilespmem:s23+$0x13E80]  }
0xae: {  	v2 =	vadd.f32 v5, v2  }
0xaf: {  	v5 =	vld [tilespmem:s23+$0x13F00]  }
0xb0: {  	v2 =	vadd.f32 v3, v2;
	_ =	sdelay $0x1  }
.Ltmp2:
0xb1: {  	v2 =	vadd.f32 v4, v2;
	(pc) =	sbr.rel @p2 .LBB2_6-.Ltmp2, $4  }
0xb2: {  	_ = 	snop  }
0xb3: {  	s28 =	sadd.s32 $0x80, s28;
	v2 =	vadd.f32 v5, v2  }
0xb4: {  	s21 =	sadd.s32 $0x10, s21;
	s30 =	sand.u32 $0x1C00, s28;
	s23 =	sand.u32 $0x70, s29  }
0xb5: {  	s29 =	sadd.s32 $0x10, s29;
	s23 =	sor.u32 s23, s30;
	[tilespmem:s21+$0x0] =	vst v2  }
0xb6: {  	v2 =	vld [tilespmem:s23+$0x12400]  }
0xb7: {  	v3 =	vld [tilespmem:s23+$0x12380];
	_ =	sdelay $0x1  }
0xb8: {  	v4 =	vld [tilespmem:s23+$0x12480];
	_ =	sdelay $0x1  }
0xb9: {  	v5 =	vld [tilespmem:s23+$0x12500]  }
0xba: {  	v2 =	vadd.f32 v2, v3  }
0xbb: {  	v3 =	vld [tilespmem:s23+$0x12580]  }
0xbc: {  	v2 =	vadd.f32 v4, v2  }
0xbd: {  	v56 =	vld [tilespmem:s23+$0x12600]  }
0xbe: {  	v2 =	vadd.f32 v5, v2  }
0xbf: {  	v57 =	vld [tilespmem:s23+$0x12680]  }
0xc0: {  	v2 =	vadd.f32 v3, v2  }
0xc1: {  	v3 =	vld [tilespmem:s23+$0x12700]  }
0xc2: {  	v2 =	vadd.f32 v56, v2  }
0xc3: {  	v58 =	vld [tilespmem:s23+$0x13B80]  }
0xc4: {  	v2 =	vadd.f32 v57, v2  }
0xc5: {  	v59 =	vld [tilespmem:s23+$0x13C00]  }
0xc6: {  	v2 =	vadd.f32 v3, v2  }
0xc7: {  	v3 =	vld [tilespmem:s23+$0x13C80]  }
0xc8: {  	v2 =	vadd.f32 v58, v2  }
0xc9: {  	v60 =	vld [tilespmem:s23+$0x13D00]  }
0xca: {  	v2 =	vadd.f32 v59, v2  }
0xcb: {  	v61 =	vld [tilespmem:s23+$0x13D80]  }
0xcc: {  	v2 =	vadd.f32 v3, v2  }
0xcd: {  	v3 =	vld [tilespmem:s23+$0x13E00]  }
0xce: {  	v2 =	vadd.f32 v60, v2  }
0xcf: {  	v62 =	vld [tilespmem:s23+$0x13E80]  }
0xd0: {  	v2 =	vadd.f32 v61, v2  }
0xd1: {  	v63 =	vld [tilespmem:s23+$0x13F00]  }
0xd2: {  	v2 =	vadd.f32 v3, v2;
	_ =	sdelay $0x1  }
0xd3: {  	v2 =	vadd.f32 v62, v2;
	_ =	sdelay $0x1  }
0xd4: {  	s20 =	sadd.s32 $0x1, s20;
	v2 =	vadd.f32 v63, v2  }
0xd5: {  	s21 =	sadd.s32 $0x10, s21;
	p2 =	sne.s32 s20, s17  }
.Ltmp3:
0xd6: {  	[tilespmem:s21+$0x0] =	vst v2;
	(pc) =	sbr.rel @p2 .LBB2_1-.Ltmp3, $4  }
0xd7: {  	[hbm4b:s18+s3] =	stream.linear.scatter [tilespmem:s2], [sflag:$0x7], $0x300, $0x38;
	[tilespmem:$0x18380] =	vst v63  }
0xd8: {  	_ =	swait.ge [sflag:s19], $0x300  }
0xd9: {  	[sflag:s19] =	ssyncset.done $0x0  }
0xda: {  	[sflag:s19] =	ssyncadd.s32 $0xFFFFFD00  }
0xdb: {  	_ =	sfence.sel $0x180000  }
0xdc: {  	[bflag:$0x0] =	sbarrier.arrive $0xFFFF  }
0xdd: {  	_ =	strace $0x90000047  }
0xde: {  	s0 =	stileid.u32;
	[bflag:$0x2] =	sbarrier.arrive $0xFFFF  }
0xdf: {  	p0 =	sne.s32 s0, $0x0;
	s0 =	rddreg [dreg:$0x7]  }
0xe0: {  	s0 =	sadd.s32 @!p0 $0x100000, s0  }
0xe1: {  	[sflag:s0] =	ssyncadd.tile.s32 @!p0 $0x1;
	_ =	shalt  }
.Lfunc_end2:
_tile_overlayer_lowered:
.L_overlay_start_2:
0xe2: {  	(tag) =	ssettag $0x2  }
0xe3: {  	s0 =	rddreg [dreg:$0x0];
	s2 =	stileid.u32  }
0xe4: {  	s1 =	rddreg [dreg:$0x1];
	p0 =	sne.s32 s2, $0x0  }
0xe5: {  	s3 =	rddreg [dreg:$0x2];
	[bflag:$0x3] =	sbarrier.arrive $0xFFFF;
	s2 =	simm.s32 @!p0 $0x1C07  }
0xe6: {  	[timem:s3], [sflag:s2] =	dma.local @!p0 [hbm:s0], s1  }
0xe7: {  	s0 =	simm.s32 @!p0 $0x7  }
0xe8: {  	_ =	swait.ge @!p0 [sflag:s0], s1  }
0xe9: {  	s1 =	ssub.s32 @!p0 $0x0, s1;
	[sflag:s0] =	ssyncset.done @!p0 $0x0  }
0xea: {  	[sflag:s0] =	ssyncadd.s32 @!p0 s1  }
0xeb: {  	[bflag:$0x3] =	sbarrier.arrive $0xFFFF  }
0xec: {  	_ =	shalt  }

// kernel: kernel.9.cloned.1.call-start
scs
__scs_entry_jumppad:
0x0: {  	(pc) =	sbr.rel $0x88, $3  }
0x1: {  	(tag) =	ssettag $0x0;
	lr =	simm.s32 $0x1  }
0x2: {  	[smem:$0x3F9B] =	sst lr;
	_ =	strace $0xD0000000  }
0x3: {  	_ = 	snop  }
0x4: {  	_ = 	snop  }
0x5: {  	_ = 	snop  }
0x6: {  	_ = 	snop  }
0x7: {  	_ = 	snop  }
__scs_overlays_trampoline_lowered:
0x8: {  	[smem:$0x3FAA] =	sst s0  }
0x9: {  	[smem:$0x3FAB] =	sst s1  }
0xa: {  	[smem:$0x3FAC] =	sst s2  }
0xb: {  	[smem:$0x3FAD] =	sst s3  }
0xc: {  	[smem:$0x3FAE] =	sst s4  }
0xd: {  	[smem:$0x3FAF] =	sst s5  }
0xe: {  	[smem:$0x3FB0] =	sst s6  }
0xf: {  	[smem:$0x3FB1] =	sst s7  }
0x10: {  	[smem:$0x3FB2] =	sst s8  }
0x11: {  	[smem:$0x3FB3] =	sst s9;
	s0 =	simm.s32 @!p0 $0x0  }
0x12: {  	s1 =	sld [smem:$0x3F99];
	s0 =	simm.s32 @p0 $0x1  }
0x13: {  	[smem:$0x3FB4] =	sst s0;
	s0 =	simm.s32 @!p1 $0x0  }
0x14: {  	s2 =	sld [smem:$0x3F98];
	s0 =	simm.s32 @p1 $0x1  }
0x15: {  	[smem:$0x3FB5] =	sst s0;
	s0 =	simm.s32 @!p2 $0x0  }
0x16: {  	s3 =	sld [smem:$0x3FDB];
	s0 =	simm.s32 @p2 $0x1  }
0x17: {  	s4 =	simm.s32 $0x1BF5;
	[smem:$0x3FB7] =	sst s0  }
0x18: {  	s0 =	sld [smem:$0x3F9A];
	_ =	swait.ge [sflag:s4], $0x0  }
0x19: {  	s7 =	sld [smem:$0x3F9B]  }
0x1a: {  	s8 =	sadd.s32 $0xFFFFE003, lr  }
0x1b: {  	s9 =	sadd.s32 $0xFFFFFEF7, lr;
	s5 =	simm.s32 $0xFFFFFFFF;
	p2 =	slt.u32 s8, $0xFFFFF086  }
0x1c: {  	p1 =	slt.u32 s9, $0xF7A;
	s5 =	simm.s32 @!p2 $0x0  }
0x1d: {  	s5 =	simm.s32 @p1 $0x1;
	p0 =	seq.s32 s7, s2  }
0x1e: {  	s7 =	smul.u32 @!p0 $0xF7A, s2;
	p2 =	seq.s32 @!p0 s5, $0x0  }
0x1f: {  	s9 =	smul.u32 $0xF7A, s1;
	s8 =	simm.s32 @!p0 $0x1BF5;
	p2 =	por !p2, p0  }
0x20: {  	[sflag:s8] =	ssyncset.s32 @!p0 $0xFFFFF086;
	s6 =	sadd.s32 @!p0 s3, s7;
	s7 =	simm.s32 @!p0 $0x108  }
0x21: {  	s3 =	sadd.s32 s3, s9;
	s6 =	sadd.s32 @!p0 $0x88, s6;
	s7 =	simm.s32 @p2 $0x1082  }
0x22: {  	[simem:s7], [sflag:s8] =	dma.local @!p0 [hbm:s6], $0xF7A  }
0x23: {  	s9 =	sor.u32 $0xD0000000, s2;
	s6 =	simm.s32 $0x108;
	_ =	swait.ge @!p0 [sflag:s8], $0x0  }
0x24: {  	s3 =	sadd.s32 $0x88, s3;
	s6 =	simm.s32 @!p1 $0x1082;
	[sflag:s4] =	ssyncset.s32 $0xFFFFF086  }
0x25: {  	[simem:s6], [sflag:s4] =	dma.local [hbm:s3], $0xF7A  }
0x26: {  	[smem:$0x3F9B] =	sst s1;
	(tag) =	ssettag s2;
	_ =	strace s9  }
0x27: {  	s1 =	sld [smem:$0x3FAB]  }
0x28: {  	s2 =	sld [smem:$0x3FAC]  }
0x29: {  	s4 =	sld [smem:$0x3FAE]  }
0x2a: {  	p0 =	seq.s32 s5, $0x0;
	s5 =	sld [smem:$0x3FAF]  }
0x2b: {  	s6 =	sld [smem:$0x3FB0]  }
0x2c: {  	s7 =	sld [smem:$0x3FB1]  }
0x2d: {  	s3 =	simm.s32 $0x108;
	s8 =	sld [smem:$0x3FB2]  }
0x2e: {  	s3 =	simm.s32 @!p0 $0x1082;
	s9 =	sld [smem:$0x3FB3]  }
0x2f: {  	lr =	sadd.s32 s0, s3;
	s0 =	sld [smem:$0x3FAA]  }
0x30: {  	s3 =	sld [smem:$0x3FAD]  }
0x31: {  	[smem:$0x3FB6] =	sst s10  }
0x32: {  	s10 =	sld [smem:$0x3FB4];
	_ =	sdelay $0x3  }
0x33: {  	p0 =	seq.s32 s10, $0x1;
	s10 =	sld [smem:$0x3FB6];
	_ =	sdelay $0x3  }
0x34: {  	[smem:$0x3FB6] =	sst s10  }
0x35: {  	s10 =	sld [smem:$0x3FB5];
	_ =	sdelay $0x3  }
0x36: {  	p1 =	seq.s32 s10, $0x1;
	s10 =	sld [smem:$0x3FB6];
	_ =	sdelay $0x3  }
0x37: {  	[smem:$0x3FB6] =	sst s10  }
0x38: {  	s10 =	sld [smem:$0x3FB7]  }
0x39: {  	_ = 	snop;
	(pc) =	sbr.ind lr, $3  }
0x3a: {  	_ = 	snop  }
0x3b: {  	_ = 	snop  }
0x3c: {  	p2 =	seq.s32 s10, $0x1;
	s10 =	sld [smem:$0x3FB6]  }
0x3d: {  	_ =	shalt  }
0x3e: {  	_ =	shalt  }
0x3f: {  	_ =	shalt  }
0x40: {  	_ =	shalt  }
0x41: {  	_ =	shalt  }
0x42: {  	_ =	shalt  }
0x43: {  	_ =	shalt  }
0x44: {  	_ =	shalt  }
0x45: {  	_ =	shalt  }
0x46: {  	_ =	shalt  }
0x47: {  	_ =	shalt  }
0x48: {  	_ =	shalt  }
0x49: {  	_ =	shalt  }
0x4a: {  	_ =	shalt  }
0x4b: {  	_ =	shalt  }
0x4c: {  	_ =	shalt  }
0x4d: {  	_ =	shalt  }
0x4e: {  	_ =	shalt  }
0x4f: {  	_ =	shalt  }
0x50: {  	_ =	shalt  }
0x51: {  	_ =	shalt  }
0x52: {  	_ =	shalt  }
0x53: {  	_ =	shalt  }
0x54: {  	_ =	shalt  }
0x55: {  	_ =	shalt  }
0x56: {  	_ =	shalt  }
0x57: {  	_ =	shalt  }
0x58: {  	_ =	shalt  }
0x59: {  	_ =	shalt  }
0x5a: {  	_ =	shalt  }
0x5b: {  	_ =	shalt  }
0x5c: {  	_ =	shalt  }
0x5d: {  	_ =	shalt  }
0x5e: {  	_ =	shalt  }
0x5f: {  	_ =	shalt  }
0x60: {  	_ =	shalt  }
0x61: {  	_ =	shalt  }
0x62: {  	_ =	shalt  }
0x63: {  	_ =	shalt  }
0x64: {  	_ =	shalt  }
0x65: {  	_ =	shalt  }
0x66: {  	_ =	shalt  }
0x67: {  	_ =	shalt  }
0x68: {  	_ =	shalt  }
0x69: {  	_ =	shalt  }
0x6a: {  	_ =	shalt  }
0x6b: {  	_ =	shalt  }
0x6c: {  	_ =	shalt  }
0x6d: {  	_ =	shalt  }
0x6e: {  	_ =	shalt  }
0x6f: {  	_ =	shalt  }
0x70: {  	_ =	shalt  }
0x71: {  	_ =	shalt  }
0x72: {  	_ =	shalt  }
0x73: {  	_ =	shalt  }
0x74: {  	_ =	shalt  }
0x75: {  	_ =	shalt  }
0x76: {  	_ =	shalt  }
0x77: {  	_ =	shalt  }
0x78: {  	_ =	shalt  }
0x79: {  	_ =	shalt  }
0x7a: {  	_ =	shalt  }
0x7b: {  	_ =	shalt  }
0x7c: {  	_ =	shalt  }
0x7d: {  	_ =	shalt  }
0x7e: {  	_ =	shalt  }
0x7f: {  	_ =	shalt  }
0x80: {  	_ =	shalt  }
0x81: {  	_ =	shalt  }
0x82: {  	_ =	shalt  }
0x83: {  	_ =	shalt  }
0x84: {  	_ =	shalt  }
0x85: {  	_ =	shalt  }
0x86: {  	_ =	shalt  }
0x87: {  	_ =	shalt  }
.Lfunc_end0:
.L_simem_size_0:
called_computation.1_lowered:
.L_overlay_start_0:
0x88: {  	s2 =	sld [smem:$0x3FD9]  }
0x89: {  	s3 =	sld [smem:$0x3FFE];
	_ =	sdelay $0x1  }
0x8a: {  	s1 =	srdreg.scid  }
0x8b: {  	s0 =	sand.u32 $0x1, s1  }
0x8c: {  	s17 =	sshll.u32 s0, $0xA;
	s2 =	sadd.s32 s3, s2  }
0x8d: {  	s2 =	sadd.s32 s2, s17  }
0x8e: {  	[smem:$0x3FC2] =	sst s2  }
0x8f: {  	_ = 	snop  }
0x90: {  	s2 =	sld [smem:$0x3FC7]  }
0x91: {  	s18 =	sld [smem:$0x3FC6];
	(tm) =	ssettm $0x1  }
0x92: {  	s4 =	sld [smem:$0x3FFB];
	_ =	sdelay $0x3  }
0x93: {  	_ =	strace s4  }
0x94: {  	s4 =	sld [smem:$0x3FFC];
	_ =	sdelay $0x3  }
0x95: {  	_ =	strace s4  }
0x96: {  	s4 =	sld [smem:$0x3FFD];
	_ =	sdelay $0x3  }
0x97: {  	_ =	strace s4  }
0x98: {  	_ =	strace $0x8FFFFFFF  }
0x99: {  	s19 =	sld [smem:$0x3FDB];
	_ =	sdelay $0x1  }
0x9a: {  	s5 =	simm.s32 $_scs_section_size  }
0x9b: {  	s6 =	simm.s32 $_size__tile_overlayer_lowered;
	s7 =	simm.s32 $_tile_overlayer_lowered  }
0x9c: {  	s22 =	simm.s32 $0x1BFF;
	s21 =	sshll.u32 s7, $0x1;
	s4 =	sadd.s32 s5, s19  }
0x9d: {  	s8 =	simm.s32 $0x0;
	s20 =	sshll.u32 s6, $0x1;
	s6 =	sadd.s32 s21, s4  }
0x9e: {  	[timem:s8], [sflag:s22] =	dma.local [hbm:s6], s20  }
0x9f: {  	_ =	swait.ge [sflag:s22], s20  }
0xa0: {  	s5 =	ssub.s32 $0x0, s20;
	[sflag:s22] =	ssyncset.done $0x0  }
0xa1: {  	[sflag:s22] =	ssyncadd.s32 s5;
	_ =	sdelay $0x1  }
0xa2: {  	s23 =	simm.s32 $0x1B8B  }
0xa3: {  	_ =	swait.ge [sflag:s23], $0x1  }
0xa4: {  	[sflag:s23] =	ssyncset.done $0x0  }
0xa5: {  	s25 =	simm.s32 $0x1B8E;
	s24 =	sld [smem:$0x3FFE];
	[sflag:s23] =	ssyncadd.s32 $0xFFFFFFFF  }
0xa6: {  	s26 =	simm.s32 $execute0_lowered;
	[smem:$0x3FD2] =	sst s25  }
0xa7: {  	s6 =	sshll.u32 s26, $0x1;
	_ =	strace $0x80000049;
	[dreg:$0x1] =	wrdreg $0xFFFFFFFF  }
0xa8: {  	s28 =	simm.s32 $_size_execute0_lowered;
	s4 =	sadd.s32 s4, s6;
	[dreg:$0x0] =	wrdreg $0x0  }
0xa9: {  	s6 =	sshll.u32 s28, $0x1;
	[dreg:$0x2] =	wrdreg s4  }
0xaa: {  	[dreg:$0x3] =	wrdreg s6  }
0xab: {  	[dreg:$0x4] =	wrdreg $0xC0  }
0xac: {  	_ =	task [dreg:s8], $0x5FFFF  }
0xad: {  	[dreg:$0x1] =	wrdreg $0xFFFFFFFF  }
0xae: {  	[dreg:$0x0] =	wrdreg $0x60  }
0xaf: {  	[dreg:$0x2] =	wrdreg s24  }
0xb0: {  	[dreg:$0x3] =	wrdreg s2  }
0xb1: {  	[dreg:$0x4] =	wrdreg s18  }
0xb2: {  	[dreg:$0x5] =	wrdreg $0x182000  }
0xb3: {  	[dreg:$0x6] =	wrdreg $0x9  }
0xb4: {  	_ =	task.clear_ibuf [dreg:s8], $0x7FFFF;
	_ =	strace $0x90000049  }
0xb5: {  	s29 =	simm.s32 $0x9;
	_ =	strace $0x8000004B  }
0xb6: {  	_ =	swait.ge [sflag:s29], $0x1  }
0xb7: {  	[sflag:s29] =	ssyncadd.s32 $0xFFFFFFFF  }
0xb8: {  	_ =	strace $0x9000004B  }
0xb9: {  	_ =	sfence  }
0xba: {  	s30 =	sld [smem:$0x0];
	_ =	sdelay $0x2  }
0xbb: {  	s31 =	sshll.u32 s1, $0xD;
	s1 =	sshrl.u32 s1, $0x2  }
0xbc: {  	s3 =	sand.u32 $0x4000, s31;
	s1 =	sadd.s32 s1, s30  }
0xbd: {  	s0 =	sor.u32 s3, s0;
	s1 =	sshll.u32 s1, $0x11  }
0xbe: {  	s0 =	sor.u32 s1, s0  }
0xbf: {  	s0 =	sadd.s32 $0x8F2B, s0  }
0xc0: {  	[sflag:s0] =	ssyncadd.remote.s32 $0x1  }
0xc1: {  	_ =	sfence.sel $0xFFFF  }
0xc2: {  	[dreg:$0x0] =	wrdreg $0xFFFFFFFF;
	(pc) =	sbr.abs _section_cstart, $3  }
0xc3: {  	[dreg:$0x1] =	wrdreg $0xFFFFFFFF  }
0xc4: {  	_ =	task.clear_ibuf [dreg:s8], $0x2FFFF;
	_ =	strace $0x9FFFFFFF  }
0xc5: {  	(tm) =	ssettm $0x7FFFFFFF  }
tec
execute0_lowered:
.L_overlay_start_1:
0x0: {  	(tag) =	ssettag $0x1  }
0x1: {  	s0 =	rddreg [dreg:$0x0]  }
0x2: {  	s1 =	rddreg [dreg:$0x1]  }
0x3: {  	s3 =	rddreg [dreg:$0x2]  }
0x4: {  	s2 =	rddreg [dreg:$0x3];
	s4 =	simm.s32 $0x0;
	s10 =	stileid.u32  }
0x5: {  	s23 =	srdreg.scid;
	s14 =	simm.s32 $0xF;
	s15 =	simm.s32 $0x50  }
0x6: {  	s16 =	simm.s32 $0x4F00;
	s17 =	simm.s32 $0x7700;
	s19 =	simm.s32 $0x9F00  }
0x7: {  	s20 =	simm.s32 $0xC700;
	s21 =	simm.s32 $0xEF00;
	s22 =	simm.s32 $0x11700  }
0x8: {  	s26 =	simm.s32 $0x14180;
	s28 =	simm.s32 $0x3;
	s11 =	simm.s32 $0x14000  }
0x9: {  	s30 =	simm.s32 $0x7;
	s31 =	simm.s32 $0x8;
	s18 =	simm.s32 $0x5  }
0xa: {  	s29 =	simm.s32 $0x13F80;
	[smem:$0x7FF] =	sst s4;
	s5 =	sand.u32 $0x1, s23  }
0xb: {  	s6 =	sshll.u32 s10, $0x1;
	s4 =	sadd.s32 $0x2000, s0;
	s8 =	sshll.u32 s10, $0xB  }
0xc: {  	s24 =	sshll.u32 s10, $0xE;
	s23 =	simm.s32 $0x1;
	s10 =	simm.s32 $0x4  }
0xd: {  	_ =	strace $0x8000004A;
	s7 =	ssub.s32 $0x2, s5;
	s6 =	sor.u32 s5, s6  }
0xe: {  	s0 =	sadd.s32 s8, s0;
	s5 =	sshll.u32 s5, $0xF;
	s12 =	sadd.s32 s24, s2  }
0xf: {  	s24 =	simm.s32 $0x13F00;
	[dreg:$0x5] =	wrdreg s26;
	s26 =	simm.s32 $0x13F80  }
0x10: {  	s8 =	simm.s32 $0xC;
	s6 =	smul.u32 $0x4E2, s6;
	s0 =	sadd.s32 s5, s0  }
0x11: {  	s9 =	sshrl.u32 s7, $0x1;
	[dreg:$0x8] =	wrdreg s12;
	s0 =	sadd.s32 $0x5A600, s0  }
0x12: {  	s5 =	simm.s32 $0xA;
	s1 =	sadd.s32 s1, s6;
	[dreg:$0x9] =	wrdreg s0  }
0x13: {  	s7 =	ssub.s32 s7, s9;
	s3 =	sadd.s32 s3, s6;
	[dreg:$0x6] =	wrdreg s1  }
0x14: {  	s9 =	simm.s32 $0x0;
	s25 =	smax.u32 s7, $0x1;
	[dreg:$0x7] =	wrdreg s3  }
0x15: {  	s0 =	simm.s32 $0x9;
	s6 =	simm.s32 $0xB;
	[dreg:$0xa] =	wrdreg s25  }
0x16: {  	v0 =	vimm.f32 $0.0e+00;
	s25 =	simm.s32 $0x2;
	s1 =	simm.s32 $0x14100;
	s3 =	simm.s32 $0x6  }
.LBB2_1:
0x17: {  	[dreg:$0xb] =	wrdreg s9  }
0x18: {  	s7 =	simm.s32 $0x0;
	s13 =	rddreg [dreg:$0x6]  }
0x19: {  	[tilespmem:s7], [sflag:$0xD] =	stream.linear.gather [hbm4b:s13+s7], $0x2710, $0x38;
	[tilespmem:$0x1C200] =	vst v63  }
0x1a: {  	s9 =	rddreg [dreg:$0x7];
	s13 =	simm.s32 $0x2780  }
0x1b: {  	[tilespmem:s13], [sflag:$0xE] =	stream.linear.gather [hbm4b:s9+s7], $0x2710, $0x38;
	[tilespmem:$0x1C200] =	vst v63  }
0x1c: {  	s7 =	simm.s32 $0x0;
	s9 =	simm.s32 $0x200  }
.LBB2_2:
0x1d: {  	p0 =	sne.s32 s9, $0xFE00;
	[tilespmem:s7+$0x14270] =	vst v0  }
0x1e: {  	[tilespmem:s7+$0x14200] =	vst v0  }
0x1f: {  	[tilespmem:s7+$0x14210] =	vst v0  }
.Ltmp0:
0x20: {  	[tilespmem:s7+$0x14220] =	vst v0;
	(pc) =	sbr.rel @p0 .LBB2_2-.Ltmp0, $4  }
0x21: {  	[tilespmem:s7+$0x14230] =	vst v0  }
0x22: {  	[tilespmem:s7+$0x14240] =	vst v0  }
0x23: {  	[tilespmem:s7+$0x14250] =	vst v0  }
0x24: {  	[tilespmem:s7+$0x14260] =	vst v0;
	s7 =	sshra.s32 s9, $0x2;
	s9 =	sadd.s32 $0x200, s9  }
0x25: {  	[tilespmem:s7+$0x14270] =	vst v0  }
0x26: {  	[tilespmem:s7+$0x14200] =	vst v0  }
0x27: {  	[tilespmem:s7+$0x14210] =	vst v0  }
0x28: {  	[tilespmem:s7+$0x14220] =	vst v0  }
0x29: {  	[tilespmem:s7+$0x14230] =	vst v0  }
0x2a: {  	[tilespmem:s7+$0x14240] =	vst v0  }
0x2b: {  	[tilespmem:s7+$0x14250] =	vst v0  }
0x2c: {  	[tilespmem:s7+$0x14260] =	vst v0;
	s9 =	simm.s32 $0x14200  }
0x2d: {  	[spmem:s12] =	stream.linear.scatter [tilespmem:s9], [sflag:$0xF], $0x4000, $0x38;
	[tilespmem:$0x1C200] =	vst v63  }
0x2e: {  	_ =	swait.ge [sflag:s14], $0x4000  }
0x2f: {  	[sflag:s14] =	ssyncset.done $0x0  }
0x30: {  	s12 =	simm.s32 $0xD;
	[sflag:s14] =	ssyncadd.s32 $0xFFFFC000  }
0x31: {  	_ =	swait.ge [sflag:s12], $0x2710  }
0x32: {  	[sflag:s12] =	ssyncset.done $0x0  }
0x33: {  	s13 =	simm.s32 $0xE;
	[sflag:s12] =	ssyncadd.s32 $0xFFFFD8F0  }
0x34: {  	_ =	swait.ge [sflag:s13], $0x2710  }
0x35: {  	[sflag:s13] =	ssyncset.done $0x0  }
0x36: {  	[sflag:s13] =	ssyncadd.s32 $0xFFFFD8F0  }
0x37: {  	s9 =	simm.s32 $0x0;
	[bflag:$0x0] =	sbarrier.arrive $0xFFFF  }
0x38: {  	[tilespmem:s16], [sflag:$0x1] =	stream.indirect.gather [hbm4b:s4+s15], $0x80, s9, s15, $0xb8;
	[tilespmem:$0x1C200] =	vst v63  }
0x39: {  	_ = 	snop  }
0x3a: {  	[tilespmem:s17], [sflag:$0x2] =	stream.indirect.gather [hbm4b:s4+s15], $0x80, s15, s15, $0xb8;
	[tilespmem:$0x1C200] =	vst v63  }
0x3b: {  	s14 =	simm.s32 $0xA0  }
0x3c: {  	[tilespmem:s19], [sflag:$0x3] =	stream.indirect.gather [hbm4b:s4+s15], $0x80, s14, s15, $0xb8;
	[tilespmem:$0x1C200] =	vst v63  }
0x3d: {  	s12 =	simm.s32 $0xF0  }
0x3e: {  	[tilespmem:s20], [sflag:$0x4] =	stream.indirect.gather [hbm4b:s4+s15], $0x80, s12, s15, $0xb8;
	[tilespmem:$0x1C200] =	vst v63  }
0x3f: {  	s13 =	simm.s32 $0x140  }
0x40: {  	[tilespmem:s21], [sflag:$0x5] =	stream.indirect.gather [hbm4b:s4+s15], $0x80, s13, s15, $0xb8;
	[tilespmem:$0x1C200] =	vst v63  }
0x41: {  	s7 =	simm.s32 $0x0;
	s14 =	simm.s32 $0x190  }
0x42: {  	[tilespmem:s22], [sflag:$0x6] =	stream.indirect.gather [hbm4b:s4+s15], $0x80, s14, s15, $0xb8;
	[tilespmem:$0x1C200] =	vst v63  }
0x43: {  	v1 =	vld [tilespmem:s7+$0x2780];
	_ =	sdelay $0x4  }
0x44: {  	[tilespmem:$0x13F00] =	vst v1  }
0x45: {  	v1 =	vld [tilespmem:s7+$0x2790];
	_ =	sdelay $0x4  }
0x46: {  	[tilespmem:$0x13F10] =	vst v1  }
0x47: {  	v1 =	vld [tilespmem:s7+$0x27A0];
	_ =	sdelay $0x4  }
0x48: {  	[tilespmem:$0x13F20] =	vst v1  }
0x49: {  	v1 =	vld [tilespmem:s7+$0x27B0];
	_ =	sdelay $0x4  }
0x4a: {  	[tilespmem:$0x13F30] =	vst v1  }
0x4b: {  	v1 =	vld [tilespmem:s7+$0x27C0];
	_ =	sdelay $0x4  }
0x4c: {  	[tilespmem:$0x13F40] =	vst v1  }
0x4d: {  	_ =	swait.ge [sflag:s23], $0x2800  }
0x4e: {  	[sflag:s23] =	ssyncset.done $0x0  }
0x4f: {  	[sflag:s23] =	ssyncadd.s32 $0xFFFFD800  }
0x50: {  	[spmem:s2] =	stream.indirect.scatter.add.f32 [tilespmem:s16], [sflag:$0x7], $0x80, s24, s15, $0xb8;
	[tilespmem:$0x1C200] =	vst v63  }
0x51: {  	v1 =	vld [tilespmem:s7+$0x27D0];
	_ =	sdelay $0x4  }
0x52: {  	[tilespmem:$0x13F80] =	vst v1  }
0x53: {  	v1 =	vld [tilespmem:s7+$0x27E0];
	_ =	sdelay $0x4  }
0x54: {  	[tilespmem:$0x13F90] =	vst v1  }
0x55: {  	v1 =	vld [tilespmem:s7+$0x27F0];
	_ =	sdelay $0x4  }
0x56: {  	s9 =	sand.u32 $0x3FE0, s9;
	[tilespmem:$0x13FA0] =	vst v1  }
0x57: {  	v1 =	vld [tilespmem:s9+$0x2800];
	_ =	sdelay $0x4  }
0x58: {  	[tilespmem:$0x13FB0] =	vst v1  }
0x59: {  	v1 =	vld [tilespmem:s7+$0x2810];
	_ =	sdelay $0x4  }
0x5a: {  	[tilespmem:$0x13FC0] =	vst v1  }
0x5b: {  	_ =	swait.ge [sflag:s25], $0x2800  }
0x5c: {  	[sflag:s25] =	ssyncset.done $0x0  }
0x5d: {  	[sflag:s25] =	ssyncadd.s32 $0xFFFFD800  }
0x5e: {  	[spmem:s2] =	stream.indirect.scatter.add.f32 [tilespmem:s17], [sflag:$0x8], $0x80, s26, s15, $0xb8;
	[tilespmem:$0x1C200] =	vst v63  }
0x5f: {  	v1 =	vld [tilespmem:s7+$0x2820];
	_ =	sdelay $0x4  }
0x60: {  	[tilespmem:$0x14000] =	vst v1  }
0x61: {  	v1 =	vld [tilespmem:s7+$0x2830];
	_ =	sdelay $0x4  }
0x62: {  	[tilespmem:$0x14010] =	vst v1  }
0x63: {  	v1 =	vld [tilespmem:s7+$0x2840];
	_ =	sdelay $0x4  }
0x64: {  	[tilespmem:$0x14020] =	vst v1  }
0x65: {  	v1 =	vld [tilespmem:s7+$0x2850];
	_ =	sdelay $0x4  }
0x66: {  	[tilespmem:$0x14030] =	vst v1  }
0x67: {  	v1 =	vld [tilespmem:s7+$0x2860];
	_ =	sdelay $0x4  }
0x68: {  	[tilespmem:$0x14040] =	vst v1  }
0x69: {  	_ =	swait.ge [sflag:s28], $0x2800  }
0x6a: {  	[sflag:s28] =	ssyncset.done $0x0  }
0x6b: {  	[sflag:s28] =	ssyncadd.s32 $0xFFFFD800  }
0x6c: {  	[spmem:s2] =	stream.indirect.scatter.add.f32 [tilespmem:s19], [sflag:$0x9], $0x80, s11, s15, $0xb8;
	[tilespmem:$0x1C200] =	vst v63  }
0x6d: {  	v1 =	vld [tilespmem:s7+$0x2870];
	_ =	sdelay $0x4  }
0x6e: {  	[tilespmem:$0x14080] =	vst v1  }
0x6f: {  	v1 =	vld [tilespmem:s9+$0x2880];
	_ =	sdelay $0x4  }
0x70: {  	[tilespmem:$0x14090] =	vst v1  }
0x71: {  	v1 =	vld [tilespmem:s7+$0x2890];
	_ =	sdelay $0x4  }
0x72: {  	[tilespmem:$0x140A0] =	vst v1  }
0x73: {  	v1 =	vld [tilespmem:s7+$0x28A0];
	_ =	sdelay $0x4  }
0x74: {  	[tilespmem:$0x140B0] =	vst v1  }
0x75: {  	v1 =	vld [tilespmem:s7+$0x28B0];
	_ =	sdelay $0x4  }
0x76: {  	[tilespmem:$0x140C0] =	vst v1  }
0x77: {  	_ =	swait.ge [sflag:s30], $0x2800  }
0x78: {  	[sflag:s30] =	ssyncset.done $0x0  }
0x79: {  	s11 =	simm.s32 $0x1E0;
	[sflag:s30] =	ssyncadd.s32 $0xFFFFD800  }
0x7a: {  	[tilespmem:s16], [sflag:$0x1] =	stream.indirect.gather [hbm4b:s4+s15], $0x80, s11, s15, $0xb8;
	[tilespmem:$0x1C200] =	vst v63  }
0x7b: {  	v1 =	vld [tilespmem:s7+$0x28C0];
	_ =	sdelay $0x4  }
0x7c: {  	[tilespmem:$0x14100] =	vst v1  }
0x7d: {  	v1 =	vld [tilespmem:s7+$0x28D0];
	_ =	sdelay $0x4  }
0x7e: {  	[tilespmem:$0x14110] =	vst v1  }
0x7f: {  	v1 =	vld [tilespmem:s7+$0x28E0];
	_ =	sdelay $0x4  }
0x80: {  	[tilespmem:$0x14120] =	vst v1  }
0x81: {  	v1 =	vld [tilespmem:s7+$0x28F0];
	_ =	sdelay $0x4  }
0x82: {  	[tilespmem:$0x14130] =	vst v1  }
0x83: {  	v1 =	vld [tilespmem:s9+$0x2900];
	_ =	sdelay $0x4  }
0x84: {  	[tilespmem:$0x14140] =	vst v1  }
0x85: {  	_ =	swait.ge [sflag:s31], $0x2800  }
0x86: {  	[sflag:s31] =	ssyncset.done $0x0  }
0x87: {  	s13 =	simm.s32 $0x230;
	[sflag:s31] =	ssyncadd.s32 $0xFFFFD800  }
0x88: {  	[tilespmem:s17], [sflag:$0x2] =	stream.indirect.gather [hbm4b:s4+s15], $0x80, s13, s15, $0xb8;
	[tilespmem:$0x1C200] =	vst v63  }
0x89: {  	v1 =	vld [tilespmem:s7+$0x2910];
	_ =	sdelay $0x4  }
0x8a: {  	[tilespmem:$0x14180] =	vst v1  }
0x8b: {  	v1 =	vld [tilespmem:s7+$0x2920];
	_ =	sdelay $0x4  }
0x8c: {  	[tilespmem:$0x14190] =	vst v1  }
0x8d: {  	v1 =	vld [tilespmem:s7+$0x2930];
	_ =	sdelay $0x4  }
0x8e: {  	[tilespmem:$0x141A0] =	vst v1  }
0x8f: {  	v1 =	vld [tilespmem:s7+$0x2940];
	_ =	sdelay $0x4  }
0x90: {  	[tilespmem:$0x141B0] =	vst v1  }
0x91: {  	v1 =	vld [tilespmem:s7+$0x2950];
	_ =	sdelay $0x4  }
0x92: {  	[tilespmem:$0x141C0] =	vst v1  }
0x93: {  	_ =	swait.ge [sflag:s0], $0x2800  }
0x94: {  	[sflag:s0] =	ssyncset.done $0x0  }
0x95: {  	s14 =	simm.s32 $0x280;
	[sflag:s0] =	ssyncadd.s32 $0xFFFFD800  }
0x96: {  	[tilespmem:s19], [sflag:$0x3] =	stream.indirect.gather [hbm4b:s4+s15], $0x80, s14, s15, $0xb8;
	[tilespmem:$0x1C200] =	vst v63  }
0x97: {  	_ =	swait.ge [sflag:s10], $0x2800  }
0x98: {  	[sflag:s10] =	ssyncset.done $0x0  }
0x99: {  	s24 =	simm.s32 $0x14080;
	[sflag:s10] =	ssyncadd.s32 $0xFFFFD800  }
0x9a: {  	[spmem:s2] =	stream.indirect.scatter.add.f32 [tilespmem:s20], [sflag:$0xA], $0x80, s24, s15, $0xb8;
	[tilespmem:$0x1C200] =	vst v63  }
0x9b: {  	_ =	swait.ge [sflag:s18], $0x2800  }
0x9c: {  	[sflag:s18] =	ssyncset.done $0x0  }
0x9d: {  	[sflag:s18] =	ssyncadd.s32 $0xFFFFD800  }
0x9e: {  	[spmem:s2] =	stream.indirect.scatter.add.f32 [tilespmem:s21], [sflag:$0xB], $0x80, s1, s15, $0xb8;
	[tilespmem:$0x1C200] =	vst v63  }
0x9f: {  	_ =	swait.ge [sflag:s3], $0x2800  }
0xa0: {  	[sflag:s3] =	ssyncset.done $0x0  }
0xa1: {  	s26 =	rddreg [dreg:$0x5];
	[sflag:s3] =	ssyncadd.s32 $0xFFFFD800  }
0xa2: {  	[spmem:s2] =	stream.indirect.scatter.add.f32 [tilespmem:s22], [sflag:$0xC], $0x80, s26, s15, $0xb8;
	[tilespmem:$0x1C200] =	vst v63  }
0xa3: {  	_ =	swait.ge [sflag:s5], $0x2800  }
0xa4: {  	[sflag:s5] =	ssyncset.done $0x0  }
0xa5: {  	[sflag:s5] =	ssyncadd.s32 $0xFFFFD800  }
0xa6: {  	_ =	swait.ge [sflag:s6], $0x2800  }
0xa7: {  	[sflag:s6] =	ssyncset.done $0x0  }
0xa8: {  	s11 =	simm.s32 $0x14000;
	[sflag:s6] =	ssyncadd.s32 $0xFFFFD800  }
0xa9: {  	s9 =	simm.s32 $0xF00;
	s13 =	simm.s32 $0x1E0;
	_ =	swait.ge [sflag:s8], $0x2800  }
0xaa: {  	s14 =	simm.s32 $0x1E0;
	s26 =	simm.s32 $0x13F00;
	[sflag:s8] =	ssyncset.done $0x0  }
.LBB2_4:
0xab: {  	s24 =	sadd.s32 $0xF0, s13;
	[sflag:s8] =	ssyncadd.s32 $0xFFFFD800  }
0xac: {  	[tilespmem:s20], [sflag:$0x4] =	stream.indirect.gather [hbm4b:s4+s15], $0x80, s24, s15, $0xb8;
	[tilespmem:$0x1C200] =	vst v63  }
0xad: {  	s24 =	sadd.s32 $0x140, s13  }
0xae: {  	[tilespmem:s21], [sflag:$0x5] =	stream.indirect.gather [hbm4b:s4+s15], $0x80, s24, s15, $0xb8;
	[tilespmem:$0x1C200] =	vst v63  }
0xaf: {  	s24 =	sadd.s32 $0x190, s13  }
0xb0: {  	[tilespmem:s22], [sflag:$0x6] =	stream.indirect.gather [hbm4b:s4+s15], $0x80, s24, s15, $0xb8;
	[tilespmem:$0x1C200] =	vst v63  }
0xb1: {  	v1 =	vld [tilespmem:s13+$0x2780];
	_ =	sdelay $0x4  }
0xb2: {  	[tilespmem:$0x13F00] =	vst v1  }
0xb3: {  	v1 =	vld [tilespmem:s13+$0x2790];
	_ =	sdelay $0x4  }
0xb4: {  	[tilespmem:$0x13F10] =	vst v1  }
0xb5: {  	v1 =	vld [tilespmem:s13+$0x27A0];
	_ =	sdelay $0x4  }
0xb6: {  	[tilespmem:$0x13F20] =	vst v1  }
0xb7: {  	v1 =	vld [tilespmem:s13+$0x27B0];
	_ =	sdelay $0x4  }
0xb8: {  	[tilespmem:$0x13F30] =	vst v1  }
0xb9: {  	v1 =	vld [tilespmem:s13+$0x27C0];
	_ =	sdelay $0x4  }
0xba: {  	[tilespmem:$0x13F40] =	vst v1  }
0xbb: {  	_ =	swait.ge [sflag:s23], $0x2800  }
0xbc: {  	[sflag:s23] =	ssyncset.done $0x0  }
0xbd: {  	[sflag:s23] =	ssyncadd.s32 $0xFFFFD800  }
0xbe: {  	[spmem:s2] =	stream.indirect.scatter.add.f32 [tilespmem:s16], [sflag:$0x7], $0x80, s26, s15, $0xb8;
	[tilespmem:$0x1C200] =	vst v63  }
0xbf: {  	v1 =	vld [tilespmem:s13+$0x27D0];
	_ =	sdelay $0x4  }
0xc0: {  	[tilespmem:$0x13F80] =	vst v1  }
0xc1: {  	v1 =	vld [tilespmem:s13+$0x27E0];
	_ =	sdelay $0x4  }
0xc2: {  	[tilespmem:$0x13F90] =	vst v1  }
0xc3: {  	v1 =	vld [tilespmem:s13+$0x27F0];
	_ =	sdelay $0x3  }
0xc4: {  	s12 =	smov.u32 s9  }
0xc5: {  	s7 =	sadd.s32 $0x780, s9;
	p0 =	sne.s32 s9, $0x8E80;
	s9 =	sand.u32 $0x3FE0, s14;
	[tilespmem:$0x13FA0] =	vst v1  }
0xc6: {  	v1 =	vld [tilespmem:s9+$0x2800];
	_ =	sdelay $0x4  }
0xc7: {  	[tilespmem:$0x13FB0] =	vst v1  }
0xc8: {  	v1 =	vld [tilespmem:s13+$0x2810];
	_ =	sdelay $0x4  }
0xc9: {  	[tilespmem:$0x13FC0] =	vst v1  }
0xca: {  	_ =	swait.ge [sflag:s25], $0x2800  }
0xcb: {  	[sflag:s25] =	ssyncset.done $0x0  }
0xcc: {  	[sflag:s25] =	ssyncadd.s32 $0xFFFFD800  }
0xcd: {  	[spmem:s2] =	stream.indirect.scatter.add.f32 [tilespmem:s17], [sflag:$0x8], $0x80, s29, s15, $0xb8;
	[tilespmem:$0x1C200] =	vst v63  }
0xce: {  	v1 =	vld [tilespmem:s13+$0x2820];
	_ =	sdelay $0x4  }
0xcf: {  	[tilespmem:$0x14000] =	vst v1  }
0xd0: {  	v1 =	vld [tilespmem:s13+$0x2830];
	_ =	sdelay $0x4  }
0xd1: {  	[tilespmem:$0x14010] =	vst v1  }
0xd2: {  	v1 =	vld [tilespmem:s13+$0x2840];
	_ =	sdelay $0x4  }
0xd3: {  	[tilespmem:$0x14020] =	vst v1  }
0xd4: {  	v1 =	vld [tilespmem:s13+$0x2850];
	_ =	sdelay $0x4  }
0xd5: {  	[tilespmem:$0x14030] =	vst v1  }
0xd6: {  	v1 =	vld [tilespmem:s13+$0x2860];
	_ =	sdelay $0x4  }
0xd7: {  	[tilespmem:$0x14040] =	vst v1  }
0xd8: {  	_ =	swait.ge [sflag:s28], $0x2800  }
0xd9: {  	[sflag:s28] =	ssyncset.done $0x0  }
0xda: {  	[sflag:s28] =	ssyncadd.s32 $0xFFFFD800  }
0xdb: {  	[spmem:s2] =	stream.indirect.scatter.add.f32 [tilespmem:s19], [sflag:$0x9], $0x80, s11, s15, $0xb8;
	[tilespmem:$0x1C200] =	vst v63  }
0xdc: {  	v1 =	vld [tilespmem:s13+$0x2870];
	_ =	sdelay $0x4  }
0xdd: {  	[tilespmem:$0x14080] =	vst v1  }
0xde: {  	v1 =	vld [tilespmem:s9+$0x2880];
	_ =	sdelay $0x4  }
0xdf: {  	[tilespmem:$0x14090] =	vst v1  }
0xe0: {  	v1 =	vld [tilespmem:s13+$0x2890];
	_ =	sdelay $0x4  }
0xe1: {  	[tilespmem:$0x140A0] =	vst v1  }
0xe2: {  	v1 =	vld [tilespmem:s13+$0x28A0];
	_ =	sdelay $0x4  }
0xe3: {  	[tilespmem:$0x140B0] =	vst v1  }
0xe4: {  	v1 =	vld [tilespmem:s13+$0x28B0];
	_ =	sdelay $0x4  }
0xe5: {  	[tilespmem:$0x140C0] =	vst v1  }
0xe6: {  	_ =	swait.ge [sflag:s30], $0x2800  }
0xe7: {  	[sflag:s30] =	ssyncset.done $0x0  }
0xe8: {  	s24 =	sadd.s32 $0x1E0, s13;
	[sflag:s30] =	ssyncadd.s32 $0xFFFFD800  }
0xe9: {  	[tilespmem:s16], [sflag:$0x1] =	stream.indirect.gather [hbm4b:s4+s15], $0x80, s24, s15, $0xb8;
	[tilespmem:$0x1C200] =	vst v63  }
0xea: {  	v1 =	vld [tilespmem:s13+$0x28C0];
	_ =	sdelay $0x4  }
0xeb: {  	[tilespmem:$0x14100] =	vst v1  }
0xec: {  	v1 =	vld [tilespmem:s13+$0x28D0];
	_ =	sdelay $0x4  }
0xed: {  	[tilespmem:$0x14110] =	vst v1  }
0xee: {  	v1 =	vld [tilespmem:s13+$0x28E0];
	_ =	sdelay $0x4  }
0xef: {  	[tilespmem:$0x14120] =	vst v1  }
0xf0: {  	v1 =	vld [tilespmem:s13+$0x28F0];
	_ =	sdelay $0x4  }
0xf1: {  	[tilespmem:$0x14130] =	vst v1  }
0xf2: {  	v1 =	vld [tilespmem:s9+$0x2900];
	_ =	sdelay $0x4  }
0xf3: {  	[tilespmem:$0x14140] =	vst v1  }
0xf4: {  	_ =	swait.ge [sflag:s31], $0x2800  }
0xf5: {  	[sflag:s31] =	ssyncset.done $0x0  }
0xf6: {  	s9 =	sadd.s32 $0x230, s13;
	[sflag:s31] =	ssyncadd.s32 $0xFFFFD800  }
0xf7: {  	[tilespmem:s17], [sflag:$0x2] =	stream.indirect.gather [hbm4b:s4+s15], $0x80, s9, s15, $0xb8;
	[tilespmem:$0x1C200] =	vst v63  }
0xf8: {  	v1 =	vld [tilespmem:s13+$0x2910];
	_ =	sdelay $0x4  }
0xf9: {  	[tilespmem:$0x14180] =	vst v1  }
0xfa: {  	v1 =	vld [tilespmem:s13+$0x2920];
	_ =	sdelay $0x4  }
0xfb: {  	[tilespmem:$0x14190] =	vst v1  }
0xfc: {  	v1 =	vld [tilespmem:s13+$0x2930];
	_ =	sdelay $0x4  }
0xfd: {  	[tilespmem:$0x141A0] =	vst v1  }
0xfe: {  	v1 =	vld [tilespmem:s13+$0x2940];
	_ =	sdelay $0x4  }
0xff: {  	[tilespmem:$0x141B0] =	vst v1  }
0x100: {  	v1 =	vld [tilespmem:s13+$0x2950];
	_ =	sdelay $0x4  }
0x101: {  	[tilespmem:$0x141C0] =	vst v1  }
0x102: {  	_ =	swait.ge [sflag:s0], $0x2800  }
0x103: {  	[sflag:s0] =	ssyncset.done $0x0  }
0x104: {  	s13 =	sadd.s32 $0x280, s13;
	[sflag:s0] =	ssyncadd.s32 $0xFFFFD800  }
0x105: {  	[tilespmem:s19], [sflag:$0x3] =	stream.indirect.gather [hbm4b:s4+s15], $0x80, s13, s15, $0xb8;
	[tilespmem:$0x1C200] =	vst v63  }
0x106: {  	_ =	swait.ge [sflag:s10], $0x2800  }
0x107: {  	[sflag:s10] =	ssyncset.done $0x0  }
0x108: {  	s24 =	simm.s32 $0x14080;
	[sflag:s10] =	ssyncadd.s32 $0xFFFFD800  }
0x109: {  	[spmem:s2] =	stream.indirect.scatter.add.f32 [tilespmem:s20], [sflag:$0xA], $0x80, s24, s15, $0xb8;
	[tilespmem:$0x1C200] =	vst v63  }
0x10a: {  	_ =	swait.ge [sflag:s18], $0x2800  }
0x10b: {  	[sflag:s18] =	ssyncset.done $0x0  }
0x10c: {  	[sflag:s18] =	ssyncadd.s32 $0xFFFFD800  }
0x10d: {  	[spmem:s2] =	stream.indirect.scatter.add.f32 [tilespmem:s21], [sflag:$0xB], $0x80, s1, s15, $0xb8;
	[tilespmem:$0x1C200] =	vst v63  }
0x10e: {  	_ =	swait.ge [sflag:s3], $0x2800  }
0x10f: {  	[sflag:s3] =	ssyncset.done $0x0  }
0x110: {  	s13 =	rddreg [dreg:$0x5];
	[sflag:s3] =	ssyncadd.s32 $0xFFFFD800  }
0x111: {  	[spmem:s2] =	stream.indirect.scatter.add.f32 [tilespmem:s22], [sflag:$0xC], $0x80, s13, s15, $0xb8;
	[tilespmem:$0x1C200] =	vst v63  }
0x112: {  	_ =	swait.ge [sflag:s5], $0x2800  }
0x113: {  	[sflag:s5] =	ssyncset.done $0x0  }
0x114: {  	[sflag:s5] =	ssyncadd.s32 $0xFFFFD800  }
.Ltmp1:
0x115: {  	_ =	swait.ge [sflag:s6], $0x2800;
	(pc) =	sbr.rel @p0 .LBB2_4-.Ltmp1, $4  }
0x116: {  	[sflag:s6] =	ssyncset.done $0x0  }
0x117: {  	[sflag:s6] =	ssyncadd.s32 $0xFFFFD800  }
0x118: {  	s14 =	sadd.s32 $0x1E0, s14;
	_ =	swait.ge [sflag:s8], $0x2800  }
0x119: {  	s9 =	smov.u32 s7;
	s13 =	sshra.s32 s12, $0x2;
	[sflag:s8] =	ssyncset.done $0x0  }
0x11a: {  	s7 =	sadd.s32 $0xF0, s13;
	[sflag:s8] =	ssyncadd.s32 $0xFFFFD800  }
0x11b: {  	[tilespmem:s20], [sflag:$0x4] =	stream.indirect.gather [hbm4b:s4+s15], $0x80, s7, s15, $0xb8;
	[tilespmem:$0x1C200] =	vst v63  }
0x11c: {  	s9 =	sadd.s32 $0x140, s13  }
0x11d: {  	[tilespmem:s21], [sflag:$0x5] =	stream.indirect.gather [hbm4b:s4+s15], $0x80, s9, s15, $0xb8;
	[tilespmem:$0x1C200] =	vst v63  }
0x11e: {  	s12 =	sadd.s32 $0x190, s13  }
0x11f: {  	[tilespmem:s22], [sflag:$0x6] =	stream.indirect.gather [hbm4b:s4+s15], $0x80, s12, s15, $0xb8;
	[tilespmem:$0x1C200] =	vst v63  }
0x120: {  	v1 =	vld [tilespmem:s13+$0x2780];
	_ =	sdelay $0x4  }
0x121: {  	[tilespmem:$0x13F00] =	vst v1  }
0x122: {  	v1 =	vld [tilespmem:s13+$0x2790];
	_ =	sdelay $0x4  }
0x123: {  	[tilespmem:$0x13F10] =	vst v1  }
0x124: {  	v1 =	vld [tilespmem:s13+$0x27A0];
	_ =	sdelay $0x4  }
0x125: {  	[tilespmem:$0x13F20] =	vst v1  }
0x126: {  	v1 =	vld [tilespmem:s13+$0x27B0];
	_ =	sdelay $0x4  }
0x127: {  	[tilespmem:$0x13F30] =	vst v1  }
0x128: {  	v1 =	vld [tilespmem:s13+$0x27C0];
	_ =	sdelay $0x4  }
0x129: {  	[tilespmem:$0x13F40] =	vst v1  }
0x12a: {  	_ =	swait.ge [sflag:s23], $0x2800  }
0x12b: {  	[sflag:s23] =	ssyncset.done $0x0  }
0x12c: {  	[sflag:s23] =	ssyncadd.s32 $0xFFFFD800  }
0x12d: {  	[spmem:s2] =	stream.indirect.scatter.add.f32 [tilespmem:s16], [sflag:$0x7], $0x80, s26, s15, $0xb8;
	[tilespmem:$0x1C200] =	vst v63  }
0x12e: {  	v1 =	vld [tilespmem:s13+$0x27D0];
	_ =	sdelay $0x4  }
0x12f: {  	[tilespmem:$0x13F80] =	vst v1  }
0x130: {  	v1 =	vld [tilespmem:s13+$0x27E0];
	_ =	sdelay $0x4  }
0x131: {  	[tilespmem:$0x13F90] =	vst v1  }
0x132: {  	v1 =	vld [tilespmem:s13+$0x27F0];
	_ =	sdelay $0x4  }
0x133: {  	s14 =	sand.u32 $0x3FE0, s14;
	[tilespmem:$0x13FA0] =	vst v1  }
0x134: {  	v1 =	vld [tilespmem:s14+$0x2800];
	_ =	sdelay $0x4  }
0x135: {  	[tilespmem:$0x13FB0] =	vst v1  }
0x136: {  	v1 =	vld [tilespmem:s13+$0x2810];
	_ =	sdelay $0x4  }
0x137: {  	[tilespmem:$0x13FC0] =	vst v1  }
0x138: {  	_ =	swait.ge [sflag:s25], $0x2800  }
0x139: {  	[sflag:s25] =	ssyncset.done $0x0  }
0x13a: {  	[sflag:s25] =	ssyncadd.s32 $0xFFFFD800  }
0x13b: {  	[spmem:s2] =	stream.indirect.scatter.add.f32 [tilespmem:s17], [sflag:$0x8], $0x80, s29, s15, $0xb8;
	[tilespmem:$0x1C200] =	vst v63  }
0x13c: {  	v1 =	vld [tilespmem:s13+$0x2820];
	_ =	sdelay $0x4  }
0x13d: {  	[tilespmem:$0x14000] =	vst v1  }
0x13e: {  	v1 =	vld [tilespmem:s13+$0x2830];
	_ =	sdelay $0x4  }
0x13f: {  	[tilespmem:$0x14010] =	vst v1  }
0x140: {  	v1 =	vld [tilespmem:s13+$0x2840];
	_ =	sdelay $0x4  }
0x141: {  	[tilespmem:$0x14020] =	vst v1  }
0x142: {  	v1 =	vld [tilespmem:s13+$0x2850];
	_ =	sdelay $0x4  }
0x143: {  	[tilespmem:$0x14030] =	vst v1  }
0x144: {  	v1 =	vld [tilespmem:s13+$0x2860];
	_ =	sdelay $0x4  }
0x145: {  	[tilespmem:$0x14040] =	vst v1  }
0x146: {  	_ =	swait.ge [sflag:s28], $0x2800  }
0x147: {  	[sflag:s28] =	ssyncset.done $0x0  }
0x148: {  	[sflag:s28] =	ssyncadd.s32 $0xFFFFD800  }
0x149: {  	[spmem:s2] =	stream.indirect.scatter.add.f32 [tilespmem:s19], [sflag:$0x9], $0x80, s11, s15, $0xb8;
	[tilespmem:$0x1C200] =	vst v63  }
0x14a: {  	v1 =	vld [tilespmem:s13+$0x2870];
	_ =	sdelay $0x4  }
0x14b: {  	[tilespmem:$0x14080] =	vst v1  }
0x14c: {  	v1 =	vld [tilespmem:s14+$0x2880];
	_ =	sdelay $0x4  }
0x14d: {  	[tilespmem:$0x14090] =	vst v1  }
0x14e: {  	v1 =	vld [tilespmem:s13+$0x2890];
	_ =	sdelay $0x4  }
0x14f: {  	[tilespmem:$0x140A0] =	vst v1  }
0x150: {  	v1 =	vld [tilespmem:s13+$0x28A0];
	_ =	sdelay $0x4  }
0x151: {  	[tilespmem:$0x140B0] =	vst v1  }
0x152: {  	v1 =	vld [tilespmem:s13+$0x28B0];
	_ =	sdelay $0x4  }
0x153: {  	[tilespmem:$0x140C0] =	vst v1  }
0x154: {  	_ =	swait.ge [sflag:s30], $0x2800  }
0x155: {  	[sflag:s30] =	ssyncset.done $0x0  }
0x156: {  	s9 =	sadd.s32 $0x1E0, s13;
	[sflag:s30] =	ssyncadd.s32 $0xFFFFD800  }
0x157: {  	[tilespmem:s16], [sflag:$0x1] =	stream.indirect.gather [hbm4b:s4+s15], $0x80, s9, s15, $0xb8;
	[tilespmem:$0x1C200] =	vst v63  }
0x158: {  	v1 =	vld [tilespmem:s13+$0x28C0];
	_ =	sdelay $0x4  }
0x159: {  	[tilespmem:$0x14100] =	vst v1  }
0x15a: {  	v1 =	vld [tilespmem:s13+$0x28D0];
	_ =	sdelay $0x4  }
0x15b: {  	[tilespmem:$0x14110] =	vst v1  }
0x15c: {  	v1 =	vld [tilespmem:s13+$0x28E0];
	_ =	sdelay $0x4  }
0x15d: {  	[tilespmem:$0x14120] =	vst v1  }
0x15e: {  	v1 =	vld [tilespmem:s13+$0x28F0];
	_ =	sdelay $0x4  }
0x15f: {  	[tilespmem:$0x14130] =	vst v1  }
0x160: {  	v1 =	vld [tilespmem:s14+$0x2900];
	_ =	sdelay $0x4  }
0x161: {  	[tilespmem:$0x14140] =	vst v1  }
0x162: {  	_ =	swait.ge [sflag:s31], $0x2800  }
0x163: {  	[sflag:s31] =	ssyncset.done $0x0  }
0x164: {  	s9 =	sadd.s32 $0x230, s13;
	[sflag:s31] =	ssyncadd.s32 $0xFFFFD800  }
0x165: {  	[tilespmem:s17], [sflag:$0x2] =	stream.indirect.gather [hbm4b:s4+s15], $0x80, s9, s15, $0xb8;
	[tilespmem:$0x1C200] =	vst v63  }
0x166: {  	v1 =	vld [tilespmem:s13+$0x2910];
	_ =	sdelay $0x4  }
0x167: {  	[tilespmem:$0x14180] =	vst v1  }
0x168: {  	v1 =	vld [tilespmem:s13+$0x2920];
	_ =	sdelay $0x4  }
0x169: {  	[tilespmem:$0x14190] =	vst v1  }
0x16a: {  	v1 =	vld [tilespmem:s13+$0x2930];
	_ =	sdelay $0x4  }
0x16b: {  	[tilespmem:$0x141A0] =	vst v1  }
0x16c: {  	v1 =	vld [tilespmem:s13+$0x2940];
	_ =	sdelay $0x4  }
0x16d: {  	[tilespmem:$0x141B0] =	vst v1  }
0x16e: {  	v1 =	vld [tilespmem:s13+$0x2950];
	_ =	sdelay $0x4  }
0x16f: {  	[tilespmem:$0x141C0] =	vst v1  }
0x170: {  	_ =	swait.ge [sflag:s0], $0x2800  }
0x171: {  	[sflag:s0] =	ssyncset.done $0x0  }
0x172: {  	s12 =	sadd.s32 $0x280, s13;
	[sflag:s0] =	ssyncadd.s32 $0xFFFFD800  }
0x173: {  	[tilespmem:s19], [sflag:$0x3] =	stream.indirect.gather [hbm4b:s4+s15], $0x80, s12, s15, $0xb8;
	[tilespmem:$0x1C200] =	vst v63  }
0x174: {  	_ =	swait.ge [sflag:s10], $0x2800  }
0x175: {  	[sflag:s10] =	ssyncset.done $0x0  }
0x176: {  	[sflag:s10] =	ssyncadd.s32 $0xFFFFD800  }
0x177: {  	[spmem:s2] =	stream.indirect.scatter.add.f32 [tilespmem:s20], [sflag:$0xA], $0x80, s24, s15, $0xb8;
	[tilespmem:$0x1C200] =	vst v63  }
0x178: {  	_ =	swait.ge [sflag:s18], $0x2800  }
0x179: {  	[sflag:s18] =	ssyncset.done $0x0  }
0x17a: {  	[sflag:s18] =	ssyncadd.s32 $0xFFFFD800  }
0x17b: {  	[spmem:s2] =	stream.indirect.scatter.add.f32 [tilespmem:s21], [sflag:$0xB], $0x80, s1, s15, $0xb8;
	[tilespmem:$0x1C200] =	vst v63  }
0x17c: {  	_ =	swait.ge [sflag:s3], $0x2800  }
0x17d: {  	[sflag:s3] =	ssyncset.done $0x0  }
0x17e: {  	s13 =	rddreg [dreg:$0x5];
	[sflag:s3] =	ssyncadd.s32 $0xFFFFD800  }
0x17f: {  	[spmem:s2] =	stream.indirect.scatter.add.f32 [tilespmem:s22], [sflag:$0xC], $0x80, s13, s15, $0xb8;
	[tilespmem:$0x1C200] =	vst v63  }
0x180: {  	_ =	swait.ge [sflag:s5], $0x2800  }
0x181: {  	[sflag:s5] =	ssyncset.done $0x0  }
0x182: {  	[sflag:s5] =	ssyncadd.s32 $0xFFFFD800  }
0x183: {  	_ =	swait.ge [sflag:s6], $0x2800  }
0x184: {  	[sflag:s6] =	ssyncset.done $0x0  }
0x185: {  	[sflag:s6] =	ssyncadd.s32 $0xFFFFD800  }
0x186: {  	_ =	swait.ge [sflag:s8], $0x2800  }
0x187: {  	[sflag:s8] =	ssyncset.done $0x0  }
0x188: {  	s14 =	simm.s32 $0x2670;
	[sflag:s8] =	ssyncadd.s32 $0xFFFFD800  }
0x189: {  	[tilespmem:s20], [sflag:$0x4] =	stream.indirect.gather [hbm4b:s4+s15], $0x80, s14, s15, $0xb8;
	[tilespmem:$0x1C200] =	vst v63  }
0x18a: {  	s9 =	simm.s32 $0x26C0  }
0x18b: {  	[tilespmem:s21], [sflag:$0x5] =	stream.indirect.gather [hbm4b:s4+s15], $0x80, s9, s15, $0xb8;
	[tilespmem:$0x1C200] =	vst v63  }
0x18c: {  	v1 =	vld [tilespmem:$0x4D00]  }
0x18d: {  	v2 =	vld [tilespmem:$0x4D10]  }
0x18e: {  	v3 =	vld [tilespmem:$0x4D20]  }
0x18f: {  	v4 =	vld [tilespmem:$0x4D30]  }
0x190: {  	v5 =	vld [tilespmem:$0x4D40]  }
0x191: {  	[tilespmem:$0x13F00] =	vst v1  }
0x192: {  	[tilespmem:$0x13F10] =	vst v2  }
0x193: {  	[tilespmem:$0x13F20] =	vst v3  }
0x194: {  	[tilespmem:$0x13F30] =	vst v4  }
0x195: {  	[tilespmem:$0x13F40] =	vst v5  }
0x196: {  	_ =	swait.ge [sflag:s23], $0x2800  }
0x197: {  	[sflag:s23] =	ssyncset.done $0x0  }
0x198: {  	[sflag:s23] =	ssyncadd.s32 $0xFFFFD800  }
0x199: {  	[spmem:s2] =	stream.indirect.scatter.add.f32 [tilespmem:s16], [sflag:$0x7], $0x80, s26, s15, $0xb8;
	[tilespmem:$0x1C200] =	vst v63  }
0x19a: {  	v1 =	vld [tilespmem:$0x4D50]  }
0x19b: {  	v2 =	vld [tilespmem:$0x4D60]  }
0x19c: {  	v3 =	vld [tilespmem:$0x4D70]  }
0x19d: {  	v56 =	vld [tilespmem:$0x4D80]  }
0x19e: {  	v57 =	vld [tilespmem:$0x4D90]  }
0x19f: {  	[tilespmem:$0x13F80] =	vst v1  }
0x1a0: {  	[tilespmem:$0x13F90] =	vst v2  }
0x1a1: {  	[tilespmem:$0x13FA0] =	vst v3  }
0x1a2: {  	[tilespmem:$0x13FB0] =	vst v56  }
0x1a3: {  	[tilespmem:$0x13FC0] =	vst v57  }
0x1a4: {  	_ =	swait.ge [sflag:s25], $0x2800  }
0x1a5: {  	[sflag:s25] =	ssyncset.done $0x0  }
0x1a6: {  	[sflag:s25] =	ssyncadd.s32 $0xFFFFD800  }
0x1a7: {  	[spmem:s2] =	stream.indirect.scatter.add.f32 [tilespmem:s17], [sflag:$0x8], $0x80, s29, s15, $0xb8;
	[tilespmem:$0x1C200] =	vst v63  }
0x1a8: {  	v1 =	vld [tilespmem:$0x4DA0]  }
0x1a9: {  	v2 =	vld [tilespmem:$0x4DB0]  }
0x1aa: {  	v3 =	vld [tilespmem:$0x4DC0]  }
0x1ab: {  	v58 =	vld [tilespmem:$0x4DD0]  }
0x1ac: {  	v59 =	vld [tilespmem:$0x4DE0]  }
0x1ad: {  	[tilespmem:$0x14000] =	vst v1  }
0x1ae: {  	[tilespmem:$0x14010] =	vst v2  }
0x1af: {  	[tilespmem:$0x14020] =	vst v3  }
0x1b0: {  	[tilespmem:$0x14030] =	vst v58  }
0x1b1: {  	[tilespmem:$0x14040] =	vst v59  }
0x1b2: {  	_ =	swait.ge [sflag:s28], $0x2800  }
0x1b3: {  	[sflag:s28] =	ssyncset.done $0x0  }
0x1b4: {  	[sflag:s28] =	ssyncadd.s32 $0xFFFFD800  }
0x1b5: {  	[spmem:s2] =	stream.indirect.scatter.add.f32 [tilespmem:s19], [sflag:$0x9], $0x80, s11, s15, $0xb8;
	[tilespmem:$0x1C200] =	vst v63  }
0x1b6: {  	v1 =	vld [tilespmem:$0x4DF0]  }
0x1b7: {  	v2 =	vld [tilespmem:$0x4E00]  }
0x1b8: {  	v3 =	vld [tilespmem:$0x4E10]  }
0x1b9: {  	v60 =	vld [tilespmem:$0x4E20]  }
0x1ba: {  	v61 =	vld [tilespmem:$0x4E30]  }
0x1bb: {  	[tilespmem:$0x14080] =	vst v1  }
0x1bc: {  	[tilespmem:$0x14090] =	vst v2  }
0x1bd: {  	[tilespmem:$0x140A0] =	vst v3  }
0x1be: {  	[tilespmem:$0x140B0] =	vst v60  }
0x1bf: {  	[tilespmem:$0x140C0] =	vst v61  }
0x1c0: {  	_ =	swait.ge [sflag:s10], $0x2800  }
0x1c1: {  	[sflag:s10] =	ssyncset.done $0x0  }
0x1c2: {  	[sflag:s10] =	ssyncadd.s32 $0xFFFFD800  }
0x1c3: {  	[spmem:s2] =	stream.indirect.scatter.add.f32 [tilespmem:s20], [sflag:$0xA], $0x80, s24, s15, $0xb8;
	[tilespmem:$0x1C200] =	vst v63  }
0x1c4: {  	v1 =	vld [tilespmem:$0x4E40]  }
0x1c5: {  	v2 =	vld [tilespmem:$0x4E50]  }
0x1c6: {  	v3 =	vld [tilespmem:$0x4E60]  }
0x1c7: {  	v62 =	vld [tilespmem:$0x4E70]  }
0x1c8: {  	v63 =	vld [tilespmem:$0x4E80]  }
0x1c9: {  	[tilespmem:$0x14100] =	vst v1  }
0x1ca: {  	[tilespmem:$0x14110] =	vst v2  }
0x1cb: {  	[tilespmem:$0x14120] =	vst v3  }
0x1cc: {  	[tilespmem:$0x14130] =	vst v62  }
0x1cd: {  	[tilespmem:$0x14140] =	vst v63  }
0x1ce: {  	_ =	swait.ge [sflag:s18], $0x2800  }
0x1cf: {  	[sflag:s18] =	ssyncset.done $0x0  }
0x1d0: {  	[sflag:s18] =	ssyncadd.s32 $0xFFFFD800  }
0x1d1: {  	[spmem:s2] =	stream.indirect.scatter.add.f32 [tilespmem:s21], [sflag:$0xB], $0x80, s1, s15, $0xb8;
	[tilespmem:$0x1C200] =	vst v63  }
0x1d2: {  	_ =	swait.ge [sflag:s30], $0x2800  }
0x1d3: {  	[sflag:s30] =	ssyncset.done $0x0  }
0x1d4: {  	[sflag:s30] =	ssyncadd.s32 $0xFFFFD800  }
0x1d5: {  	_ =	swait.ge [sflag:s31], $0x2800  }
0x1d6: {  	[sflag:s31] =	ssyncset.done $0x0  }
0x1d7: {  	[sflag:s31] =	ssyncadd.s32 $0xFFFFD800  }
0x1d8: {  	_ =	swait.ge [sflag:s0], $0x2800  }
0x1d9: {  	[sflag:s0] =	ssyncset.done $0x0  }
0x1da: {  	[sflag:s0] =	ssyncadd.s32 $0xFFFFD800  }
0x1db: {  	_ =	swait.ge [sflag:s5], $0x2800  }
0x1dc: {  	[sflag:s5] =	ssyncset.done $0x0  }
0x1dd: {  	[sflag:s5] =	ssyncadd.s32 $0xFFFFD800  }
0x1de: {  	_ =	swait.ge [sflag:s6], $0x2800  }
0x1df: {  	[sflag:s6] =	ssyncset.done $0x0  }
0x1e0: {  	[sflag:s6] =	ssyncadd.s32 $0xFFFFD800  }
0x1e1: {  	s12 =	stileid.u32;
	[bflag:$0x0] =	sbarrier.arrive $0xFFFF  }
0x1e2: {  	s7 =	sshll.u32 s12, $0x6;
	s12 =	rddreg [dreg:$0x8]  }
0x1e3: {  	s7 =	sor.u32 $0x1C0F, s7;
	s14 =	rddreg [dreg:$0x9];
	s13 =	sshrl.u32 s12, $0x3  }
0x1e4: {  	[hbm:s14], [sflag:s7] =	dma.local [spmem:s13], $0x800  }
0x1e5: {  	s14 =	simm.s32 $0xF  }
0x1e6: {  	_ =	swait.ge [sflag:s14], $0x800  }
0x1e7: {  	s24 =	rddreg [dreg:$0xb]  }
0x1e8: {  	s26 =	rddreg [dreg:$0xa];
	s9 =	sadd.s32 $0x1, s24  }
0x1e9: {  	p0 =	sne.s32 s9, s26  }
.Ltmp2:
0x1ea: {  	_ = 	snop;
	(pc) =	sbr.rel @p0 .LBB2_1-.Ltmp2, $3  }
0x1eb: {  	_ =	sdelay $0x1  }
0x1ec: {  	s11 =	simm.s32 $0x14000;
	[sflag:s14] =	ssyncset.done $0x0  }
0x1ed: {  	[sflag:s14] =	ssyncadd.s32 $0xFFFFF800;
	s24 =	simm.s32 $0x13F00;
	s26 =	simm.s32 $0x13F80  }
0x1ee: {  	_ =	sfence.sel $0x180000  }
0x1ef: {  	[bflag:$0x0] =	sbarrier.arrive $0xFFFF  }
0x1f0: {  	_ =	strace $0x9000004A  }
0x1f1: {  	s0 =	stileid.u32;
	[bflag:$0x2] =	sbarrier.arrive $0xFFFF  }
0x1f2: {  	p0 =	sne.s32 s0, $0x0;
	s0 =	rddreg [dreg:$0x4]  }
0x1f3: {  	s0 =	sadd.s32 @!p0 $0x100000, s0  }
0x1f4: {  	[sflag:s0] =	ssyncadd.tile.s32 @!p0 $0x1;
	_ =	shalt  }
.Lfunc_end2:
_tile_overlayer_lowered:
.L_overlay_start_2:
0x1f5: {  	(tag) =	ssettag $0x2  }
0x1f6: {  	s0 =	rddreg [dreg:$0x0];
	s2 =	stileid.u32  }
0x1f7: {  	s1 =	rddreg [dreg:$0x1];
	p0 =	sne.s32 s2, $0x0  }
0x1f8: {  	s3 =	rddreg [dreg:$0x2];
	[bflag:$0x3] =	sbarrier.arrive $0xFFFF;
	s2 =	simm.s32 @!p0 $0x1C0F  }
0x1f9: {  	[timem:s3], [sflag:s2] =	dma.local @!p0 [hbm:s0], s1  }
0x1fa: {  	s0 =	simm.s32 @!p0 $0xF  }
0x1fb: {  	_ =	swait.ge @!p0 [sflag:s0], s1  }
0x1fc: {  	s1 =	ssub.s32 @!p0 $0x0, s1;
	[sflag:s0] =	ssyncset.done @!p0 $0x0  }
0x1fd: {  	[sflag:s0] =	ssyncadd.s32 @!p0 s1  }
0x1fe: {  	[bflag:$0x3] =	sbarrier.arrive $0xFFFF  }
0x1ff: {  	_ =	shalt  }

</sc_bundles>
